<compile_context>
chip_gen: v7x
topology: tpu7x:2x2x1
jax: 0.10.2.dev20260603
libtpu: 0.0.44.dev20260713+nightly
codegen_flags: <defaults>
</compile_context>

<pallas_src>
import dataclasses
import functools

import jax
import jax.numpy as jnp
from jax import lax
from jax.experimental import pallas as pl
from jax.experimental.pallas import tpu as pltpu
from jax.experimental.pallas import tpu_sc as plsc

N = 10000
E = 320000
CH_IN = 128
CH_OUT = 128

NC = 2
NS = 16
NW = NC * NS
PT = E // NW
CH = 80
NCHUNK = PT // CH
RING = 3
RPT = 632
R_LAST = N - RPT

HB = 10240
HROWS = HB // 128

_MESH = plsc.VectorSubcoreMesh(core_axis_name="c", subcore_axis_name="s")

_CP = pltpu.CompilerParams()
if "needs_layout_passes" in pltpu.CompilerParams.__dataclass_fields__:
    _CP = dataclasses.replace(_CP, needs_layout_passes=False)



@functools.partial(
    pl.kernel,
    out_type=jax.ShapeDtypeStruct((NC, HROWS, 128), jnp.float32),
    mesh=_MESH,
    scratch_types=[
        pltpu.VMEM((PT,), jnp.int32),
        pltpu.VMEM((HROWS, 128), jnp.float32),
        pltpu.VMEM((HROWS,), jnp.int32),
        pltpu.VMEM_SHARED((HROWS, 128), jnp.float32),
    ],
    compiler_params=_CP,
)
def _sc_degree(dst_hbm, zrow_hbm, out_hbm, dstb, hist, iota_v, deg_sh):
    cid = lax.axis_index("c")
    sid = lax.axis_index("s")
    wid = sid * NC + cid

    @pl.when(sid == 0)
    def _():
        pltpu.sync_copy(zrow_hbm, deg_sh)

    zero16 = jnp.zeros((16,), jnp.float32)

    @pl.loop(0, HROWS)
    def _(r):
        @pl.loop(0, 8)
        def _(k):
            hist[r, pl.ds(k * 16, 16)] = zero16

    @pl.loop(0, HROWS // 16)
    def _(k):
        iota_v[pl.ds(k * 16, 16)] = lax.iota(jnp.int32, 16) + k * 16

    pltpu.sync_copy(dst_hbm.at[wid], dstb)

    @pl.loop(0, PT // 16)
    def _(i):
        v = dstb[pl.ds(i * 16, 16)]
        cnt, last = plsc.scan_count(v)
        row = lax.shift_right_logical(v, 7)
        col = lax.bitwise_and(v, 127)
        plsc.addupdate_scatter(hist, [row, col], cnt.astype(jnp.float32),
                               mask=last)

    plsc.subcore_barrier()
    pltpu.sync_copy(hist, deg_sh.at[iota_v], add=True)
    plsc.subcore_barrier()

    @pl.when(sid == 0)
    def _():
        pltpu.sync_copy(deg_sh, out_hbm.at[cid])


@functools.partial(
    pl.kernel,
    out_type=jax.ShapeDtypeStruct((NC, N, CH_OUT), jnp.float32),
    mesh=_MESH,
    scratch_types=[
        pltpu.VMEM((2 * RING, CH), jnp.int32),
        pltpu.VMEM((2 * RING, CH), jnp.int32),
        [pltpu.VMEM((CH, CH_OUT), jnp.float32)] * RING,
        pltpu.VMEM_SHARED((N, CH_OUT), jnp.float32),
        [pltpu.SemaphoreType.DMA] * RING,
        [pltpu.SemaphoreType.DMA] * RING,
        [pltpu.SemaphoreType.DMA] * (2 * RING),
    ],
)
def _sc_aggregate(y_hbm, src_hbm, dst_hbm, z128_hbm, out_hbm,
                  srcv, dstv, rows, acc_sh, gsem, ssem, isem):
    cid = lax.axis_index("c")
    sid = lax.axis_index("s")
    wid = sid * NC + cid
    r0 = jnp.minimum(sid * RPT, R_LAST)

    src_t = src_hbm.at[wid]
    dst_t = dst_hbm.at[wid]

    @pl.when(cid == 0)
    def _():
        pltpu.sync_copy(y_hbm.at[pl.ds(r0, RPT)], acc_sh.at[pl.ds(r0, RPT)])

    @pl.when(cid != 0)
    def _():
        pltpu.sync_copy(z128_hbm, acc_sh.at[pl.ds(r0, RPT)])

    plsc.subcore_barrier()

    def istart(c, i):
        pltpu.async_copy(src_t.at[c], srcv.at[i], isem[i])
        pltpu.async_copy(dst_t.at[c], dstv.at[i], isem[i])

    def iwait(i):
        pltpu.make_async_copy(src_t.at[0], srcv.at[i], isem[i]).wait()
        pltpu.make_async_copy(dst_t.at[0], dstv.at[i], isem[i]).wait()

    def gstart(b, i):
        pltpu.async_copy(y_hbm.at[srcv.at[i]], rows[b], gsem[b])

    def gwait(b):
        pltpu.make_async_copy(y_hbm.at[srcv.at[0]], rows[b], gsem[b]).wait()

    def sstart(b, i):
        pltpu.async_copy(rows[b], acc_sh.at[dstv.at[i]], ssem[b], add=True)

    def swait(b):
        pltpu.make_async_copy(rows[b], acc_sh.at[dstv.at[0]], ssem[b]).wait()

    GRP = 2 * RING
    for i in range(GRP):
        istart(i, i)

    NMAIN = NCHUNK // GRP * GRP

    @pl.loop(0, NMAIN // GRP)
    def _(q):
        c0 = q * GRP
        for b in range(RING):
            iwait(b)
            gstart(b, b)
        for b in range(RING):
            gwait(b)
            sstart(b, b)
        for b in range(RING):
            swait(b)
            istart(c0 + GRP + b, b)
            iwait(b + RING)
            gstart(b, b + RING)
        for b in range(RING):
            gwait(b)
            sstart(b, b + RING)
        for b in range(RING):
            swait(b)

            @pl.when(c0 + GRP + RING + b < NCHUNK)
            def _():
                istart(c0 + GRP + RING + b, b + RING)

    rem = NCHUNK - NMAIN
    w1 = min(rem, RING)
    for j in range(w1):
        iwait(j)
        gstart(j, j)
    for j in range(w1):
        gwait(j)
        sstart(j, j)
    for j in range(RING, rem):
        b = j - RING
        swait(b)
        iwait(j)
        gstart(b, j)
    for j in range(RING, rem):
        b = j - RING
        gwait(b)
        sstart(b, j)
    for b in range(w1):
        swait(b)

    plsc.subcore_barrier()
    pltpu.sync_copy(acc_sh.at[pl.ds(r0, RPT)], out_hbm.at[cid].at[pl.ds(r0, RPT)])



def _prep_body(x_ref, w_ref, degp_ref, y_ref):
    deg = 1.0 + (degp_ref[0] + degp_ref[1]).reshape(HB)[:N]
    dis = lax.rsqrt(deg)
    xw = jnp.dot(x_ref[...], w_ref[...], preferred_element_type=jnp.float32)
    y_ref[...] = xw * dis[:, None]


def _out_body(accp_ref, degp_ref, b_ref, o_ref):
    deg = 1.0 + (degp_ref[0] + degp_ref[1]).reshape(o_ref.shape[0])
    dis = lax.rsqrt(deg)
    s = accp_ref[0] + accp_ref[1]
    o_ref[...] = s * dis[:, None] + b_ref[...]


def kernel(x, edge_index, W, b):
    ei = edge_index.astype(jnp.int32)
    src3 = ei[0].reshape(NW, NCHUNK, CH)
    dst3 = ei[1].reshape(NW, NCHUNK, CH)
    dst2 = ei[1].reshape(NW, PT)
    zrow = jnp.zeros((HROWS, 128), jnp.float32)
    z128 = jnp.zeros((RPT, CH_OUT), jnp.float32)
    b2 = b.reshape(1, CH_OUT).astype(jnp.float32)

    degp = _sc_degree(dst2, zrow)

    y = pl.pallas_call(
        _prep_body,
        out_shape=jax.ShapeDtypeStruct((N, CH_OUT), jnp.float32),
    )(x, W, degp)

    accp = _sc_aggregate(y, src3, dst3, z128)

    out = pl.pallas_call(
        _out_body,
        out_shape=jax.ShapeDtypeStruct((N, CH_OUT), jnp.float32),
        grid=(10,),
        in_specs=[
            pl.BlockSpec((NC, 1024, CH_OUT), lambda i: (0, i, 0)),
            pl.BlockSpec((NC, 8, 128), lambda i: (0, i, 0)),
            pl.BlockSpec((1, CH_OUT), lambda i: (0, 0)),
        ],
        out_specs=pl.BlockSpec((1024, CH_OUT), lambda i: (i, 0)),
    )(accp, degp, b2)
    return out

# --- scband reference (transcript-rebuilt; emitter-appended) ---
"""Pipeline reference for scband-graph-conv-layer-28140625724201 (READ-ONLY COPY).

The authoritative reference and input builder live on the scoring server;
editing this copy changes nothing except your own understanding.
"""

import jax, jax.numpy as jnp
import numpy as np

N_NODES = 10000
N_EDGES = 320000
IN_CH = 128
OUT_CH = 128


def setup_inputs(seed: int = 0) -> dict:
    key = jax.random.key(seed)
    k1, k2, k3, k4 = jax.random.split(key, 4)
    x = jax.random.normal(k1, (N_NODES, IN_CH), dtype=jnp.float32)
    edge_index = jax.random.randint(k2, (2, N_EDGES), 0, N_NODES, dtype=jnp.int64)
    # GCNConv learned params: linear weight [in, out] (glorot) and bias [out] (zeros init in PyG)
    limit = float(np.sqrt(6.0 / (IN_CH + OUT_CH)))
    W = jax.random.uniform(k3, (IN_CH, OUT_CH), dtype=jnp.float32, minval=-limit, maxval=limit)
    b = jnp.zeros((OUT_CH,), dtype=jnp.float32)
    return {"x": x, "edge_index": edge_index, "W": W, "b": b}


def reference(x, edge_index, W, b):
    # Faithful GCNConv (PyG defaults): add self-loops, symmetric normalization,
    # linear transform first, then propagate (gather-src -> scale -> scatter-add-dst), then bias.
    N = x.shape[0]
    src = edge_index[0]
    dst = edge_index[1]
    loop = jnp.arange(N, dtype=edge_index.dtype)
    src = jnp.concatenate([src, loop], axis=0)
    dst = jnp.concatenate([dst, loop], axis=0)

    xw = x @ W  # [N, OUT_CH]

    ones = jnp.ones(src.shape[0], dtype=xw.dtype)
    deg = jnp.zeros((N,), dtype=xw.dtype).at[dst].add(ones)
    deg_inv_sqrt = jnp.where(deg > 0, jax.lax.rsqrt(deg), 0.0)
    norm = deg_inv_sqrt[src] * deg_inv_sqrt[dst]  # [E+N]

    msgs = norm[:, None] * jnp.take(xw, src, axis=0)  # gather + scale
    out = jnp.zeros((N, xw.shape[1]), dtype=xw.dtype).at[dst].add(msgs)  # scatter-add
    return out + b

if __name__ == "__main__":
    import jax
    _d = setup_inputs()
    print(jax.jit(kernel)(*tuple(_d.values())))

</pallas_src>

<mosaic_0001>
#map = affine_map<(d0, d1) -> (0, 0)>
#map1 = affine_map<(d0, d1) -> (0, 0, 0)>
module attributes {stable_mosaic.version = 14 : i64} {
  func.func @_sc_degree(%arg0: i32, %arg1: i32, %arg2: memref<32x10000xi32, #tpu.memory_space<hbm>>, %arg3: memref<80x128xf32, #tpu.memory_space<hbm>>, %arg4: memref<2x80x128xf32, #tpu.memory_space<hbm>>, %arg5: memref<10000xi32, #tpu.memory_space<vmem>>, %arg6: memref<80x128xf32, #tpu.memory_space<vmem>>, %arg7: memref<80xi32, #tpu.memory_space<vmem>>, %arg8: memref<80x128xf32, #tpu.memory_space<vmem_shared>>) attributes {dimension_semantics = [#tpu.dimension_semantics<core_parallel>, #tpu.dimension_semantics<subcore_parallel>], iteration_bounds = array<i64: 2, 16>, scalar_prefetch = 0 : i64, scratch_operands = 4 : i64, tpu.core_type = #tpu.core_type<sc_vector_subcore>, window_params = [{transform_indices = #map}, {transform_indices = #map}, {transform_indices = #map1}]} {
    %mul3A = arith.constant 2 : i32
    %mul3A_0 = arith.muli %arg1, %mul3A : i32
    %add3A = arith.addi %mul3A_0, %arg0 : i32
    %eq3A = arith.constant 0 : i32
    %eq3A_1 = arith.cmpi eq, %arg1, %eq3A : i32
    %convert_element_type3A = arith.extui %eq3A_1 : i1 to i32
    %cond3A = arith.constant 0 : i32
    %cond3A_2 = arith.cmpi ne, %convert_element_type3A, %cond3A : i32
    scf.if %cond3A_2 {
      "tpu.region"() ({
        %run_scoped3A = tpu.sem_alloc : memref<!tpu.dma_semaphore, #tpu.memory_space<semaphore_mem>>
        tpu.enqueue_dma source(%arg3 : memref<80x128xf32, #tpu.memory_space<hbm>>) target(%arg8 : memref<80x128xf32, #tpu.memory_space<vmem_shared>>) target_semaphore(%run_scoped3A : memref<!tpu.dma_semaphore, #tpu.memory_space<semaphore_mem>>)
        tpu.wait_dma2 semaphore(%run_scoped3A : memref<!tpu.dma_semaphore, #tpu.memory_space<semaphore_mem>>) src(%arg3 : memref<80x128xf32, #tpu.memory_space<hbm>>) dst(%arg8 : memref<80x128xf32, #tpu.memory_space<vmem_shared>>)
        tpu.yield
      }) : () -> ()
    } else {
    }
    %broadcast_in_dim3A = arith.constant 0.000000e+00 : f32
    %broadcast_in_dim3A_3 = vector.broadcast %broadcast_in_dim3A : f32 to vector<16xf32>
    %scan3A = arith.constant 0 : i32
    %scan3A_4 = arith.constant 80 : i32
    %scan3A_5 = arith.addi %scan3A, %scan3A_4 : i32
    %scan3A_6 = arith.constant 1 : i32
    scf.for %scan3A_24 = %scan3A to %scan3A_5 step %scan3A_6  : i32 {
      %mul3A_25 = arith.constant 1 : i32
      %mul3A_26 = arith.muli %scan3A_24, %mul3A_25 : i32
      %add3A_27 = arith.constant 0 : i32
      %add3A_28 = arith.addi %add3A_27, %mul3A_26 : i32
      %scan3A_29 = arith.constant 0 : i32
      %scan3A_30 = arith.constant 8 : i32
      %scan3A_31 = arith.addi %scan3A_29, %scan3A_30 : i32
      %scan3A_32 = arith.constant 1 : i32
      scf.for %scan3A_34 = %scan3A_29 to %scan3A_31 step %scan3A_32  : i32 {
        %mul3A_35 = arith.constant 1 : i32
        %mul3A_36 = arith.muli %scan3A_34, %mul3A_35 : i32
        %add3A_37 = arith.constant 0 : i32
        %add3A_38 = arith.addi %add3A_37, %mul3A_36 : i32
        %mul3A_39 = arith.constant 16 : i32
        %mul3A_40 = arith.muli %add3A_38, %mul3A_39 : i32
        %swap3A = arith.index_cast %add3A_28 : i32 to index
        %swap3A_41 = arith.index_cast %mul3A_40 : i32 to index
        %swap3A_42 = tpu.vector_load %arg6[%swap3A, %swap3A_41] {strides = array<i32>} : memref<80x128xf32, #tpu.memory_space<vmem>>, vector<16xf32>,
        tpu.vector_store %arg6[%swap3A, %swap3A_41], %broadcast_in_dim3A_3 {strides = array<i32>} : memref<80x128xf32, #tpu.memory_space<vmem>>, vector<16xf32>,
      }
      %scan3A_33 = arith.constant 8 : i32
    }
    %scan3A_7 = arith.constant 80 : i32
    %scan3A_8 = arith.constant 0 : i32
    %scan3A_9 = arith.constant 5 : i32
    %scan3A_10 = arith.addi %scan3A_8, %scan3A_9 : i32
    %scan3A_11 = arith.constant 1 : i32
    scf.for %scan3A_24 = %scan3A_8 to %scan3A_10 step %scan3A_11  : i32 {
      %mul3A_25 = arith.constant 1 : i32
      %mul3A_26 = arith.muli %scan3A_24, %mul3A_25 : i32
      %add3A_27 = arith.constant 0 : i32
      %add3A_28 = arith.addi %add3A_27, %mul3A_26 : i32
      %iota3A = tpu.iota {dimensions = array<i32: 0>} : vector<16xi32>
      %mul3A_29 = arith.constant 16 : i32
      %mul3A_30 = arith.muli %add3A_28, %mul3A_29 : i32
      %add3A_31 = vector.broadcast %mul3A_30 : i32 to vector<16xi32>
      %add3A_32 = arith.addi %iota3A, %add3A_31 : vector<16xi32>
      %mul3A_33 = arith.constant 16 : i32
      %mul3A_34 = arith.muli %add3A_28, %mul3A_33 : i32
      %swap3A = arith.index_cast %mul3A_34 : i32 to index
      %swap3A_35 = tpu.vector_load %arg7[%swap3A] {strides = array<i32>} : memref<80xi32, #tpu.memory_space<vmem>>, vector<16xi32>,
      tpu.vector_store %arg7[%swap3A], %add3A_32 {strides = array<i32>} : memref<80xi32, #tpu.memory_space<vmem>>, vector<16xi32>,
    }
    %scan3A_12 = arith.constant 5 : i32
    "tpu.region"() ({
      %run_scoped3A = tpu.sem_alloc : memref<!tpu.dma_semaphore, #tpu.memory_space<semaphore_mem>>
      %dma_start3A = arith.constant 0 : i32
      %dma_start3A_24 = tpu.memref_slice %arg2[%add3A, %dma_start3A] : memref<32x10000xi32, #tpu.memory_space<hbm>> -> memref<1x10000xi32, #tpu.memory_space<hbm>>
      %dma_start3A_25 = tpu.memref_squeeze %dma_start3A_24 : memref<1x10000xi32, #tpu.memory_space<hbm>> -> memref<10000xi32, #tpu.memory_space<hbm>>
      %dma_start3A_26 = arith.constant 0 : i32
      %dma_start3A_27 = tpu.memref_slice %arg2[%add3A, %dma_start3A_26] : memref<32x10000xi32, #tpu.memory_space<hbm>> -> memref<1x10000xi32, #tpu.memory_space<hbm>>
      %dma_start3A_28 = tpu.memref_squeeze %dma_start3A_27 : memref<1x10000xi32, #tpu.memory_space<hbm>> -> memref<10000xi32, #tpu.memory_space<hbm>>
      tpu.enqueue_dma source(%dma_start3A_28 : memref<10000xi32, #tpu.memory_space<hbm>>) target(%arg5 : memref<10000xi32, #tpu.memory_space<vmem>>) target_semaphore(%run_scoped3A : memref<!tpu.dma_semaphore, #tpu.memory_space<semaphore_mem>>)
      %dma_wait3A = arith.constant 0 : i32
      %dma_wait3A_29 = tpu.memref_slice %arg2[%add3A, %dma_wait3A] : memref<32x10000xi32, #tpu.memory_space<hbm>> -> memref<1x10000xi32, #tpu.memory_space<hbm>>
      %dma_wait3A_30 = tpu.memref_squeeze %dma_wait3A_29 : memref<1x10000xi32, #tpu.memory_space<hbm>> -> memref<10000xi32, #tpu.memory_space<hbm>>
      %dma_wait3A_31 = arith.constant 0 : i32
      %dma_wait3A_32 = tpu.memref_slice %arg2[%add3A, %dma_wait3A_31] : memref<32x10000xi32, #tpu.memory_space<hbm>> -> memref<1x10000xi32, #tpu.memory_space<hbm>>
      %dma_wait3A_33 = tpu.memref_squeeze %dma_wait3A_32 : memref<1x10000xi32, #tpu.memory_space<hbm>> -> memref<10000xi32, #tpu.memory_space<hbm>>
      tpu.wait_dma2 semaphore(%run_scoped3A : memref<!tpu.dma_semaphore, #tpu.memory_space<semaphore_mem>>) src(%dma_wait3A_33 : memref<10000xi32, #tpu.memory_space<hbm>>) dst(%arg5 : memref<10000xi32, #tpu.memory_space<vmem>>)
      tpu.yield
    }) : () -> ()
    %scan3A_13 = arith.constant 0 : i32
    %scan3A_14 = arith.constant 625 : i32
    %scan3A_15 = arith.addi %scan3A_13, %scan3A_14 : i32
    %scan3A_16 = arith.constant 1 : i32
    scf.for %scan3A_24 = %scan3A_13 to %scan3A_15 step %scan3A_16  : i32 {
      %mul3A_25 = arith.constant 1 : i32
      %mul3A_26 = arith.muli %scan3A_24, %mul3A_25 : i32
      %add3A_27 = arith.constant 0 : i32
      %add3A_28 = arith.addi %add3A_27, %mul3A_26 : i32
      %mul3A_29 = arith.constant 16 : i32
      %mul3A_30 = arith.muli %add3A_28, %mul3A_29 : i32
      %get3A = arith.index_cast %mul3A_30 : i32 to index
      %get3A_31 = tpu.vector_load %arg5[%get3A] {strides = array<i32>} : memref<10000xi32, #tpu.memory_space<vmem>>, vector<16xi32>,
      %broadcast_in_dim3A_32 = arith.constant true
      %broadcast_in_dim3A_33 = vector.broadcast %broadcast_in_dim3A_32 : i1 to vector<16xi1>
      %unique3A, %unique3A_34 = tpu.scan_count mask(%broadcast_in_dim3A_33 : vector<16xi1>) value(%get3A_31 : vector<16xi32>) : vector<16xi1>, vector<16xi32>
      %shift_right_logical3A = arith.constant 7 : i32
      %shift_right_logical3A_35 = vector.broadcast %shift_right_logical3A : i32 to vector<16xi32>
      %shift_right_logical3A_36 = arith.shrui %get3A_31, %shift_right_logical3A_35 : vector<16xi32>
      %and3A = arith.constant 127 : i32
      %and3A_37 = vector.broadcast %and3A : i32 to vector<16xi32>
      %and3A_38 = arith.andi %get3A_31, %and3A_37 : vector<16xi32>
      %convert_element_type3A_39 = arith.sitofp %unique3A_34 : vector<16xi32> to vector<16xf32>
      tpu.vector_store_idx %arg6[%shift_right_logical3A_36, %and3A_38], %convert_element_type3A_39 masked %unique3A {add = true} : memref<80x128xf32, #tpu.memory_space<vmem>>[vector<16xi32>, vector<16xi32>], vector<16xf32>, vector<16xi1>
    }
    %scan3A_17 = arith.constant 625 : i32
    %barrier3A = arith.constant 0 : index
    tpu.barrier barrier_id(%barrier3A)
    "tpu.region"() ({
      %run_scoped3A = tpu.sem_alloc : memref<!tpu.dma_semaphore, #tpu.memory_space<semaphore_mem>>
      %dma_start3A = arith.constant 0 : i32
      %dma_start3A_24 = arith.constant 0 : i32
      %dma_start3A_25 = tpu.memref_slice %arg8[%dma_start3A, %dma_start3A_24] : memref<80x128xf32, #tpu.memory_space<vmem_shared>> -> memref<80x128xf32, #tpu.memory_space<vmem_shared>>
      tpu.enqueue_indirect_dma source(%arg6 : memref<80x128xf32, #tpu.memory_space<vmem>>) target(%dma_start3A_25 : memref<80x128xf32, #tpu.memory_space<vmem_shared>>) offsets(%arg7 : memref<80xi32, #tpu.memory_space<vmem>>) semaphore(%run_scoped3A : memref<!tpu.dma_semaphore, #tpu.memory_space<semaphore_mem>>) {add = true}
      %dma_wait3A = arith.constant 0 : i32
      %dma_wait3A_26 = arith.constant 0 : i32
      %dma_wait3A_27 = tpu.memref_slice %arg8[%dma_wait3A, %dma_wait3A_26] : memref<80x128xf32, #tpu.memory_space<vmem_shared>> -> memref<80x128xf32, #tpu.memory_space<vmem_shared>>
      tpu.wait_indirect_dma semaphore(%run_scoped3A : memref<!tpu.dma_semaphore, #tpu.memory_space<semaphore_mem>>) src(%arg6 : memref<80x128xf32, #tpu.memory_space<vmem>>) dst(%dma_wait3A_27 : memref<80x128xf32, #tpu.memory_space<vmem_shared>>)
      tpu.yield
    }) : () -> ()
    %barrier3A_18 = arith.constant 0 : index
    tpu.barrier barrier_id(%barrier3A_18)
    %eq3A_19 = arith.constant 0 : i32
    %eq3A_20 = arith.cmpi eq, %arg1, %eq3A_19 : i32
    %convert_element_type3A_21 = arith.extui %eq3A_20 : i1 to i32
    %cond3A_22 = arith.constant 0 : i32
    %cond3A_23 = arith.cmpi ne, %convert_element_type3A_21, %cond3A_22 : i32
    scf.if %cond3A_23 {
      "tpu.region"() ({
        %run_scoped3A = tpu.sem_alloc : memref<!tpu.dma_semaphore, #tpu.memory_space<semaphore_mem>>
        %dma_start3A = arith.constant 0 : i32
        %dma_start3A_24 = arith.constant 0 : i32
        %dma_start3A_25 = tpu.memref_slice %arg4[%arg0, %dma_start3A, %dma_start3A_24] : memref<2x80x128xf32, #tpu.memory_space<hbm>> -> memref<1x80x128xf32, #tpu.memory_space<hbm>>
        %dma_start3A_26 = tpu.memref_squeeze %dma_start3A_25 : memref<1x80x128xf32, #tpu.memory_space<hbm>> -> memref<80x128xf32, #tpu.memory_space<hbm>>
        tpu.enqueue_dma source(%arg8 : memref<80x128xf32, #tpu.memory_space<vmem_shared>>) target(%dma_start3A_26 : memref<80x128xf32, #tpu.memory_space<hbm>>) target_semaphore(%run_scoped3A : memref<!tpu.dma_semaphore, #tpu.memory_space<semaphore_mem>>)
        %dma_wait3A = arith.constant 0 : i32
        %dma_wait3A_27 = arith.constant 0 : i32
        %dma_wait3A_28 = tpu.memref_slice %arg4[%arg0, %dma_wait3A, %dma_wait3A_27] : memref<2x80x128xf32, #tpu.memory_space<hbm>> -> memref<1x80x128xf32, #tpu.memory_space<hbm>>
        %dma_wait3A_29 = tpu.memref_squeeze %dma_wait3A_28 : memref<1x80x128xf32, #tpu.memory_space<hbm>> -> memref<80x128xf32, #tpu.memory_space<hbm>>
        tpu.wait_dma2 semaphore(%run_scoped3A : memref<!tpu.dma_semaphore, #tpu.memory_space<semaphore_mem>>) src(%arg8 : memref<80x128xf32, #tpu.memory_space<vmem_shared>>) dst(%dma_wait3A_29 : memref<80x128xf32, #tpu.memory_space<hbm>>)
        tpu.yield
      }) : () -> ()
    } else {
    }
    return
  }
}

#map = affine_map<(d0, d1) -> (0, 0)>
#map1 = affine_map<(d0, d1) -> (0, 0, 0)>
module attributes {stable_mosaic.version = 14 : i64} {
  func.func @_sc_aggregate(%arg0: i32, %arg1: i32, %arg2: memref<10000x128xf32, #tpu.memory_space<hbm>>, %arg3: memref<32x125x80xi32, #tpu.memory_space<hbm>>, %arg4: memref<32x125x80xi32, #tpu.memory_space<hbm>>, %arg5: memref<632x128xf32, #tpu.memory_space<hbm>>, %arg6: memref<2x10000x128xf32, #tpu.memory_space<hbm>>, %arg7: memref<6x80xi32, #tpu.memory_space<vmem>>, %arg8: memref<6x80xi32, #tpu.memory_space<vmem>>, %arg9: memref<80x128xf32, #tpu.memory_space<vmem>>, %arg10: memref<80x128xf32, #tpu.memory_space<vmem>>, %arg11: memref<80x128xf32, #tpu.memory_space<vmem>>, %arg12: memref<10000x128xf32, #tpu.memory_space<vmem_shared>>, %arg13: memref<!tpu.dma_semaphore, #tpu.memory_space<semaphore_mem>>, %arg14: memref<!tpu.dma_semaphore, #tpu.memory_space<semaphore_mem>>, %arg15: memref<!tpu.dma_semaphore, #tpu.memory_space<semaphore_mem>>, %arg16: memref<!tpu.dma_semaphore, #tpu.memory_space<semaphore_mem>>, %arg17: memref<!tpu.dma_semaphore, #tpu.memory_space<semaphore_mem>>, %arg18: memref<!tpu.dma_semaphore, #tpu.memory_space<semaphore_mem>>, %arg19: memref<!tpu.dma_semaphore, #tpu.memory_space<semaphore_mem>>, %arg20: memref<!tpu.dma_semaphore, #tpu.memory_space<semaphore_mem>>, %arg21: memref<!tpu.dma_semaphore, #tpu.memory_space<semaphore_mem>>, %arg22: memref<!tpu.dma_semaphore, #tpu.memory_space<semaphore_mem>>, %arg23: memref<!tpu.dma_semaphore, #tpu.memory_space<semaphore_mem>>, %arg24: memref<!tpu.dma_semaphore, #tpu.memory_space<semaphore_mem>>) attributes {dimension_semantics = [#tpu.dimension_semantics<core_parallel>, #tpu.dimension_semantics<subcore_parallel>], iteration_bounds = array<i64: 2, 16>, scalar_prefetch = 0 : i64, scratch_operands = 18 : i64, tpu.core_type = #tpu.core_type<sc_vector_subcore>, window_params = [{transform_indices = #map}, {transform_indices = #map1}, {transform_indices = #map1}, {transform_indices = #map}, {transform_indices = #map1}]} {
    %mul3A = arith.constant 2 : i32
    %mul3A_0 = arith.muli %arg1, %mul3A : i32
    %add3A = arith.addi %mul3A_0, %arg0 : i32
    %mul3A_1 = arith.constant 632 : i32
    %mul3A_2 = arith.muli %arg1, %mul3A_1 : i32
    %min3A = arith.constant 9368 : i32
    %min3A_3 = arith.minsi %mul3A_2, %min3A : i32
    %eq3A = arith.constant 0 : i32
    %eq3A_4 = arith.cmpi eq, %arg0, %eq3A : i32
    %convert_element_type3A = arith.extui %eq3A_4 : i1 to i32
    %cond3A = arith.constant 0 : i32
    %cond3A_5 = arith.cmpi ne, %convert_element_type3A, %cond3A : i32
    scf.if %cond3A_5 {
      "tpu.region"() ({
        %run_scoped3A = tpu.sem_alloc : memref<!tpu.dma_semaphore, #tpu.memory_space<semaphore_mem>>
        %dma_start3A_637 = arith.constant 0 : i32
        %dma_start3A_638 = tpu.memref_slice %arg12[%min3A_3, %dma_start3A_637] : memref<10000x128xf32, #tpu.memory_space<vmem_shared>> -> memref<632x128xf32, #tpu.memory_space<vmem_shared>>
        %dma_start3A_639 = arith.constant 0 : i32
        %dma_start3A_640 = tpu.memref_slice %arg2[%min3A_3, %dma_start3A_639] : memref<10000x128xf32, #tpu.memory_space<hbm>> -> memref<632x128xf32, #tpu.memory_space<hbm>>
        tpu.enqueue_dma source(%dma_start3A_640 : memref<632x128xf32, #tpu.memory_space<hbm>>) target(%dma_start3A_638 : memref<632x128xf32, #tpu.memory_space<vmem_shared>>) target_semaphore(%run_scoped3A : memref<!tpu.dma_semaphore, #tpu.memory_space<semaphore_mem>>)
        %dma_wait3A_641 = arith.constant 0 : i32
        %dma_wait3A_642 = tpu.memref_slice %arg12[%min3A_3, %dma_wait3A_641] : memref<10000x128xf32, #tpu.memory_space<vmem_shared>> -> memref<632x128xf32, #tpu.memory_space<vmem_shared>>
        %dma_wait3A_643 = arith.constant 0 : i32
        %dma_wait3A_644 = tpu.memref_slice %arg2[%min3A_3, %dma_wait3A_643] : memref<10000x128xf32, #tpu.memory_space<hbm>> -> memref<632x128xf32, #tpu.memory_space<hbm>>
        tpu.wait_dma2 semaphore(%run_scoped3A : memref<!tpu.dma_semaphore, #tpu.memory_space<semaphore_mem>>) src(%dma_wait3A_644 : memref<632x128xf32, #tpu.memory_space<hbm>>) dst(%dma_wait3A_642 : memref<632x128xf32, #tpu.memory_space<vmem_shared>>)
        tpu.yield
      }) : () -> ()
    } else {
    }
    %ne3A = arith.constant 0 : i32
    %ne3A_6 = arith.cmpi ne, %arg0, %ne3A : i32
    %convert_element_type3A_7 = arith.extui %ne3A_6 : i1 to i32
    %cond3A_8 = arith.constant 0 : i32
    %cond3A_9 = arith.cmpi ne, %convert_element_type3A_7, %cond3A_8 : i32
    scf.if %cond3A_9 {
      "tpu.region"() ({
        %run_scoped3A = tpu.sem_alloc : memref<!tpu.dma_semaphore, #tpu.memory_space<semaphore_mem>>
        %dma_start3A_637 = arith.constant 0 : i32
        %dma_start3A_638 = tpu.memref_slice %arg12[%min3A_3, %dma_start3A_637] : memref<10000x128xf32, #tpu.memory_space<vmem_shared>> -> memref<632x128xf32, #tpu.memory_space<vmem_shared>>
        tpu.enqueue_dma source(%arg5 : memref<632x128xf32, #tpu.memory_space<hbm>>) target(%dma_start3A_638 : memref<632x128xf32, #tpu.memory_space<vmem_shared>>) target_semaphore(%run_scoped3A : memref<!tpu.dma_semaphore, #tpu.memory_space<semaphore_mem>>)
        %dma_wait3A_639 = arith.constant 0 : i32
        %dma_wait3A_640 = tpu.memref_slice %arg12[%min3A_3, %dma_wait3A_639] : memref<10000x128xf32, #tpu.memory_space<vmem_shared>> -> memref<632x128xf32, #tpu.memory_space<vmem_shared>>
        tpu.wait_dma2 semaphore(%run_scoped3A : memref<!tpu.dma_semaphore, #tpu.memory_space<semaphore_mem>>) src(%arg5 : memref<632x128xf32, #tpu.memory_space<hbm>>) dst(%dma_wait3A_640 : memref<632x128xf32, #tpu.memory_space<vmem_shared>>)
        tpu.yield
      }) : () -> ()
    } else {
    }
    %barrier3A = arith.constant 0 : index
    tpu.barrier barrier_id(%barrier3A)
    %dma_start3A = arith.constant 0 : i32
    %dma_start3A_10 = arith.constant 0 : i32
    %dma_start3A_11 = arith.constant 0 : i32
    %dma_start3A_12 = tpu.memref_slice %arg7[%dma_start3A_10, %dma_start3A_11] : memref<6x80xi32, #tpu.memory_space<vmem>> -> memref<1x80xi32, #tpu.memory_space<vmem>>
    %dma_start3A_13 = tpu.memref_squeeze %dma_start3A_12 : memref<1x80xi32, #tpu.memory_space<vmem>> -> memref<80xi32, #tpu.memory_space<vmem>>
    %dma_start3A_14 = arith.constant 0 : i32
    %dma_start3A_15 = arith.constant 0 : i32
    %dma_start3A_16 = tpu.memref_slice %arg3[%add3A, %dma_start3A_14, %dma_start3A_15] : memref<32x125x80xi32, #tpu.memory_space<hbm>> -> memref<1x125x80xi32, #tpu.memory_space<hbm>>
    %dma_start3A_17 = tpu.memref_squeeze %dma_start3A_16 : memref<1x125x80xi32, #tpu.memory_space<hbm>> -> memref<125x80xi32, #tpu.memory_space<hbm>>
    %dma_start3A_18 = arith.constant 0 : i32
    %dma_start3A_19 = tpu.memref_slice %dma_start3A_17[%dma_start3A, %dma_start3A_18] : memref<125x80xi32, #tpu.memory_space<hbm>> -> memref<1x80xi32, #tpu.memory_space<hbm>>
    %dma_start3A_20 = tpu.memref_squeeze %dma_start3A_19 : memref<1x80xi32, #tpu.memory_space<hbm>> -> memref<80xi32, #tpu.memory_space<hbm>>
    %dma_start3A_21 = arith.constant 0 : i32
    %dma_start3A_22 = tpu.memref_slice %arg7[%dma_start3A_10, %dma_start3A_21] : memref<6x80xi32, #tpu.memory_space<vmem>> -> memref<1x80xi32, #tpu.memory_space<vmem>>
    %dma_start3A_23 = tpu.memref_squeeze %dma_start3A_22 : memref<1x80xi32, #tpu.memory_space<vmem>> -> memref<80xi32, #tpu.memory_space<vmem>>
    %dma_start3A_24 = arith.constant 0 : i32
    %dma_start3A_25 = arith.constant 0 : i32
    %dma_start3A_26 = tpu.memref_slice %arg3[%add3A, %dma_start3A_24, %dma_start3A_25] : memref<32x125x80xi32, #tpu.memory_space<hbm>> -> memref<1x125x80xi32, #tpu.memory_space<hbm>>
    %dma_start3A_27 = tpu.memref_squeeze %dma_start3A_26 : memref<1x125x80xi32, #tpu.memory_space<hbm>> -> memref<125x80xi32, #tpu.memory_space<hbm>>
    %dma_start3A_28 = arith.constant 0 : i32
    %dma_start3A_29 = tpu.memref_slice %dma_start3A_27[%dma_start3A, %dma_start3A_28] : memref<125x80xi32, #tpu.memory_space<hbm>> -> memref<1x80xi32, #tpu.memory_space<hbm>>
    %dma_start3A_30 = tpu.memref_squeeze %dma_start3A_29 : memref<1x80xi32, #tpu.memory_space<hbm>> -> memref<80xi32, #tpu.memory_space<hbm>>
    tpu.enqueue_dma source(%dma_start3A_30 : memref<80xi32, #tpu.memory_space<hbm>>) target(%dma_start3A_23 : memref<80xi32, #tpu.memory_space<vmem>>) target_semaphore(%arg19 : memref<!tpu.dma_semaphore, #tpu.memory_space<semaphore_mem>>)
    %dma_start3A_31 = arith.constant 0 : i32
    %dma_start3A_32 = arith.constant 0 : i32
    %dma_start3A_33 = arith.constant 0 : i32
    %dma_start3A_34 = tpu.memref_slice %arg8[%dma_start3A_32, %dma_start3A_33] : memref<6x80xi32, #tpu.memory_space<vmem>> -> memref<1x80xi32, #tpu.memory_space<vmem>>
    %dma_start3A_35 = tpu.memref_squeeze %dma_start3A_34 : memref<1x80xi32, #tpu.memory_space<vmem>> -> memref<80xi32, #tpu.memory_space<vmem>>
    %dma_start3A_36 = arith.constant 0 : i32
    %dma_start3A_37 = arith.constant 0 : i32
    %dma_start3A_38 = tpu.memref_slice %arg4[%add3A, %dma_start3A_36, %dma_start3A_37] : memref<32x125x80xi32, #tpu.memory_space<hbm>> -> memref<1x125x80xi32, #tpu.memory_space<hbm>>
    %dma_start3A_39 = tpu.memref_squeeze %dma_start3A_38 : memref<1x125x80xi32, #tpu.memory_space<hbm>> -> memref<125x80xi32, #tpu.memory_space<hbm>>
    %dma_start3A_40 = arith.constant 0 : i32
    %dma_start3A_41 = tpu.memref_slice %dma_start3A_39[%dma_start3A_31, %dma_start3A_40] : memref<125x80xi32, #tpu.memory_space<hbm>> -> memref<1x80xi32, #tpu.memory_space<hbm>>
    %dma_start3A_42 = tpu.memref_squeeze %dma_start3A_41 : memref<1x80xi32, #tpu.memory_space<hbm>> -> memref<80xi32, #tpu.memory_space<hbm>>
    %dma_start3A_43 = arith.constant 0 : i32
    %dma_start3A_44 = tpu.memref_slice %arg8[%dma_start3A_32, %dma_start3A_43] : memref<6x80xi32, #tpu.memory_space<vmem>> -> memref<1x80xi32, #tpu.memory_space<vmem>>
    %dma_start3A_45 = tpu.memref_squeeze %dma_start3A_44 : memref<1x80xi32, #tpu.memory_space<vmem>> -> memref<80xi32, #tpu.memory_space<vmem>>
    %dma_start3A_46 = arith.constant 0 : i32
    %dma_start3A_47 = arith.constant 0 : i32
    %dma_start3A_48 = tpu.memref_slice %arg4[%add3A, %dma_start3A_46, %dma_start3A_47] : memref<32x125x80xi32, #tpu.memory_space<hbm>> -> memref<1x125x80xi32, #tpu.memory_space<hbm>>
    %dma_start3A_49 = tpu.memref_squeeze %dma_start3A_48 : memref<1x125x80xi32, #tpu.memory_space<hbm>> -> memref<125x80xi32, #tpu.memory_space<hbm>>
    %dma_start3A_50 = arith.constant 0 : i32
    %dma_start3A_51 = tpu.memref_slice %dma_start3A_49[%dma_start3A_31, %dma_start3A_50] : memref<125x80xi32, #tpu.memory_space<hbm>> -> memref<1x80xi32, #tpu.memory_space<hbm>>
    %dma_start3A_52 = tpu.memref_squeeze %dma_start3A_51 : memref<1x80xi32, #tpu.memory_space<hbm>> -> memref<80xi32, #tpu.memory_space<hbm>>
    tpu.enqueue_dma source(%dma_start3A_52 : memref<80xi32, #tpu.memory_space<hbm>>) target(%dma_start3A_45 : memref<80xi32, #tpu.memory_space<vmem>>) target_semaphore(%arg19 : memref<!tpu.dma_semaphore, #tpu.memory_space<semaphore_mem>>)
    %dma_start3A_53 = arith.constant 1 : i32
    %dma_start3A_54 = arith.constant 1 : i32
    %dma_start3A_55 = arith.constant 0 : i32
    %dma_start3A_56 = tpu.memref_slice %arg7[%dma_start3A_54, %dma_start3A_55] : memref<6x80xi32, #tpu.memory_space<vmem>> -> memref<1x80xi32, #tpu.memory_space<vmem>>
    %dma_start3A_57 = tpu.memref_squeeze %dma_start3A_56 : memref<1x80xi32, #tpu.memory_space<vmem>> -> memref<80xi32, #tpu.memory_space<vmem>>
    %dma_start3A_58 = arith.constant 0 : i32
    %dma_start3A_59 = arith.constant 0 : i32
    %dma_start3A_60 = tpu.memref_slice %arg3[%add3A, %dma_start3A_58, %dma_start3A_59] : memref<32x125x80xi32, #tpu.memory_space<hbm>> -> memref<1x125x80xi32, #tpu.memory_space<hbm>>
    %dma_start3A_61 = tpu.memref_squeeze %dma_start3A_60 : memref<1x125x80xi32, #tpu.memory_space<hbm>> -> memref<125x80xi32, #tpu.memory_space<hbm>>
    %dma_start3A_62 = arith.constant 0 : i32
    %dma_start3A_63 = tpu.memref_slice %dma_start3A_61[%dma_start3A_53, %dma_start3A_62] : memref<125x80xi32, #tpu.memory_space<hbm>> -> memref<1x80xi32, #tpu.memory_space<hbm>>
    %dma_start3A_64 = tpu.memref_squeeze %dma_start3A_63 : memref<1x80xi32, #tpu.memory_space<hbm>> -> memref<80xi32, #tpu.memory_space<hbm>>
    %dma_start3A_65 = arith.constant 0 : i32
    %dma_start3A_66 = tpu.memref_slice %arg7[%dma_start3A_54, %dma_start3A_65] : memref<6x80xi32, #tpu.memory_space<vmem>> -> memref<1x80xi32, #tpu.memory_space<vmem>>
    %dma_start3A_67 = tpu.memref_squeeze %dma_start3A_66 : memref<1x80xi32, #tpu.memory_space<vmem>> -> memref<80xi32, #tpu.memory_space<vmem>>
    %dma_start3A_68 = arith.constant 0 : i32
    %dma_start3A_69 = arith.constant 0 : i32
    %dma_start3A_70 = tpu.memref_slice %arg3[%add3A, %dma_start3A_68, %dma_start3A_69] : memref<32x125x80xi32, #tpu.memory_space<hbm>> -> memref<1x125x80xi32, #tpu.memory_space<hbm>>
    %dma_start3A_71 = tpu.memref_squeeze %dma_start3A_70 : memref<1x125x80xi32, #tpu.memory_space<hbm>> -> memref<125x80xi32, #tpu.memory_space<hbm>>
    %dma_start3A_72 = arith.constant 0 : i32
    %dma_start3A_73 = tpu.memref_slice %dma_start3A_71[%dma_start3A_53, %dma_start3A_72] : memref<125x80xi32, #tpu.memory_space<hbm>> -> memref<1x80xi32, #tpu.memory_space<hbm>>
    %dma_start3A_74 = tpu.memref_squeeze %dma_start3A_73 : memref<1x80xi32, #tpu.memory_space<hbm>> -> memref<80xi32, #tpu.memory_space<hbm>>
    tpu.enqueue_dma source(%dma_start3A_74 : memref<80xi32, #tpu.memory_space<hbm>>) target(%dma_start3A_67 : memref<80xi32, #tpu.memory_space<vmem>>) target_semaphore(%arg20 : memref<!tpu.dma_semaphore, #tpu.memory_space<semaphore_mem>>)
    %dma_start3A_75 = arith.constant 1 : i32
    %dma_start3A_76 = arith.constant 1 : i32
    %dma_start3A_77 = arith.constant 0 : i32
    %dma_start3A_78 = tpu.memref_slice %arg8[%dma_start3A_76, %dma_start3A_77] : memref<6x80xi32, #tpu.memory_space<vmem>> -> memref<1x80xi32, #tpu.memory_space<vmem>>
    %dma_start3A_79 = tpu.memref_squeeze %dma_start3A_78 : memref<1x80xi32, #tpu.memory_space<vmem>> -> memref<80xi32, #tpu.memory_space<vmem>>
    %dma_start3A_80 = arith.constant 0 : i32
    %dma_start3A_81 = arith.constant 0 : i32
    %dma_start3A_82 = tpu.memref_slice %arg4[%add3A, %dma_start3A_80, %dma_start3A_81] : memref<32x125x80xi32, #tpu.memory_space<hbm>> -> memref<1x125x80xi32, #tpu.memory_space<hbm>>
    %dma_start3A_83 = tpu.memref_squeeze %dma_start3A_82 : memref<1x125x80xi32, #tpu.memory_space<hbm>> -> memref<125x80xi32, #tpu.memory_space<hbm>>
    %dma_start3A_84 = arith.constant 0 : i32
    %dma_start3A_85 = tpu.memref_slice %dma_start3A_83[%dma_start3A_75, %dma_start3A_84] : memref<125x80xi32, #tpu.memory_space<hbm>> -> memref<1x80xi32, #tpu.memory_space<hbm>>
    %dma_start3A_86 = tpu.memref_squeeze %dma_start3A_85 : memref<1x80xi32, #tpu.memory_space<hbm>> -> memref<80xi32, #tpu.memory_space<hbm>>
    %dma_start3A_87 = arith.constant 0 : i32
    %dma_start3A_88 = tpu.memref_slice %arg8[%dma_start3A_76, %dma_start3A_87] : memref<6x80xi32, #tpu.memory_space<vmem>> -> memref<1x80xi32, #tpu.memory_space<vmem>>
    %dma_start3A_89 = tpu.memref_squeeze %dma_start3A_88 : memref<1x80xi32, #tpu.memory_space<vmem>> -> memref<80xi32, #tpu.memory_space<vmem>>
    %dma_start3A_90 = arith.constant 0 : i32
    %dma_start3A_91 = arith.constant 0 : i32
    %dma_start3A_92 = tpu.memref_slice %arg4[%add3A, %dma_start3A_90, %dma_start3A_91] : memref<32x125x80xi32, #tpu.memory_space<hbm>> -> memref<1x125x80xi32, #tpu.memory_space<hbm>>
    %dma_start3A_93 = tpu.memref_squeeze %dma_start3A_92 : memref<1x125x80xi32, #tpu.memory_space<hbm>> -> memref<125x80xi32, #tpu.memory_space<hbm>>
    %dma_start3A_94 = arith.constant 0 : i32
    %dma_start3A_95 = tpu.memref_slice %dma_start3A_93[%dma_start3A_75, %dma_start3A_94] : memref<125x80xi32, #tpu.memory_space<hbm>> -> memref<1x80xi32, #tpu.memory_space<hbm>>
    %dma_start3A_96 = tpu.memref_squeeze %dma_start3A_95 : memref<1x80xi32, #tpu.memory_space<hbm>> -> memref<80xi32, #tpu.memory_space<hbm>>
    tpu.enqueue_dma source(%dma_start3A_96 : memref<80xi32, #tpu.memory_space<hbm>>) target(%dma_start3A_89 : memref<80xi32, #tpu.memory_space<vmem>>) target_semaphore(%arg20 : memref<!tpu.dma_semaphore, #tpu.memory_space<semaphore_mem>>)
    %dma_start3A_97 = arith.constant 2 : i32
    %dma_start3A_98 = arith.constant 2 : i32
    %dma_start3A_99 = arith.constant 0 : i32
    %dma_start3A_100 = tpu.memref_slice %arg7[%dma_start3A_98, %dma_start3A_99] : memref<6x80xi32, #tpu.memory_space<vmem>> -> memref<1x80xi32, #tpu.memory_space<vmem>>
    %dma_start3A_101 = tpu.memref_squeeze %dma_start3A_100 : memref<1x80xi32, #tpu.memory_space<vmem>> -> memref<80xi32, #tpu.memory_space<vmem>>
    %dma_start3A_102 = arith.constant 0 : i32
    %dma_start3A_103 = arith.constant 0 : i32
    %dma_start3A_104 = tpu.memref_slice %arg3[%add3A, %dma_start3A_102, %dma_start3A_103] : memref<32x125x80xi32, #tpu.memory_space<hbm>> -> memref<1x125x80xi32, #tpu.memory_space<hbm>>
    %dma_start3A_105 = tpu.memref_squeeze %dma_start3A_104 : memref<1x125x80xi32, #tpu.memory_space<hbm>> -> memref<125x80xi32, #tpu.memory_space<hbm>>
    %dma_start3A_106 = arith.constant 0 : i32
    %dma_start3A_107 = tpu.memref_slice %dma_start3A_105[%dma_start3A_97, %dma_start3A_106] : memref<125x80xi32, #tpu.memory_space<hbm>> -> memref<1x80xi32, #tpu.memory_space<hbm>>
    %dma_start3A_108 = tpu.memref_squeeze %dma_start3A_107 : memref<1x80xi32, #tpu.memory_space<hbm>> -> memref<80xi32, #tpu.memory_space<hbm>>
    %dma_start3A_109 = arith.constant 0 : i32
    %dma_start3A_110 = tpu.memref_slice %arg7[%dma_start3A_98, %dma_start3A_109] : memref<6x80xi32, #tpu.memory_space<vmem>> -> memref<1x80xi32, #tpu.memory_space<vmem>>
    %dma_start3A_111 = tpu.memref_squeeze %dma_start3A_110 : memref<1x80xi32, #tpu.memory_space<vmem>> -> memref<80xi32, #tpu.memory_space<vmem>>
    %dma_start3A_112 = arith.constant 0 : i32
    %dma_start3A_113 = arith.constant 0 : i32
    %dma_start3A_114 = tpu.memref_slice %arg3[%add3A, %dma_start3A_112, %dma_start3A_113] : memref<32x125x80xi32, #tpu.memory_space<hbm>> -> memref<1x125x80xi32, #tpu.memory_space<hbm>>
    %dma_start3A_115 = tpu.memref_squeeze %dma_start3A_114 : memref<1x125x80xi32, #tpu.memory_space<hbm>> -> memref<125x80xi32, #tpu.memory_space<hbm>>
    %dma_start3A_116 = arith.constant 0 : i32
    %dma_start3A_117 = tpu.memref_slice %dma_start3A_115[%dma_start3A_97, %dma_start3A_116] : memref<125x80xi32, #tpu.memory_space<hbm>> -> memref<1x80xi32, #tpu.memory_space<hbm>>
    %dma_start3A_118 = tpu.memref_squeeze %dma_start3A_117 : memref<1x80xi32, #tpu.memory_space<hbm>> -> memref<80xi32, #tpu.memory_space<hbm>>
    tpu.enqueue_dma source(%dma_start3A_118 : memref<80xi32, #tpu.memory_space<hbm>>) target(%dma_start3A_111 : memref<80xi32, #tpu.memory_space<vmem>>) target_semaphore(%arg21 : memref<!tpu.dma_semaphore, #tpu.memory_space<semaphore_mem>>)
    %dma_start3A_119 = arith.constant 2 : i32
    %dma_start3A_120 = arith.constant 2 : i32
    %dma_start3A_121 = arith.constant 0 : i32
    %dma_start3A_122 = tpu.memref_slice %arg8[%dma_start3A_120, %dma_start3A_121] : memref<6x80xi32, #tpu.memory_space<vmem>> -> memref<1x80xi32, #tpu.memory_space<vmem>>
    %dma_start3A_123 = tpu.memref_squeeze %dma_start3A_122 : memref<1x80xi32, #tpu.memory_space<vmem>> -> memref<80xi32, #tpu.memory_space<vmem>>
    %dma_start3A_124 = arith.constant 0 : i32
    %dma_start3A_125 = arith.constant 0 : i32
    %dma_start3A_126 = tpu.memref_slice %arg4[%add3A, %dma_start3A_124, %dma_start3A_125] : memref<32x125x80xi32, #tpu.memory_space<hbm>> -> memref<1x125x80xi32, #tpu.memory_space<hbm>>
    %dma_start3A_127 = tpu.memref_squeeze %dma_start3A_126 : memref<1x125x80xi32, #tpu.memory_space<hbm>> -> memref<125x80xi32, #tpu.memory_space<hbm>>
    %dma_start3A_128 = arith.constant 0 : i32
    %dma_start3A_129 = tpu.memref_slice %dma_start3A_127[%dma_start3A_119, %dma_start3A_128] : memref<125x80xi32, #tpu.memory_space<hbm>> -> memref<1x80xi32, #tpu.memory_space<hbm>>
    %dma_start3A_130 = tpu.memref_squeeze %dma_start3A_129 : memref<1x80xi32, #tpu.memory_space<hbm>> -> memref<80xi32, #tpu.memory_space<hbm>>
    %dma_start3A_131 = arith.constant 0 : i32
    %dma_start3A_132 = tpu.memref_slice %arg8[%dma_start3A_120, %dma_start3A_131] : memref<6x80xi32, #tpu.memory_space<vmem>> -> memref<1x80xi32, #tpu.memory_space<vmem>>
    %dma_start3A_133 = tpu.memref_squeeze %dma_start3A_132 : memref<1x80xi32, #tpu.memory_space<vmem>> -> memref<80xi32, #tpu.memory_space<vmem>>
    %dma_start3A_134 = arith.constant 0 : i32
    %dma_start3A_135 = arith.constant 0 : i32
    %dma_start3A_136 = tpu.memref_slice %arg4[%add3A, %dma_start3A_134, %dma_start3A_135] : memref<32x125x80xi32, #tpu.memory_space<hbm>> -> memref<1x125x80xi32, #tpu.memory_space<hbm>>
    %dma_start3A_137 = tpu.memref_squeeze %dma_start3A_136 : memref<1x125x80xi32, #tpu.memory_space<hbm>> -> memref<125x80xi32, #tpu.memory_space<hbm>>
    %dma_start3A_138 = arith.constant 0 : i32
    %dma_start3A_139 = tpu.memref_slice %dma_start3A_137[%dma_start3A_119, %dma_start3A_138] : memref<125x80xi32, #tpu.memory_space<hbm>> -> memref<1x80xi32, #tpu.memory_space<hbm>>
    %dma_start3A_140 = tpu.memref_squeeze %dma_start3A_139 : memref<1x80xi32, #tpu.memory_space<hbm>> -> memref<80xi32, #tpu.memory_space<hbm>>
    tpu.enqueue_dma source(%dma_start3A_140 : memref<80xi32, #tpu.memory_space<hbm>>) target(%dma_start3A_133 : memref<80xi32, #tpu.memory_space<vmem>>) target_semaphore(%arg21 : memref<!tpu.dma_semaphore, #tpu.memory_space<semaphore_mem>>)
    %dma_start3A_141 = arith.constant 3 : i32
    %dma_start3A_142 = arith.constant 3 : i32
    %dma_start3A_143 = arith.constant 0 : i32
    %dma_start3A_144 = tpu.memref_slice %arg7[%dma_start3A_142, %dma_start3A_143] : memref<6x80xi32, #tpu.memory_space<vmem>> -> memref<1x80xi32, #tpu.memory_space<vmem>>
    %dma_start3A_145 = tpu.memref_squeeze %dma_start3A_144 : memref<1x80xi32, #tpu.memory_space<vmem>> -> memref<80xi32, #tpu.memory_space<vmem>>
    %dma_start3A_146 = arith.constant 0 : i32
    %dma_start3A_147 = arith.constant 0 : i32
    %dma_start3A_148 = tpu.memref_slice %arg3[%add3A, %dma_start3A_146, %dma_start3A_147] : memref<32x125x80xi32, #tpu.memory_space<hbm>> -> memref<1x125x80xi32, #tpu.memory_space<hbm>>
    %dma_start3A_149 = tpu.memref_squeeze %dma_start3A_148 : memref<1x125x80xi32, #tpu.memory_space<hbm>> -> memref<125x80xi32, #tpu.memory_space<hbm>>
    %dma_start3A_150 = arith.constant 0 : i32
    %dma_start3A_151 = tpu.memref_slice %dma_start3A_149[%dma_start3A_141, %dma_start3A_150] : memref<125x80xi32, #tpu.memory_space<hbm>> -> memref<1x80xi32, #tpu.memory_space<hbm>>
    %dma_start3A_152 = tpu.memref_squeeze %dma_start3A_151 : memref<1x80xi32, #tpu.memory_space<hbm>> -> memref<80xi32, #tpu.memory_space<hbm>>
    %dma_start3A_153 = arith.constant 0 : i32
    %dma_start3A_154 = tpu.memref_slice %arg7[%dma_start3A_142, %dma_start3A_153] : memref<6x80xi32, #tpu.memory_space<vmem>> -> memref<1x80xi32, #tpu.memory_space<vmem>>
    %dma_start3A_155 = tpu.memref_squeeze %dma_start3A_154 : memref<1x80xi32, #tpu.memory_space<vmem>> -> memref<80xi32, #tpu.memory_space<vmem>>
    %dma_start3A_156 = arith.constant 0 : i32
    %dma_start3A_157 = arith.constant 0 : i32
    %dma_start3A_158 = tpu.memref_slice %arg3[%add3A, %dma_start3A_156, %dma_start3A_157] : memref<32x125x80xi32, #tpu.memory_space<hbm>> -> memref<1x125x80xi32, #tpu.memory_space<hbm>>
    %dma_start3A_159 = tpu.memref_squeeze %dma_start3A_158 : memref<1x125x80xi32, #tpu.memory_space<hbm>> -> memref<125x80xi32, #tpu.memory_space<hbm>>
    %dma_start3A_160 = arith.constant 0 : i32
    %dma_start3A_161 = tpu.memref_slice %dma_start3A_159[%dma_start3A_141, %dma_start3A_160] : memref<125x80xi32, #tpu.memory_space<hbm>> -> memref<1x80xi32, #tpu.memory_space<hbm>>
    %dma_start3A_162 = tpu.memref_squeeze %dma_start3A_161 : memref<1x80xi32, #tpu.memory_space<hbm>> -> memref<80xi32, #tpu.memory_space<hbm>>
    tpu.enqueue_dma source(%dma_start3A_162 : memref<80xi32, #tpu.memory_space<hbm>>) target(%dma_start3A_155 : memref<80xi32, #tpu.memory_space<vmem>>) target_semaphore(%arg22 : memref<!tpu.dma_semaphore, #tpu.memory_space<semaphore_mem>>)
    %dma_start3A_163 = arith.constant 3 : i32
    %dma_start3A_164 = arith.constant 3 : i32
    %dma_start3A_165 = arith.constant 0 : i32
    %dma_start3A_166 = tpu.memref_slice %arg8[%dma_start3A_164, %dma_start3A_165] : memref<6x80xi32, #tpu.memory_space<vmem>> -> memref<1x80xi32, #tpu.memory_space<vmem>>
    %dma_start3A_167 = tpu.memref_squeeze %dma_start3A_166 : memref<1x80xi32, #tpu.memory_space<vmem>> -> memref<80xi32, #tpu.memory_space<vmem>>
    %dma_start3A_168 = arith.constant 0 : i32
    %dma_start3A_169 = arith.constant 0 : i32
    %dma_start3A_170 = tpu.memref_slice %arg4[%add3A, %dma_start3A_168, %dma_start3A_169] : memref<32x125x80xi32, #tpu.memory_space<hbm>> -> memref<1x125x80xi32, #tpu.memory_space<hbm>>
    %dma_start3A_171 = tpu.memref_squeeze %dma_start3A_170 : memref<1x125x80xi32, #tpu.memory_space<hbm>> -> memref<125x80xi32, #tpu.memory_space<hbm>>
    %dma_start3A_172 = arith.constant 0 : i32
    %dma_start3A_173 = tpu.memref_slice %dma_start3A_171[%dma_start3A_163, %dma_start3A_172] : memref<125x80xi32, #tpu.memory_space<hbm>> -> memref<1x80xi32, #tpu.memory_space<hbm>>
    %dma_start3A_174 = tpu.memref_squeeze %dma_start3A_173 : memref<1x80xi32, #tpu.memory_space<hbm>> -> memref<80xi32, #tpu.memory_space<hbm>>
    %dma_start3A_175 = arith.constant 0 : i32
    %dma_start3A_176 = tpu.memref_slice %arg8[%dma_start3A_164, %dma_start3A_175] : memref<6x80xi32, #tpu.memory_space<vmem>> -> memref<1x80xi32, #tpu.memory_space<vmem>>
    %dma_start3A_177 = tpu.memref_squeeze %dma_start3A_176 : memref<1x80xi32, #tpu.memory_space<vmem>> -> memref<80xi32, #tpu.memory_space<vmem>>
    %dma_start3A_178 = arith.constant 0 : i32
    %dma_start3A_179 = arith.constant 0 : i32
    %dma_start3A_180 = tpu.memref_slice %arg4[%add3A, %dma_start3A_178, %dma_start3A_179] : memref<32x125x80xi32, #tpu.memory_space<hbm>> -> memref<1x125x80xi32, #tpu.memory_space<hbm>>
    %dma_start3A_181 = tpu.memref_squeeze %dma_start3A_180 : memref<1x125x80xi32, #tpu.memory_space<hbm>> -> memref<125x80xi32, #tpu.memory_space<hbm>>
    %dma_start3A_182 = arith.constant 0 : i32
    %dma_start3A_183 = tpu.memref_slice %dma_start3A_181[%dma_start3A_163, %dma_start3A_182] : memref<125x80xi32, #tpu.memory_space<hbm>> -> memref<1x80xi32, #tpu.memory_space<hbm>>
    %dma_start3A_184 = tpu.memref_squeeze %dma_start3A_183 : memref<1x80xi32, #tpu.memory_space<hbm>> -> memref<80xi32, #tpu.memory_space<hbm>>
    tpu.enqueue_dma source(%dma_start3A_184 : memref<80xi32, #tpu.memory_space<hbm>>) target(%dma_start3A_177 : memref<80xi32, #tpu.memory_space<vmem>>) target_semaphore(%arg22 : memref<!tpu.dma_semaphore, #tpu.memory_space<semaphore_mem>>)
    %dma_start3A_185 = arith.constant 4 : i32
    %dma_start3A_186 = arith.constant 4 : i32
    %dma_start3A_187 = arith.constant 0 : i32
    %dma_start3A_188 = tpu.memref_slice %arg7[%dma_start3A_186, %dma_start3A_187] : memref<6x80xi32, #tpu.memory_space<vmem>> -> memref<1x80xi32, #tpu.memory_space<vmem>>
    %dma_start3A_189 = tpu.memref_squeeze %dma_start3A_188 : memref<1x80xi32, #tpu.memory_space<vmem>> -> memref<80xi32, #tpu.memory_space<vmem>>
    %dma_start3A_190 = arith.constant 0 : i32
    %dma_start3A_191 = arith.constant 0 : i32
    %dma_start3A_192 = tpu.memref_slice %arg3[%add3A, %dma_start3A_190, %dma_start3A_191] : memref<32x125x80xi32, #tpu.memory_space<hbm>> -> memref<1x125x80xi32, #tpu.memory_space<hbm>>
    %dma_start3A_193 = tpu.memref_squeeze %dma_start3A_192 : memref<1x125x80xi32, #tpu.memory_space<hbm>> -> memref<125x80xi32, #tpu.memory_space<hbm>>
    %dma_start3A_194 = arith.constant 0 : i32
    %dma_start3A_195 = tpu.memref_slice %dma_start3A_193[%dma_start3A_185, %dma_start3A_194] : memref<125x80xi32, #tpu.memory_space<hbm>> -> memref<1x80xi32, #tpu.memory_space<hbm>>
    %dma_start3A_196 = tpu.memref_squeeze %dma_start3A_195 : memref<1x80xi32, #tpu.memory_space<hbm>> -> memref<80xi32, #tpu.memory_space<hbm>>
    %dma_start3A_197 = arith.constant 0 : i32
    %dma_start3A_198 = tpu.memref_slice %arg7[%dma_start3A_186, %dma_start3A_197] : memref<6x80xi32, #tpu.memory_space<vmem>> -> memref<1x80xi32, #tpu.memory_space<vmem>>
    %dma_start3A_199 = tpu.memref_squeeze %dma_start3A_198 : memref<1x80xi32, #tpu.memory_space<vmem>> -> memref<80xi32, #tpu.memory_space<vmem>>
    %dma_start3A_200 = arith.constant 0 : i32
    %dma_start3A_201 = arith.constant 0 : i32
    %dma_start3A_202 = tpu.memref_slice %arg3[%add3A, %dma_start3A_200, %dma_start3A_201] : memref<32x125x80xi32, #tpu.memory_space<hbm>> -> memref<1x125x80xi32, #tpu.memory_space<hbm>>
    %dma_start3A_203 = tpu.memref_squeeze %dma_start3A_202 : memref<1x125x80xi32, #tpu.memory_space<hbm>> -> memref<125x80xi32, #tpu.memory_space<hbm>>
    %dma_start3A_204 = arith.constant 0 : i32
    %dma_start3A_205 = tpu.memref_slice %dma_start3A_203[%dma_start3A_185, %dma_start3A_204] : memref<125x80xi32, #tpu.memory_space<hbm>> -> memref<1x80xi32, #tpu.memory_space<hbm>>
    %dma_start3A_206 = tpu.memref_squeeze %dma_start3A_205 : memref<1x80xi32, #tpu.memory_space<hbm>> -> memref<80xi32, #tpu.memory_space<hbm>>
    tpu.enqueue_dma source(%dma_start3A_206 : memref<80xi32, #tpu.memory_space<hbm>>) target(%dma_start3A_199 : memref<80xi32, #tpu.memory_space<vmem>>) target_semaphore(%arg23 : memref<!tpu.dma_semaphore, #tpu.memory_space<semaphore_mem>>)
    %dma_start3A_207 = arith.constant 4 : i32
    %dma_start3A_208 = arith.constant 4 : i32
    %dma_start3A_209 = arith.constant 0 : i32
    %dma_start3A_210 = tpu.memref_slice %arg8[%dma_start3A_208, %dma_start3A_209] : memref<6x80xi32, #tpu.memory_space<vmem>> -> memref<1x80xi32, #tpu.memory_space<vmem>>
    %dma_start3A_211 = tpu.memref_squeeze %dma_start3A_210 : memref<1x80xi32, #tpu.memory_space<vmem>> -> memref<80xi32, #tpu.memory_space<vmem>>
    %dma_start3A_212 = arith.constant 0 : i32
    %dma_start3A_213 = arith.constant 0 : i32
    %dma_start3A_214 = tpu.memref_slice %arg4[%add3A, %dma_start3A_212, %dma_start3A_213] : memref<32x125x80xi32, #tpu.memory_space<hbm>> -> memref<1x125x80xi32, #tpu.memory_space<hbm>>
    %dma_start3A_215 = tpu.memref_squeeze %dma_start3A_214 : memref<1x125x80xi32, #tpu.memory_space<hbm>> -> memref<125x80xi32, #tpu.memory_space<hbm>>
    %dma_start3A_216 = arith.constant 0 : i32
    %dma_start3A_217 = tpu.memref_slice %dma_start3A_215[%dma_start3A_207, %dma_start3A_216] : memref<125x80xi32, #tpu.memory_space<hbm>> -> memref<1x80xi32, #tpu.memory_space<hbm>>
    %dma_start3A_218 = tpu.memref_squeeze %dma_start3A_217 : memref<1x80xi32, #tpu.memory_space<hbm>> -> memref<80xi32, #tpu.memory_space<hbm>>
    %dma_start3A_219 = arith.constant 0 : i32
    %dma_start3A_220 = tpu.memref_slice %arg8[%dma_start3A_208, %dma_start3A_219] : memref<6x80xi32, #tpu.memory_space<vmem>> -> memref<1x80xi32, #tpu.memory_space<vmem>>
    %dma_start3A_221 = tpu.memref_squeeze %dma_start3A_220 : memref<1x80xi32, #tpu.memory_space<vmem>> -> memref<80xi32, #tpu.memory_space<vmem>>
    %dma_start3A_222 = arith.constant 0 : i32
    %dma_start3A_223 = arith.constant 0 : i32
    %dma_start3A_224 = tpu.memref_slice %arg4[%add3A, %dma_start3A_222, %dma_start3A_223] : memref<32x125x80xi32, #tpu.memory_space<hbm>> -> memref<1x125x80xi32, #tpu.memory_space<hbm>>
    %dma_start3A_225 = tpu.memref_squeeze %dma_start3A_224 : memref<1x125x80xi32, #tpu.memory_space<hbm>> -> memref<125x80xi32, #tpu.memory_space<hbm>>
    %dma_start3A_226 = arith.constant 0 : i32
    %dma_start3A_227 = tpu.memref_slice %dma_start3A_225[%dma_start3A_207, %dma_start3A_226] : memref<125x80xi32, #tpu.memory_space<hbm>> -> memref<1x80xi32, #tpu.memory_space<hbm>>
    %dma_start3A_228 = tpu.memref_squeeze %dma_start3A_227 : memref<1x80xi32, #tpu.memory_space<hbm>> -> memref<80xi32, #tpu.memory_space<hbm>>
    tpu.enqueue_dma source(%dma_start3A_228 : memref<80xi32, #tpu.memory_space<hbm>>) target(%dma_start3A_221 : memref<80xi32, #tpu.memory_space<vmem>>) target_semaphore(%arg23 : memref<!tpu.dma_semaphore, #tpu.memory_space<semaphore_mem>>)
    %dma_start3A_229 = arith.constant 5 : i32
    %dma_start3A_230 = arith.constant 5 : i32
    %dma_start3A_231 = arith.constant 0 : i32
    %dma_start3A_232 = tpu.memref_slice %arg7[%dma_start3A_230, %dma_start3A_231] : memref<6x80xi32, #tpu.memory_space<vmem>> -> memref<1x80xi32, #tpu.memory_space<vmem>>
    %dma_start3A_233 = tpu.memref_squeeze %dma_start3A_232 : memref<1x80xi32, #tpu.memory_space<vmem>> -> memref<80xi32, #tpu.memory_space<vmem>>
    %dma_start3A_234 = arith.constant 0 : i32
    %dma_start3A_235 = arith.constant 0 : i32
    %dma_start3A_236 = tpu.memref_slice %arg3[%add3A, %dma_start3A_234, %dma_start3A_235] : memref<32x125x80xi32, #tpu.memory_space<hbm>> -> memref<1x125x80xi32, #tpu.memory_space<hbm>>
    %dma_start3A_237 = tpu.memref_squeeze %dma_start3A_236 : memref<1x125x80xi32, #tpu.memory_space<hbm>> -> memref<125x80xi32, #tpu.memory_space<hbm>>
    %dma_start3A_238 = arith.constant 0 : i32
    %dma_start3A_239 = tpu.memref_slice %dma_start3A_237[%dma_start3A_229, %dma_start3A_238] : memref<125x80xi32, #tpu.memory_space<hbm>> -> memref<1x80xi32, #tpu.memory_space<hbm>>
    %dma_start3A_240 = tpu.memref_squeeze %dma_start3A_239 : memref<1x80xi32, #tpu.memory_space<hbm>> -> memref<80xi32, #tpu.memory_space<hbm>>
    %dma_start3A_241 = arith.constant 0 : i32
    %dma_start3A_242 = tpu.memref_slice %arg7[%dma_start3A_230, %dma_start3A_241] : memref<6x80xi32, #tpu.memory_space<vmem>> -> memref<1x80xi32, #tpu.memory_space<vmem>>
    %dma_start3A_243 = tpu.memref_squeeze %dma_start3A_242 : memref<1x80xi32, #tpu.memory_space<vmem>> -> memref<80xi32, #tpu.memory_space<vmem>>
    %dma_start3A_244 = arith.constant 0 : i32
    %dma_start3A_245 = arith.constant 0 : i32
    %dma_start3A_246 = tpu.memref_slice %arg3[%add3A, %dma_start3A_244, %dma_start3A_245] : memref<32x125x80xi32, #tpu.memory_space<hbm>> -> memref<1x125x80xi32, #tpu.memory_space<hbm>>
    %dma_start3A_247 = tpu.memref_squeeze %dma_start3A_246 : memref<1x125x80xi32, #tpu.memory_space<hbm>> -> memref<125x80xi32, #tpu.memory_space<hbm>>
    %dma_start3A_248 = arith.constant 0 : i32
    %dma_start3A_249 = tpu.memref_slice %dma_start3A_247[%dma_start3A_229, %dma_start3A_248] : memref<125x80xi32, #tpu.memory_space<hbm>> -> memref<1x80xi32, #tpu.memory_space<hbm>>
    %dma_start3A_250 = tpu.memref_squeeze %dma_start3A_249 : memref<1x80xi32, #tpu.memory_space<hbm>> -> memref<80xi32, #tpu.memory_space<hbm>>
    tpu.enqueue_dma source(%dma_start3A_250 : memref<80xi32, #tpu.memory_space<hbm>>) target(%dma_start3A_243 : memref<80xi32, #tpu.memory_space<vmem>>) target_semaphore(%arg24 : memref<!tpu.dma_semaphore, #tpu.memory_space<semaphore_mem>>)
    %dma_start3A_251 = arith.constant 5 : i32
    %dma_start3A_252 = arith.constant 5 : i32
    %dma_start3A_253 = arith.constant 0 : i32
    %dma_start3A_254 = tpu.memref_slice %arg8[%dma_start3A_252, %dma_start3A_253] : memref<6x80xi32, #tpu.memory_space<vmem>> -> memref<1x80xi32, #tpu.memory_space<vmem>>
    %dma_start3A_255 = tpu.memref_squeeze %dma_start3A_254 : memref<1x80xi32, #tpu.memory_space<vmem>> -> memref<80xi32, #tpu.memory_space<vmem>>
    %dma_start3A_256 = arith.constant 0 : i32
    %dma_start3A_257 = arith.constant 0 : i32
    %dma_start3A_258 = tpu.memref_slice %arg4[%add3A, %dma_start3A_256, %dma_start3A_257] : memref<32x125x80xi32, #tpu.memory_space<hbm>> -> memref<1x125x80xi32, #tpu.memory_space<hbm>>
    %dma_start3A_259 = tpu.memref_squeeze %dma_start3A_258 : memref<1x125x80xi32, #tpu.memory_space<hbm>> -> memref<125x80xi32, #tpu.memory_space<hbm>>
    %dma_start3A_260 = arith.constant 0 : i32
    %dma_start3A_261 = tpu.memref_slice %dma_start3A_259[%dma_start3A_251, %dma_start3A_260] : memref<125x80xi32, #tpu.memory_space<hbm>> -> memref<1x80xi32, #tpu.memory_space<hbm>>
    %dma_start3A_262 = tpu.memref_squeeze %dma_start3A_261 : memref<1x80xi32, #tpu.memory_space<hbm>> -> memref<80xi32, #tpu.memory_space<hbm>>
    %dma_start3A_263 = arith.constant 0 : i32
    %dma_start3A_264 = tpu.memref_slice %arg8[%dma_start3A_252, %dma_start3A_263] : memref<6x80xi32, #tpu.memory_space<vmem>> -> memref<1x80xi32, #tpu.memory_space<vmem>>
    %dma_start3A_265 = tpu.memref_squeeze %dma_start3A_264 : memref<1x80xi32, #tpu.memory_space<vmem>> -> memref<80xi32, #tpu.memory_space<vmem>>
    %dma_start3A_266 = arith.constant 0 : i32
    %dma_start3A_267 = arith.constant 0 : i32
    %dma_start3A_268 = tpu.memref_slice %arg4[%add3A, %dma_start3A_266, %dma_start3A_267] : memref<32x125x80xi32, #tpu.memory_space<hbm>> -> memref<1x125x80xi32, #tpu.memory_space<hbm>>
    %dma_start3A_269 = tpu.memref_squeeze %dma_start3A_268 : memref<1x125x80xi32, #tpu.memory_space<hbm>> -> memref<125x80xi32, #tpu.memory_space<hbm>>
    %dma_start3A_270 = arith.constant 0 : i32
    %dma_start3A_271 = tpu.memref_slice %dma_start3A_269[%dma_start3A_251, %dma_start3A_270] : memref<125x80xi32, #tpu.memory_space<hbm>> -> memref<1x80xi32, #tpu.memory_space<hbm>>
    %dma_start3A_272 = tpu.memref_squeeze %dma_start3A_271 : memref<1x80xi32, #tpu.memory_space<hbm>> -> memref<80xi32, #tpu.memory_space<hbm>>
    tpu.enqueue_dma source(%dma_start3A_272 : memref<80xi32, #tpu.memory_space<hbm>>) target(%dma_start3A_265 : memref<80xi32, #tpu.memory_space<vmem>>) target_semaphore(%arg24 : memref<!tpu.dma_semaphore, #tpu.memory_space<semaphore_mem>>)
    %scan3A = arith.constant 0 : i32
    %scan3A_273 = arith.constant 20 : i32
    %scan3A_274 = arith.addi %scan3A, %scan3A_273 : i32
    %scan3A_275 = arith.constant 1 : i32
    scf.for %scan3A_637 = %scan3A to %scan3A_274 step %scan3A_275  : i32 {
      %mul3A_638 = arith.constant 1 : i32
      %mul3A_639 = arith.muli %scan3A_637, %mul3A_638 : i32
      %add3A_640 = arith.constant 0 : i32
      %add3A_641 = arith.addi %add3A_640, %mul3A_639 : i32
      %mul3A_642 = arith.constant 6 : i32
      %mul3A_643 = arith.muli %add3A_641, %mul3A_642 : i32
      %dma_wait3A_644 = arith.constant 0 : i32
      %dma_wait3A_645 = arith.constant 0 : i32
      %dma_wait3A_646 = arith.constant 0 : i32
      %dma_wait3A_647 = tpu.memref_slice %arg7[%dma_wait3A_645, %dma_wait3A_646] : memref<6x80xi32, #tpu.memory_space<vmem>> -> memref<1x80xi32, #tpu.memory_space<vmem>>
      %dma_wait3A_648 = tpu.memref_squeeze %dma_wait3A_647 : memref<1x80xi32, #tpu.memory_space<vmem>> -> memref<80xi32, #tpu.memory_space<vmem>>
      %dma_wait3A_649 = arith.constant 0 : i32
      %dma_wait3A_650 = arith.constant 0 : i32
      %dma_wait3A_651 = tpu.memref_slice %arg3[%add3A, %dma_wait3A_649, %dma_wait3A_650] : memref<32x125x80xi32, #tpu.memory_space<hbm>> -> memref<1x125x80xi32, #tpu.memory_space<hbm>>
      %dma_wait3A_652 = tpu.memref_squeeze %dma_wait3A_651 : memref<1x125x80xi32, #tpu.memory_space<hbm>> -> memref<125x80xi32, #tpu.memory_space<hbm>>
      %dma_wait3A_653 = arith.constant 0 : i32
      %dma_wait3A_654 = tpu.memref_slice %dma_wait3A_652[%dma_wait3A_644, %dma_wait3A_653] : memref<125x80xi32, #tpu.memory_space<hbm>> -> memref<1x80xi32, #tpu.memory_space<hbm>>
      %dma_wait3A_655 = tpu.memref_squeeze %dma_wait3A_654 : memref<1x80xi32, #tpu.memory_space<hbm>> -> memref<80xi32, #tpu.memory_space<hbm>>
      %dma_wait3A_656 = arith.constant 0 : i32
      %dma_wait3A_657 = tpu.memref_slice %arg7[%dma_wait3A_645, %dma_wait3A_656] : memref<6x80xi32, #tpu.memory_space<vmem>> -> memref<1x80xi32, #tpu.memory_space<vmem>>
      %dma_wait3A_658 = tpu.memref_squeeze %dma_wait3A_657 : memref<1x80xi32, #tpu.memory_space<vmem>> -> memref<80xi32, #tpu.memory_space<vmem>>
      %dma_wait3A_659 = arith.constant 0 : i32
      %dma_wait3A_660 = arith.constant 0 : i32
      %dma_wait3A_661 = tpu.memref_slice %arg3[%add3A, %dma_wait3A_659, %dma_wait3A_660] : memref<32x125x80xi32, #tpu.memory_space<hbm>> -> memref<1x125x80xi32, #tpu.memory_space<hbm>>
      %dma_wait3A_662 = tpu.memref_squeeze %dma_wait3A_661 : memref<1x125x80xi32, #tpu.memory_space<hbm>> -> memref<125x80xi32, #tpu.memory_space<hbm>>
      %dma_wait3A_663 = arith.constant 0 : i32
      %dma_wait3A_664 = tpu.memref_slice %dma_wait3A_662[%dma_wait3A_644, %dma_wait3A_663] : memref<125x80xi32, #tpu.memory_space<hbm>> -> memref<1x80xi32, #tpu.memory_space<hbm>>
      %dma_wait3A_665 = tpu.memref_squeeze %dma_wait3A_664 : memref<1x80xi32, #tpu.memory_space<hbm>> -> memref<80xi32, #tpu.memory_space<hbm>>
      tpu.wait_dma2 semaphore(%arg19 : memref<!tpu.dma_semaphore, #tpu.memory_space<semaphore_mem>>) src(%dma_wait3A_665 : memref<80xi32, #tpu.memory_space<hbm>>) dst(%dma_wait3A_658 : memref<80xi32, #tpu.memory_space<vmem>>)
      %dma_wait3A_666 = arith.constant 0 : i32
      %dma_wait3A_667 = arith.constant 0 : i32
      %dma_wait3A_668 = arith.constant 0 : i32
      %dma_wait3A_669 = tpu.memref_slice %arg8[%dma_wait3A_667, %dma_wait3A_668] : memref<6x80xi32, #tpu.memory_space<vmem>> -> memref<1x80xi32, #tpu.memory_space<vmem>>
      %dma_wait3A_670 = tpu.memref_squeeze %dma_wait3A_669 : memref<1x80xi32, #tpu.memory_space<vmem>> -> memref<80xi32, #tpu.memory_space<vmem>>
      %dma_wait3A_671 = arith.constant 0 : i32
      %dma_wait3A_672 = arith.constant 0 : i32
      %dma_wait3A_673 = tpu.memref_slice %arg4[%add3A, %dma_wait3A_671, %dma_wait3A_672] : memref<32x125x80xi32, #tpu.memory_space<hbm>> -> memref<1x125x80xi32, #tpu.memory_space<hbm>>
      %dma_wait3A_674 = tpu.memref_squeeze %dma_wait3A_673 : memref<1x125x80xi32, #tpu.memory_space<hbm>> -> memref<125x80xi32, #tpu.memory_space<hbm>>
      %dma_wait3A_675 = arith.constant 0 : i32
      %dma_wait3A_676 = tpu.memref_slice %dma_wait3A_674[%dma_wait3A_666, %dma_wait3A_675] : memref<125x80xi32, #tpu.memory_space<hbm>> -> memref<1x80xi32, #tpu.memory_space<hbm>>
      %dma_wait3A_677 = tpu.memref_squeeze %dma_wait3A_676 : memref<1x80xi32, #tpu.memory_space<hbm>> -> memref<80xi32, #tpu.memory_space<hbm>>
      %dma_wait3A_678 = arith.constant 0 : i32
      %dma_wait3A_679 = tpu.memref_slice %arg8[%dma_wait3A_667, %dma_wait3A_678] : memref<6x80xi32, #tpu.memory_space<vmem>> -> memref<1x80xi32, #tpu.memory_space<vmem>>
      %dma_wait3A_680 = tpu.memref_squeeze %dma_wait3A_679 : memref<1x80xi32, #tpu.memory_space<vmem>> -> memref<80xi32, #tpu.memory_space<vmem>>
      %dma_wait3A_681 = arith.constant 0 : i32
      %dma_wait3A_682 = arith.constant 0 : i32
      %dma_wait3A_683 = tpu.memref_slice %arg4[%add3A, %dma_wait3A_681, %dma_wait3A_682] : memref<32x125x80xi32, #tpu.memory_space<hbm>> -> memref<1x125x80xi32, #tpu.memory_space<hbm>>
      %dma_wait3A_684 = tpu.memref_squeeze %dma_wait3A_683 : memref<1x125x80xi32, #tpu.memory_space<hbm>> -> memref<125x80xi32, #tpu.memory_space<hbm>>
      %dma_wait3A_685 = arith.constant 0 : i32
      %dma_wait3A_686 = tpu.memref_slice %dma_wait3A_684[%dma_wait3A_666, %dma_wait3A_685] : memref<125x80xi32, #tpu.memory_space<hbm>> -> memref<1x80xi32, #tpu.memory_space<hbm>>
      %dma_wait3A_687 = tpu.memref_squeeze %dma_wait3A_686 : memref<1x80xi32, #tpu.memory_space<hbm>> -> memref<80xi32, #tpu.memory_space<hbm>>
      tpu.wait_dma2 semaphore(%arg19 : memref<!tpu.dma_semaphore, #tpu.memory_space<semaphore_mem>>) src(%dma_wait3A_687 : memref<80xi32, #tpu.memory_space<hbm>>) dst(%dma_wait3A_680 : memref<80xi32, #tpu.memory_space<vmem>>)
      %dma_start3A_688 = arith.constant 0 : i32
      %dma_start3A_689 = arith.constant 0 : i32
      %dma_start3A_690 = tpu.memref_slice %arg7[%dma_start3A_688, %dma_start3A_689] : memref<6x80xi32, #tpu.memory_space<vmem>> -> memref<1x80xi32, #tpu.memory_space<vmem>>
      %dma_start3A_691 = tpu.memref_squeeze %dma_start3A_690 : memref<1x80xi32, #tpu.memory_space<vmem>> -> memref<80xi32, #tpu.memory_space<vmem>>
      %dma_start3A_692 = arith.constant 0 : i32
      %dma_start3A_693 = arith.constant 0 : i32
      %dma_start3A_694 = tpu.memref_slice %arg2[%dma_start3A_692, %dma_start3A_693] : memref<10000x128xf32, #tpu.memory_space<hbm>> -> memref<10000x128xf32, #tpu.memory_space<hbm>>
      tpu.enqueue_indirect_dma source(%dma_start3A_694 : memref<10000x128xf32, #tpu.memory_space<hbm>>) target(%arg9 : memref<80x128xf32, #tpu.memory_space<vmem>>) offsets(%dma_start3A_691 : memref<80xi32, #tpu.memory_space<vmem>>) semaphore(%arg13 : memref<!tpu.dma_semaphore, #tpu.memory_space<semaphore_mem>>)
      %dma_wait3A_695 = arith.constant 0 : i32
      %dma_wait3A_696 = arith.constant 1 : i32
      %dma_wait3A_697 = arith.constant 0 : i32
      %dma_wait3A_698 = tpu.memref_slice %arg7[%dma_wait3A_696, %dma_wait3A_697] : memref<6x80xi32, #tpu.memory_space<vmem>> -> memref<1x80xi32, #tpu.memory_space<vmem>>
      %dma_wait3A_699 = tpu.memref_squeeze %dma_wait3A_698 : memref<1x80xi32, #tpu.memory_space<vmem>> -> memref<80xi32, #tpu.memory_space<vmem>>
      %dma_wait3A_700 = arith.constant 0 : i32
      %dma_wait3A_701 = arith.constant 0 : i32
      %dma_wait3A_702 = tpu.memref_slice %arg3[%add3A, %dma_wait3A_700, %dma_wait3A_701] : memref<32x125x80xi32, #tpu.memory_space<hbm>> -> memref<1x125x80xi32, #tpu.memory_space<hbm>>
      %dma_wait3A_703 = tpu.memref_squeeze %dma_wait3A_702 : memref<1x125x80xi32, #tpu.memory_space<hbm>> -> memref<125x80xi32, #tpu.memory_space<hbm>>
      %dma_wait3A_704 = arith.constant 0 : i32
      %dma_wait3A_705 = tpu.memref_slice %dma_wait3A_703[%dma_wait3A_695, %dma_wait3A_704] : memref<125x80xi32, #tpu.memory_space<hbm>> -> memref<1x80xi32, #tpu.memory_space<hbm>>
      %dma_wait3A_706 = tpu.memref_squeeze %dma_wait3A_705 : memref<1x80xi32, #tpu.memory_space<hbm>> -> memref<80xi32, #tpu.memory_space<hbm>>
      %dma_wait3A_707 = arith.constant 0 : i32
      %dma_wait3A_708 = tpu.memref_slice %arg7[%dma_wait3A_696, %dma_wait3A_707] : memref<6x80xi32, #tpu.memory_space<vmem>> -> memref<1x80xi32, #tpu.memory_space<vmem>>
      %dma_wait3A_709 = tpu.memref_squeeze %dma_wait3A_708 : memref<1x80xi32, #tpu.memory_space<vmem>> -> memref<80xi32, #tpu.memory_space<vmem>>
      %dma_wait3A_710 = arith.constant 0 : i32
      %dma_wait3A_711 = arith.constant 0 : i32
      %dma_wait3A_712 = tpu.memref_slice %arg3[%add3A, %dma_wait3A_710, %dma_wait3A_711] : memref<32x125x80xi32, #tpu.memory_space<hbm>> -> memref<1x125x80xi32, #tpu.memory_space<hbm>>
      %dma_wait3A_713 = tpu.memref_squeeze %dma_wait3A_712 : memref<1x125x80xi32, #tpu.memory_space<hbm>> -> memref<125x80xi32, #tpu.memory_space<hbm>>
      %dma_wait3A_714 = arith.constant 0 : i32
      %dma_wait3A_715 = tpu.memref_slice %dma_wait3A_713[%dma_wait3A_695, %dma_wait3A_714] : memref<125x80xi32, #tpu.memory_space<hbm>> -> memref<1x80xi32, #tpu.memory_space<hbm>>
      %dma_wait3A_716 = tpu.memref_squeeze %dma_wait3A_715 : memref<1x80xi32, #tpu.memory_space<hbm>> -> memref<80xi32, #tpu.memory_space<hbm>>
      tpu.wait_dma2 semaphore(%arg20 : memref<!tpu.dma_semaphore, #tpu.memory_space<semaphore_mem>>) src(%dma_wait3A_716 : memref<80xi32, #tpu.memory_space<hbm>>) dst(%dma_wait3A_709 : memref<80xi32, #tpu.memory_space<vmem>>)
      %dma_wait3A_717 = arith.constant 0 : i32
      %dma_wait3A_718 = arith.constant 1 : i32
      %dma_wait3A_719 = arith.constant 0 : i32
      %dma_wait3A_720 = tpu.memref_slice %arg8[%dma_wait3A_718, %dma_wait3A_719] : memref<6x80xi32, #tpu.memory_space<vmem>> -> memref<1x80xi32, #tpu.memory_space<vmem>>
      %dma_wait3A_721 = tpu.memref_squeeze %dma_wait3A_720 : memref<1x80xi32, #tpu.memory_space<vmem>> -> memref<80xi32, #tpu.memory_space<vmem>>
      %dma_wait3A_722 = arith.constant 0 : i32
      %dma_wait3A_723 = arith.constant 0 : i32
      %dma_wait3A_724 = tpu.memref_slice %arg4[%add3A, %dma_wait3A_722, %dma_wait3A_723] : memref<32x125x80xi32, #tpu.memory_space<hbm>> -> memref<1x125x80xi32, #tpu.memory_space<hbm>>
      %dma_wait3A_725 = tpu.memref_squeeze %dma_wait3A_724 : memref<1x125x80xi32, #tpu.memory_space<hbm>> -> memref<125x80xi32, #tpu.memory_space<hbm>>
      %dma_wait3A_726 = arith.constant 0 : i32
      %dma_wait3A_727 = tpu.memref_slice %dma_wait3A_725[%dma_wait3A_717, %dma_wait3A_726] : memref<125x80xi32, #tpu.memory_space<hbm>> -> memref<1x80xi32, #tpu.memory_space<hbm>>
      %dma_wait3A_728 = tpu.memref_squeeze %dma_wait3A_727 : memref<1x80xi32, #tpu.memory_space<hbm>> -> memref<80xi32, #tpu.memory_space<hbm>>
      %dma_wait3A_729 = arith.constant 0 : i32
      %dma_wait3A_730 = tpu.memref_slice %arg8[%dma_wait3A_718, %dma_wait3A_729] : memref<6x80xi32, #tpu.memory_space<vmem>> -> memref<1x80xi32, #tpu.memory_space<vmem>>
      %dma_wait3A_731 = tpu.memref_squeeze %dma_wait3A_730 : memref<1x80xi32, #tpu.memory_space<vmem>> -> memref<80xi32, #tpu.memory_space<vmem>>
      %dma_wait3A_732 = arith.constant 0 : i32
      %dma_wait3A_733 = arith.constant 0 : i32
      %dma_wait3A_734 = tpu.memref_slice %arg4[%add3A, %dma_wait3A_732, %dma_wait3A_733] : memref<32x125x80xi32, #tpu.memory_space<hbm>> -> memref<1x125x80xi32, #tpu.memory_space<hbm>>
      %dma_wait3A_735 = tpu.memref_squeeze %dma_wait3A_734 : memref<1x125x80xi32, #tpu.memory_space<hbm>> -> memref<125x80xi32, #tpu.memory_space<hbm>>
      %dma_wait3A_736 = arith.constant 0 : i32
      %dma_wait3A_737 = tpu.memref_slice %dma_wait3A_735[%dma_wait3A_717, %dma_wait3A_736] : memref<125x80xi32, #tpu.memory_space<hbm>> -> memref<1x80xi32, #tpu.memory_space<hbm>>
      %dma_wait3A_738 = tpu.memref_squeeze %dma_wait3A_737 : memref<1x80xi32, #tpu.memory_space<hbm>> -> memref<80xi32, #tpu.memory_space<hbm>>
      tpu.wait_dma2 semaphore(%arg20 : memref<!tpu.dma_semaphore, #tpu.memory_space<semaphore_mem>>) src(%dma_wait3A_738 : memref<80xi32, #tpu.memory_space<hbm>>) dst(%dma_wait3A_731 : memref<80xi32, #tpu.memory_space<vmem>>)
      %dma_start3A_739 = arith.constant 1 : i32
      %dma_start3A_740 = arith.constant 0 : i32
      %dma_start3A_741 = tpu.memref_slice %arg7[%dma_start3A_739, %dma_start3A_740] : memref<6x80xi32, #tpu.memory_space<vmem>> -> memref<1x80xi32, #tpu.memory_space<vmem>>
      %dma_start3A_742 = tpu.memref_squeeze %dma_start3A_741 : memref<1x80xi32, #tpu.memory_space<vmem>> -> memref<80xi32, #tpu.memory_space<vmem>>
      %dma_start3A_743 = arith.constant 0 : i32
      %dma_start3A_744 = arith.constant 0 : i32
      %dma_start3A_745 = tpu.memref_slice %arg2[%dma_start3A_743, %dma_start3A_744] : memref<10000x128xf32, #tpu.memory_space<hbm>> -> memref<10000x128xf32, #tpu.memory_space<hbm>>
      tpu.enqueue_indirect_dma source(%dma_start3A_745 : memref<10000x128xf32, #tpu.memory_space<hbm>>) target(%arg10 : memref<80x128xf32, #tpu.memory_space<vmem>>) offsets(%dma_start3A_742 : memref<80xi32, #tpu.memory_space<vmem>>) semaphore(%arg14 : memref<!tpu.dma_semaphore, #tpu.memory_space<semaphore_mem>>)
      %dma_wait3A_746 = arith.constant 0 : i32
      %dma_wait3A_747 = arith.constant 2 : i32
      %dma_wait3A_748 = arith.constant 0 : i32
      %dma_wait3A_749 = tpu.memref_slice %arg7[%dma_wait3A_747, %dma_wait3A_748] : memref<6x80xi32, #tpu.memory_space<vmem>> -> memref<1x80xi32, #tpu.memory_space<vmem>>
      %dma_wait3A_750 = tpu.memref_squeeze %dma_wait3A_749 : memref<1x80xi32, #tpu.memory_space<vmem>> -> memref<80xi32, #tpu.memory_space<vmem>>
      %dma_wait3A_751 = arith.constant 0 : i32
      %dma_wait3A_752 = arith.constant 0 : i32
      %dma_wait3A_753 = tpu.memref_slice %arg3[%add3A, %dma_wait3A_751, %dma_wait3A_752] : memref<32x125x80xi32, #tpu.memory_space<hbm>> -> memref<1x125x80xi32, #tpu.memory_space<hbm>>
      %dma_wait3A_754 = tpu.memref_squeeze %dma_wait3A_753 : memref<1x125x80xi32, #tpu.memory_space<hbm>> -> memref<125x80xi32, #tpu.memory_space<hbm>>
      %dma_wait3A_755 = arith.constant 0 : i32
      %dma_wait3A_756 = tpu.memref_slice %dma_wait3A_754[%dma_wait3A_746, %dma_wait3A_755] : memref<125x80xi32, #tpu.memory_space<hbm>> -> memref<1x80xi32, #tpu.memory_space<hbm>>
      %dma_wait3A_757 = tpu.memref_squeeze %dma_wait3A_756 : memref<1x80xi32, #tpu.memory_space<hbm>> -> memref<80xi32, #tpu.memory_space<hbm>>
      %dma_wait3A_758 = arith.constant 0 : i32
      %dma_wait3A_759 = tpu.memref_slice %arg7[%dma_wait3A_747, %dma_wait3A_758] : memref<6x80xi32, #tpu.memory_space<vmem>> -> memref<1x80xi32, #tpu.memory_space<vmem>>
      %dma_wait3A_760 = tpu.memref_squeeze %dma_wait3A_759 : memref<1x80xi32, #tpu.memory_space<vmem>> -> memref<80xi32, #tpu.memory_space<vmem>>
      %dma_wait3A_761 = arith.constant 0 : i32
      %dma_wait3A_762 = arith.constant 0 : i32
      %dma_wait3A_763 = tpu.memref_slice %arg3[%add3A, %dma_wait3A_761, %dma_wait3A_762] : memref<32x125x80xi32, #tpu.memory_space<hbm>> -> memref<1x125x80xi32, #tpu.memory_space<hbm>>
      %dma_wait3A_764 = tpu.memref_squeeze %dma_wait3A_763 : memref<1x125x80xi32, #tpu.memory_space<hbm>> -> memref<125x80xi32, #tpu.memory_space<hbm>>
      %dma_wait3A_765 = arith.constant 0 : i32
      %dma_wait3A_766 = tpu.memref_slice %dma_wait3A_764[%dma_wait3A_746, %dma_wait3A_765] : memref<125x80xi32, #tpu.memory_space<hbm>> -> memref<1x80xi32, #tpu.memory_space<hbm>>
      %dma_wait3A_767 = tpu.memref_squeeze %dma_wait3A_766 : memref<1x80xi32, #tpu.memory_space<hbm>> -> memref<80xi32, #tpu.memory_space<hbm>>
      tpu.wait_dma2 semaphore(%arg21 : memref<!tpu.dma_semaphore, #tpu.memory_space<semaphore_mem>>) src(%dma_wait3A_767 : memref<80xi32, #tpu.memory_space<hbm>>) dst(%dma_wait3A_760 : memref<80xi32, #tpu.memory_space<vmem>>)
      %dma_wait3A_768 = arith.constant 0 : i32
      %dma_wait3A_769 = arith.constant 2 : i32
      %dma_wait3A_770 = arith.constant 0 : i32
      %dma_wait3A_771 = tpu.memref_slice %arg8[%dma_wait3A_769, %dma_wait3A_770] : memref<6x80xi32, #tpu.memory_space<vmem>> -> memref<1x80xi32, #tpu.memory_space<vmem>>
      %dma_wait3A_772 = tpu.memref_squeeze %dma_wait3A_771 : memref<1x80xi32, #tpu.memory_space<vmem>> -> memref<80xi32, #tpu.memory_space<vmem>>
      %dma_wait3A_773 = arith.constant 0 : i32
      %dma_wait3A_774 = arith.constant 0 : i32
      %dma_wait3A_775 = tpu.memref_slice %arg4[%add3A, %dma_wait3A_773, %dma_wait3A_774] : memref<32x125x80xi32, #tpu.memory_space<hbm>> -> memref<1x125x80xi32, #tpu.memory_space<hbm>>
      %dma_wait3A_776 = tpu.memref_squeeze %dma_wait3A_775 : memref<1x125x80xi32, #tpu.memory_space<hbm>> -> memref<125x80xi32, #tpu.memory_space<hbm>>
      %dma_wait3A_777 = arith.constant 0 : i32
      %dma_wait3A_778 = tpu.memref_slice %dma_wait3A_776[%dma_wait3A_768, %dma_wait3A_777] : memref<125x80xi32, #tpu.memory_space<hbm>> -> memref<1x80xi32, #tpu.memory_space<hbm>>
      %dma_wait3A_779 = tpu.memref_squeeze %dma_wait3A_778 : memref<1x80xi32, #tpu.memory_space<hbm>> -> memref<80xi32, #tpu.memory_space<hbm>>
      %dma_wait3A_780 = arith.constant 0 : i32
      %dma_wait3A_781 = tpu.memref_slice %arg8[%dma_wait3A_769, %dma_wait3A_780] : memref<6x80xi32, #tpu.memory_space<vmem>> -> memref<1x80xi32, #tpu.memory_space<vmem>>
      %dma_wait3A_782 = tpu.memref_squeeze %dma_wait3A_781 : memref<1x80xi32, #tpu.memory_space<vmem>> -> memref<80xi32, #tpu.memory_space<vmem>>
      %dma_wait3A_783 = arith.constant 0 : i32
      %dma_wait3A_784 = arith.constant 0 : i32
      %dma_wait3A_785 = tpu.memref_slice %arg4[%add3A, %dma_wait3A_783, %dma_wait3A_784] : memref<32x125x80xi32, #tpu.memory_space<hbm>> -> memref<1x125x80xi32, #tpu.memory_space<hbm>>
      %dma_wait3A_786 = tpu.memref_squeeze %dma_wait3A_785 : memref<1x125x80xi32, #tpu.memory_space<hbm>> -> memref<125x80xi32, #tpu.memory_space<hbm>>
      %dma_wait3A_787 = arith.constant 0 : i32
      %dma_wait3A_788 = tpu.memref_slice %dma_wait3A_786[%dma_wait3A_768, %dma_wait3A_787] : memref<125x80xi32, #tpu.memory_space<hbm>> -> memref<1x80xi32, #tpu.memory_space<hbm>>
      %dma_wait3A_789 = tpu.memref_squeeze %dma_wait3A_788 : memref<1x80xi32, #tpu.memory_space<hbm>> -> memref<80xi32, #tpu.memory_space<hbm>>
      tpu.wait_dma2 semaphore(%arg21 : memref<!tpu.dma_semaphore, #tpu.memory_space<semaphore_mem>>) src(%dma_wait3A_789 : memref<80xi32, #tpu.memory_space<hbm>>) dst(%dma_wait3A_782 : memref<80xi32, #tpu.memory_space<vmem>>)
      %dma_start3A_790 = arith.constant 2 : i32
      %dma_start3A_791 = arith.constant 0 : i32
      %dma_start3A_792 = tpu.memref_slice %arg7[%dma_start3A_790, %dma_start3A_791] : memref<6x80xi32, #tpu.memory_space<vmem>> -> memref<1x80xi32, #tpu.memory_space<vmem>>
      %dma_start3A_793 = tpu.memref_squeeze %dma_start3A_792 : memref<1x80xi32, #tpu.memory_space<vmem>> -> memref<80xi32, #tpu.memory_space<vmem>>
      %dma_start3A_794 = arith.constant 0 : i32
      %dma_start3A_795 = arith.constant 0 : i32
      %dma_start3A_796 = tpu.memref_slice %arg2[%dma_start3A_794, %dma_start3A_795] : memref<10000x128xf32, #tpu.memory_space<hbm>> -> memref<10000x128xf32, #tpu.memory_space<hbm>>
      tpu.enqueue_indirect_dma source(%dma_start3A_796 : memref<10000x128xf32, #tpu.memory_space<hbm>>) target(%arg11 : memref<80x128xf32, #tpu.memory_space<vmem>>) offsets(%dma_start3A_793 : memref<80xi32, #tpu.memory_space<vmem>>) semaphore(%arg15 : memref<!tpu.dma_semaphore, #tpu.memory_space<semaphore_mem>>)
      %dma_wait3A_797 = arith.constant 0 : i32
      %dma_wait3A_798 = arith.constant 0 : i32
      %dma_wait3A_799 = tpu.memref_slice %arg7[%dma_wait3A_797, %dma_wait3A_798] : memref<6x80xi32, #tpu.memory_space<vmem>> -> memref<1x80xi32, #tpu.memory_space<vmem>>
      %dma_wait3A_800 = tpu.memref_squeeze %dma_wait3A_799 : memref<1x80xi32, #tpu.memory_space<vmem>> -> memref<80xi32, #tpu.memory_space<vmem>>
      %dma_wait3A_801 = arith.constant 0 : i32
      %dma_wait3A_802 = arith.constant 0 : i32
      %dma_wait3A_803 = tpu.memref_slice %arg2[%dma_wait3A_801, %dma_wait3A_802] : memref<10000x128xf32, #tpu.memory_space<hbm>> -> memref<10000x128xf32, #tpu.memory_space<hbm>>
      tpu.wait_indirect_dma semaphore(%arg13 : memref<!tpu.dma_semaphore, #tpu.memory_space<semaphore_mem>>) src(%dma_wait3A_803 : memref<10000x128xf32, #tpu.memory_space<hbm>>) dst(%arg9 : memref<80x128xf32, #tpu.memory_space<vmem>>)
      %dma_start3A_804 = arith.constant 0 : i32
      %dma_start3A_805 = arith.constant 0 : i32
      %dma_start3A_806 = tpu.memref_slice %arg8[%dma_start3A_804, %dma_start3A_805] : memref<6x80xi32, #tpu.memory_space<vmem>> -> memref<1x80xi32, #tpu.memory_space<vmem>>
      %dma_start3A_807 = tpu.memref_squeeze %dma_start3A_806 : memref<1x80xi32, #tpu.memory_space<vmem>> -> memref<80xi32, #tpu.memory_space<vmem>>
      %dma_start3A_808 = arith.constant 0 : i32
      %dma_start3A_809 = arith.constant 0 : i32
      %dma_start3A_810 = tpu.memref_slice %arg12[%dma_start3A_808, %dma_start3A_809] : memref<10000x128xf32, #tpu.memory_space<vmem_shared>> -> memref<10000x128xf32, #tpu.memory_space<vmem_shared>>
      tpu.enqueue_indirect_dma source(%arg9 : memref<80x128xf32, #tpu.memory_space<vmem>>) target(%dma_start3A_810 : memref<10000x128xf32, #tpu.memory_space<vmem_shared>>) offsets(%dma_start3A_807 : memref<80xi32, #tpu.memory_space<vmem>>) semaphore(%arg16 : memref<!tpu.dma_semaphore, #tpu.memory_space<semaphore_mem>>) {add = true}
      %dma_wait3A_811 = arith.constant 0 : i32
      %dma_wait3A_812 = arith.constant 0 : i32
      %dma_wait3A_813 = tpu.memref_slice %arg7[%dma_wait3A_811, %dma_wait3A_812] : memref<6x80xi32, #tpu.memory_space<vmem>> -> memref<1x80xi32, #tpu.memory_space<vmem>>
      %dma_wait3A_814 = tpu.memref_squeeze %dma_wait3A_813 : memref<1x80xi32, #tpu.memory_space<vmem>> -> memref<80xi32, #tpu.memory_space<vmem>>
      %dma_wait3A_815 = arith.constant 0 : i32
      %dma_wait3A_816 = arith.constant 0 : i32
      %dma_wait3A_817 = tpu.memref_slice %arg2[%dma_wait3A_815, %dma_wait3A_816] : memref<10000x128xf32, #tpu.memory_space<hbm>> -> memref<10000x128xf32, #tpu.memory_space<hbm>>
      tpu.wait_indirect_dma semaphore(%arg14 : memref<!tpu.dma_semaphore, #tpu.memory_space<semaphore_mem>>) src(%dma_wait3A_817 : memref<10000x128xf32, #tpu.memory_space<hbm>>) dst(%arg10 : memref<80x128xf32, #tpu.memory_space<vmem>>)
      %dma_start3A_818 = arith.constant 1 : i32
      %dma_start3A_819 = arith.constant 0 : i32
      %dma_start3A_820 = tpu.memref_slice %arg8[%dma_start3A_818, %dma_start3A_819] : memref<6x80xi32, #tpu.memory_space<vmem>> -> memref<1x80xi32, #tpu.memory_space<vmem>>
      %dma_start3A_821 = tpu.memref_squeeze %dma_start3A_820 : memref<1x80xi32, #tpu.memory_space<vmem>> -> memref<80xi32, #tpu.memory_space<vmem>>
      %dma_start3A_822 = arith.constant 0 : i32
      %dma_start3A_823 = arith.constant 0 : i32
      %dma_start3A_824 = tpu.memref_slice %arg12[%dma_start3A_822, %dma_start3A_823] : memref<10000x128xf32, #tpu.memory_space<vmem_shared>> -> memref<10000x128xf32, #tpu.memory_space<vmem_shared>>
      tpu.enqueue_indirect_dma source(%arg10 : memref<80x128xf32, #tpu.memory_space<vmem>>) target(%dma_start3A_824 : memref<10000x128xf32, #tpu.memory_space<vmem_shared>>) offsets(%dma_start3A_821 : memref<80xi32, #tpu.memory_space<vmem>>) semaphore(%arg17 : memref<!tpu.dma_semaphore, #tpu.memory_space<semaphore_mem>>) {add = true}
      %dma_wait3A_825 = arith.constant 0 : i32
      %dma_wait3A_826 = arith.constant 0 : i32
      %dma_wait3A_827 = tpu.memref_slice %arg7[%dma_wait3A_825, %dma_wait3A_826] : memref<6x80xi32, #tpu.memory_space<vmem>> -> memref<1x80xi32, #tpu.memory_space<vmem>>
      %dma_wait3A_828 = tpu.memref_squeeze %dma_wait3A_827 : memref<1x80xi32, #tpu.memory_space<vmem>> -> memref<80xi32, #tpu.memory_space<vmem>>
      %dma_wait3A_829 = arith.constant 0 : i32
      %dma_wait3A_830 = arith.constant 0 : i32
      %dma_wait3A_831 = tpu.memref_slice %arg2[%dma_wait3A_829, %dma_wait3A_830] : memref<10000x128xf32, #tpu.memory_space<hbm>> -> memref<10000x128xf32, #tpu.memory_space<hbm>>
      tpu.wait_indirect_dma semaphore(%arg15 : memref<!tpu.dma_semaphore, #tpu.memory_space<semaphore_mem>>) src(%dma_wait3A_831 : memref<10000x128xf32, #tpu.memory_space<hbm>>) dst(%arg11 : memref<80x128xf32, #tpu.memory_space<vmem>>)
      %dma_start3A_832 = arith.constant 2 : i32
      %dma_start3A_833 = arith.constant 0 : i32
      %dma_start3A_834 = tpu.memref_slice %arg8[%dma_start3A_832, %dma_start3A_833] : memref<6x80xi32, #tpu.memory_space<vmem>> -> memref<1x80xi32, #tpu.memory_space<vmem>>
      %dma_start3A_835 = tpu.memref_squeeze %dma_start3A_834 : memref<1x80xi32, #tpu.memory_space<vmem>> -> memref<80xi32, #tpu.memory_space<vmem>>
      %dma_start3A_836 = arith.constant 0 : i32
      %dma_start3A_837 = arith.constant 0 : i32
      %dma_start3A_838 = tpu.memref_slice %arg12[%dma_start3A_836, %dma_start3A_837] : memref<10000x128xf32, #tpu.memory_space<vmem_shared>> -> memref<10000x128xf32, #tpu.memory_space<vmem_shared>>
      tpu.enqueue_indirect_dma source(%arg11 : memref<80x128xf32, #tpu.memory_space<vmem>>) target(%dma_start3A_838 : memref<10000x128xf32, #tpu.memory_space<vmem_shared>>) offsets(%dma_start3A_835 : memref<80xi32, #tpu.memory_space<vmem>>) semaphore(%arg18 : memref<!tpu.dma_semaphore, #tpu.memory_space<semaphore_mem>>) {add = true}
      %dma_wait3A_839 = arith.constant 0 : i32
      %dma_wait3A_840 = arith.constant 0 : i32
      %dma_wait3A_841 = tpu.memref_slice %arg8[%dma_wait3A_839, %dma_wait3A_840] : memref<6x80xi32, #tpu.memory_space<vmem>> -> memref<1x80xi32, #tpu.memory_space<vmem>>
      %dma_wait3A_842 = tpu.memref_squeeze %dma_wait3A_841 : memref<1x80xi32, #tpu.memory_space<vmem>> -> memref<80xi32, #tpu.memory_space<vmem>>
      %dma_wait3A_843 = arith.constant 0 : i32
      %dma_wait3A_844 = arith.constant 0 : i32
      %dma_wait3A_845 = tpu.memref_slice %arg12[%dma_wait3A_843, %dma_wait3A_844] : memref<10000x128xf32, #tpu.memory_space<vmem_shared>> -> memref<10000x128xf32, #tpu.memory_space<vmem_shared>>
      tpu.wait_indirect_dma semaphore(%arg16 : memref<!tpu.dma_semaphore, #tpu.memory_space<semaphore_mem>>) src(%arg9 : memref<80x128xf32, #tpu.memory_space<vmem>>) dst(%dma_wait3A_845 : memref<10000x128xf32, #tpu.memory_space<vmem_shared>>)
      %add3A_846 = arith.constant 6 : i32
      %add3A_847 = arith.addi %mul3A_643, %add3A_846 : i32
      %add3A_848 = arith.constant 0 : i32
      %add3A_849 = arith.addi %add3A_847, %add3A_848 : i32
      %dma_start3A_850 = arith.constant 0 : i32
      %dma_start3A_851 = arith.constant 0 : i32
      %dma_start3A_852 = tpu.memref_slice %arg7[%dma_start3A_850, %dma_start3A_851] : memref<6x80xi32, #tpu.memory_space<vmem>> -> memref<1x80xi32, #tpu.memory_space<vmem>>
      %dma_start3A_853 = tpu.memref_squeeze %dma_start3A_852 : memref<1x80xi32, #tpu.memory_space<vmem>> -> memref<80xi32, #tpu.memory_space<vmem>>
      %dma_start3A_854 = arith.constant 0 : i32
      %dma_start3A_855 = arith.constant 0 : i32
      %dma_start3A_856 = tpu.memref_slice %arg3[%add3A, %dma_start3A_854, %dma_start3A_855] : memref<32x125x80xi32, #tpu.memory_space<hbm>> -> memref<1x125x80xi32, #tpu.memory_space<hbm>>
      %dma_start3A_857 = tpu.memref_squeeze %dma_start3A_856 : memref<1x125x80xi32, #tpu.memory_space<hbm>> -> memref<125x80xi32, #tpu.memory_space<hbm>>
      %dma_start3A_858 = arith.constant 0 : i32
      %dma_start3A_859 = tpu.memref_slice %dma_start3A_857[%add3A_849, %dma_start3A_858] : memref<125x80xi32, #tpu.memory_space<hbm>> -> memref<1x80xi32, #tpu.memory_space<hbm>>
      %dma_start3A_860 = tpu.memref_squeeze %dma_start3A_859 : memref<1x80xi32, #tpu.memory_space<hbm>> -> memref<80xi32, #tpu.memory_space<hbm>>
      %dma_start3A_861 = arith.constant 0 : i32
      %dma_start3A_862 = tpu.memref_slice %arg7[%dma_start3A_850, %dma_start3A_861] : memref<6x80xi32, #tpu.memory_space<vmem>> -> memref<1x80xi32, #tpu.memory_space<vmem>>
      %dma_start3A_863 = tpu.memref_squeeze %dma_start3A_862 : memref<1x80xi32, #tpu.memory_space<vmem>> -> memref<80xi32, #tpu.memory_space<vmem>>
      %dma_start3A_864 = arith.constant 0 : i32
      %dma_start3A_865 = arith.constant 0 : i32
      %dma_start3A_866 = tpu.memref_slice %arg3[%add3A, %dma_start3A_864, %dma_start3A_865] : memref<32x125x80xi32, #tpu.memory_space<hbm>> -> memref<1x125x80xi32, #tpu.memory_space<hbm>>
      %dma_start3A_867 = tpu.memref_squeeze %dma_start3A_866 : memref<1x125x80xi32, #tpu.memory_space<hbm>> -> memref<125x80xi32, #tpu.memory_space<hbm>>
      %dma_start3A_868 = arith.constant 0 : i32
      %dma_start3A_869 = tpu.memref_slice %dma_start3A_867[%add3A_849, %dma_start3A_868] : memref<125x80xi32, #tpu.memory_space<hbm>> -> memref<1x80xi32, #tpu.memory_space<hbm>>
      %dma_start3A_870 = tpu.memref_squeeze %dma_start3A_869 : memref<1x80xi32, #tpu.memory_space<hbm>> -> memref<80xi32, #tpu.memory_space<hbm>>
      tpu.enqueue_dma source(%dma_start3A_870 : memref<80xi32, #tpu.memory_space<hbm>>) target(%dma_start3A_863 : memref<80xi32, #tpu.memory_space<vmem>>) target_semaphore(%arg19 : memref<!tpu.dma_semaphore, #tpu.memory_space<semaphore_mem>>)
      %dma_start3A_871 = arith.constant 0 : i32
      %dma_start3A_872 = arith.constant 0 : i32
      %dma_start3A_873 = tpu.memref_slice %arg8[%dma_start3A_871, %dma_start3A_872] : memref<6x80xi32, #tpu.memory_space<vmem>> -> memref<1x80xi32, #tpu.memory_space<vmem>>
      %dma_start3A_874 = tpu.memref_squeeze %dma_start3A_873 : memref<1x80xi32, #tpu.memory_space<vmem>> -> memref<80xi32, #tpu.memory_space<vmem>>
      %dma_start3A_875 = arith.constant 0 : i32
      %dma_start3A_876 = arith.constant 0 : i32
      %dma_start3A_877 = tpu.memref_slice %arg4[%add3A, %dma_start3A_875, %dma_start3A_876] : memref<32x125x80xi32, #tpu.memory_space<hbm>> -> memref<1x125x80xi32, #tpu.memory_space<hbm>>
      %dma_start3A_878 = tpu.memref_squeeze %dma_start3A_877 : memref<1x125x80xi32, #tpu.memory_space<hbm>> -> memref<125x80xi32, #tpu.memory_space<hbm>>
      %dma_start3A_879 = arith.constant 0 : i32
      %dma_start3A_880 = tpu.memref_slice %dma_start3A_878[%add3A_849, %dma_start3A_879] : memref<125x80xi32, #tpu.memory_space<hbm>> -> memref<1x80xi32, #tpu.memory_space<hbm>>
      %dma_start3A_881 = tpu.memref_squeeze %dma_start3A_880 : memref<1x80xi32, #tpu.memory_space<hbm>> -> memref<80xi32, #tpu.memory_space<hbm>>
      %dma_start3A_882 = arith.constant 0 : i32
      %dma_start3A_883 = tpu.memref_slice %arg8[%dma_start3A_871, %dma_start3A_882] : memref<6x80xi32, #tpu.memory_space<vmem>> -> memref<1x80xi32, #tpu.memory_space<vmem>>
      %dma_start3A_884 = tpu.memref_squeeze %dma_start3A_883 : memref<1x80xi32, #tpu.memory_space<vmem>> -> memref<80xi32, #tpu.memory_space<vmem>>
      %dma_start3A_885 = arith.constant 0 : i32
      %dma_start3A_886 = arith.constant 0 : i32
      %dma_start3A_887 = tpu.memref_slice %arg4[%add3A, %dma_start3A_885, %dma_start3A_886] : memref<32x125x80xi32, #tpu.memory_space<hbm>> -> memref<1x125x80xi32, #tpu.memory_space<hbm>>
      %dma_start3A_888 = tpu.memref_squeeze %dma_start3A_887 : memref<1x125x80xi32, #tpu.memory_space<hbm>> -> memref<125x80xi32, #tpu.memory_space<hbm>>
      %dma_start3A_889 = arith.constant 0 : i32
      %dma_start3A_890 = tpu.memref_slice %dma_start3A_888[%add3A_849, %dma_start3A_889] : memref<125x80xi32, #tpu.memory_space<hbm>> -> memref<1x80xi32, #tpu.memory_space<hbm>>
      %dma_start3A_891 = tpu.memref_squeeze %dma_start3A_890 : memref<1x80xi32, #tpu.memory_space<hbm>> -> memref<80xi32, #tpu.memory_space<hbm>>
      tpu.enqueue_dma source(%dma_start3A_891 : memref<80xi32, #tpu.memory_space<hbm>>) target(%dma_start3A_884 : memref<80xi32, #tpu.memory_space<vmem>>) target_semaphore(%arg19 : memref<!tpu.dma_semaphore, #tpu.memory_space<semaphore_mem>>)
      %dma_wait3A_892 = arith.constant 0 : i32
      %dma_wait3A_893 = arith.constant 3 : i32
      %dma_wait3A_894 = arith.constant 0 : i32
      %dma_wait3A_895 = tpu.memref_slice %arg7[%dma_wait3A_893, %dma_wait3A_894] : memref<6x80xi32, #tpu.memory_space<vmem>> -> memref<1x80xi32, #tpu.memory_space<vmem>>
      %dma_wait3A_896 = tpu.memref_squeeze %dma_wait3A_895 : memref<1x80xi32, #tpu.memory_space<vmem>> -> memref<80xi32, #tpu.memory_space<vmem>>
      %dma_wait3A_897 = arith.constant 0 : i32
      %dma_wait3A_898 = arith.constant 0 : i32
      %dma_wait3A_899 = tpu.memref_slice %arg3[%add3A, %dma_wait3A_897, %dma_wait3A_898] : memref<32x125x80xi32, #tpu.memory_space<hbm>> -> memref<1x125x80xi32, #tpu.memory_space<hbm>>
      %dma_wait3A_900 = tpu.memref_squeeze %dma_wait3A_899 : memref<1x125x80xi32, #tpu.memory_space<hbm>> -> memref<125x80xi32, #tpu.memory_space<hbm>>
      %dma_wait3A_901 = arith.constant 0 : i32
      %dma_wait3A_902 = tpu.memref_slice %dma_wait3A_900[%dma_wait3A_892, %dma_wait3A_901] : memref<125x80xi32, #tpu.memory_space<hbm>> -> memref<1x80xi32, #tpu.memory_space<hbm>>
      %dma_wait3A_903 = tpu.memref_squeeze %dma_wait3A_902 : memref<1x80xi32, #tpu.memory_space<hbm>> -> memref<80xi32, #tpu.memory_space<hbm>>
      %dma_wait3A_904 = arith.constant 0 : i32
      %dma_wait3A_905 = tpu.memref_slice %arg7[%dma_wait3A_893, %dma_wait3A_904] : memref<6x80xi32, #tpu.memory_space<vmem>> -> memref<1x80xi32, #tpu.memory_space<vmem>>
      %dma_wait3A_906 = tpu.memref_squeeze %dma_wait3A_905 : memref<1x80xi32, #tpu.memory_space<vmem>> -> memref<80xi32, #tpu.memory_space<vmem>>
      %dma_wait3A_907 = arith.constant 0 : i32
      %dma_wait3A_908 = arith.constant 0 : i32
      %dma_wait3A_909 = tpu.memref_slice %arg3[%add3A, %dma_wait3A_907, %dma_wait3A_908] : memref<32x125x80xi32, #tpu.memory_space<hbm>> -> memref<1x125x80xi32, #tpu.memory_space<hbm>>
      %dma_wait3A_910 = tpu.memref_squeeze %dma_wait3A_909 : memref<1x125x80xi32, #tpu.memory_space<hbm>> -> memref<125x80xi32, #tpu.memory_space<hbm>>
      %dma_wait3A_911 = arith.constant 0 : i32
      %dma_wait3A_912 = tpu.memref_slice %dma_wait3A_910[%dma_wait3A_892, %dma_wait3A_911] : memref<125x80xi32, #tpu.memory_space<hbm>> -> memref<1x80xi32, #tpu.memory_space<hbm>>
      %dma_wait3A_913 = tpu.memref_squeeze %dma_wait3A_912 : memref<1x80xi32, #tpu.memory_space<hbm>> -> memref<80xi32, #tpu.memory_space<hbm>>
      tpu.wait_dma2 semaphore(%arg22 : memref<!tpu.dma_semaphore, #tpu.memory_space<semaphore_mem>>) src(%dma_wait3A_913 : memref<80xi32, #tpu.memory_space<hbm>>) dst(%dma_wait3A_906 : memref<80xi32, #tpu.memory_space<vmem>>)
      %dma_wait3A_914 = arith.constant 0 : i32
      %dma_wait3A_915 = arith.constant 3 : i32
      %dma_wait3A_916 = arith.constant 0 : i32
      %dma_wait3A_917 = tpu.memref_slice %arg8[%dma_wait3A_915, %dma_wait3A_916] : memref<6x80xi32, #tpu.memory_space<vmem>> -> memref<1x80xi32, #tpu.memory_space<vmem>>
      %dma_wait3A_918 = tpu.memref_squeeze %dma_wait3A_917 : memref<1x80xi32, #tpu.memory_space<vmem>> -> memref<80xi32, #tpu.memory_space<vmem>>
      %dma_wait3A_919 = arith.constant 0 : i32
      %dma_wait3A_920 = arith.constant 0 : i32
      %dma_wait3A_921 = tpu.memref_slice %arg4[%add3A, %dma_wait3A_919, %dma_wait3A_920] : memref<32x125x80xi32, #tpu.memory_space<hbm>> -> memref<1x125x80xi32, #tpu.memory_space<hbm>>
      %dma_wait3A_922 = tpu.memref_squeeze %dma_wait3A_921 : memref<1x125x80xi32, #tpu.memory_space<hbm>> -> memref<125x80xi32, #tpu.memory_space<hbm>>
      %dma_wait3A_923 = arith.constant 0 : i32
      %dma_wait3A_924 = tpu.memref_slice %dma_wait3A_922[%dma_wait3A_914, %dma_wait3A_923] : memref<125x80xi32, #tpu.memory_space<hbm>> -> memref<1x80xi32, #tpu.memory_space<hbm>>
      %dma_wait3A_925 = tpu.memref_squeeze %dma_wait3A_924 : memref<1x80xi32, #tpu.memory_space<hbm>> -> memref<80xi32, #tpu.memory_space<hbm>>
      %dma_wait3A_926 = arith.constant 0 : i32
      %dma_wait3A_927 = tpu.memref_slice %arg8[%dma_wait3A_915, %dma_wait3A_926] : memref<6x80xi32, #tpu.memory_space<vmem>> -> memref<1x80xi32, #tpu.memory_space<vmem>>
      %dma_wait3A_928 = tpu.memref_squeeze %dma_wait3A_927 : memref<1x80xi32, #tpu.memory_space<vmem>> -> memref<80xi32, #tpu.memory_space<vmem>>
      %dma_wait3A_929 = arith.constant 0 : i32
      %dma_wait3A_930 = arith.constant 0 : i32
      %dma_wait3A_931 = tpu.memref_slice %arg4[%add3A, %dma_wait3A_929, %dma_wait3A_930] : memref<32x125x80xi32, #tpu.memory_space<hbm>> -> memref<1x125x80xi32, #tpu.memory_space<hbm>>
      %dma_wait3A_932 = tpu.memref_squeeze %dma_wait3A_931 : memref<1x125x80xi32, #tpu.memory_space<hbm>> -> memref<125x80xi32, #tpu.memory_space<hbm>>
      %dma_wait3A_933 = arith.constant 0 : i32
      %dma_wait3A_934 = tpu.memref_slice %dma_wait3A_932[%dma_wait3A_914, %dma_wait3A_933] : memref<125x80xi32, #tpu.memory_space<hbm>> -> memref<1x80xi32, #tpu.memory_space<hbm>>
      %dma_wait3A_935 = tpu.memref_squeeze %dma_wait3A_934 : memref<1x80xi32, #tpu.memory_space<hbm>> -> memref<80xi32, #tpu.memory_space<hbm>>
      tpu.wait_dma2 semaphore(%arg22 : memref<!tpu.dma_semaphore, #tpu.memory_space<semaphore_mem>>) src(%dma_wait3A_935 : memref<80xi32, #tpu.memory_space<hbm>>) dst(%dma_wait3A_928 : memref<80xi32, #tpu.memory_space<vmem>>)
      %dma_start3A_936 = arith.constant 3 : i32
      %dma_start3A_937 = arith.constant 0 : i32
      %dma_start3A_938 = tpu.memref_slice %arg7[%dma_start3A_936, %dma_start3A_937] : memref<6x80xi32, #tpu.memory_space<vmem>> -> memref<1x80xi32, #tpu.memory_space<vmem>>
      %dma_start3A_939 = tpu.memref_squeeze %dma_start3A_938 : memref<1x80xi32, #tpu.memory_space<vmem>> -> memref<80xi32, #tpu.memory_space<vmem>>
      %dma_start3A_940 = arith.constant 0 : i32
      %dma_start3A_941 = arith.constant 0 : i32
      %dma_start3A_942 = tpu.memref_slice %arg2[%dma_start3A_940, %dma_start3A_941] : memref<10000x128xf32, #tpu.memory_space<hbm>> -> memref<10000x128xf32, #tpu.memory_space<hbm>>
      tpu.enqueue_indirect_dma source(%dma_start3A_942 : memref<10000x128xf32, #tpu.memory_space<hbm>>) target(%arg9 : memref<80x128xf32, #tpu.memory_space<vmem>>) offsets(%dma_start3A_939 : memref<80xi32, #tpu.memory_space<vmem>>) semaphore(%arg13 : memref<!tpu.dma_semaphore, #tpu.memory_space<semaphore_mem>>)
      %dma_wait3A_943 = arith.constant 0 : i32
      %dma_wait3A_944 = arith.constant 0 : i32
      %dma_wait3A_945 = tpu.memref_slice %arg8[%dma_wait3A_943, %dma_wait3A_944] : memref<6x80xi32, #tpu.memory_space<vmem>> -> memref<1x80xi32, #tpu.memory_space<vmem>>
      %dma_wait3A_946 = tpu.memref_squeeze %dma_wait3A_945 : memref<1x80xi32, #tpu.memory_space<vmem>> -> memref<80xi32, #tpu.memory_space<vmem>>
      %dma_wait3A_947 = arith.constant 0 : i32
      %dma_wait3A_948 = arith.constant 0 : i32
      %dma_wait3A_949 = tpu.memref_slice %arg12[%dma_wait3A_947, %dma_wait3A_948] : memref<10000x128xf32, #tpu.memory_space<vmem_shared>> -> memref<10000x128xf32, #tpu.memory_space<vmem_shared>>
      tpu.wait_indirect_dma semaphore(%arg17 : memref<!tpu.dma_semaphore, #tpu.memory_space<semaphore_mem>>) src(%arg10 : memref<80x128xf32, #tpu.memory_space<vmem>>) dst(%dma_wait3A_949 : memref<10000x128xf32, #tpu.memory_space<vmem_shared>>)
      %add3A_950 = arith.constant 6 : i32
      %add3A_951 = arith.addi %mul3A_643, %add3A_950 : i32
      %add3A_952 = arith.constant 1 : i32
      %add3A_953 = arith.addi %add3A_951, %add3A_952 : i32
      %dma_start3A_954 = arith.constant 1 : i32
      %dma_start3A_955 = arith.constant 0 : i32
      %dma_start3A_956 = tpu.memref_slice %arg7[%dma_start3A_954, %dma_start3A_955] : memref<6x80xi32, #tpu.memory_space<vmem>> -> memref<1x80xi32, #tpu.memory_space<vmem>>
      %dma_start3A_957 = tpu.memref_squeeze %dma_start3A_956 : memref<1x80xi32, #tpu.memory_space<vmem>> -> memref<80xi32, #tpu.memory_space<vmem>>
      %dma_start3A_958 = arith.constant 0 : i32
      %dma_start3A_959 = arith.constant 0 : i32
      %dma_start3A_960 = tpu.memref_slice %arg3[%add3A, %dma_start3A_958, %dma_start3A_959] : memref<32x125x80xi32, #tpu.memory_space<hbm>> -> memref<1x125x80xi32, #tpu.memory_space<hbm>>
      %dma_start3A_961 = tpu.memref_squeeze %dma_start3A_960 : memref<1x125x80xi32, #tpu.memory_space<hbm>> -> memref<125x80xi32, #tpu.memory_space<hbm>>
      %dma_start3A_962 = arith.constant 0 : i32
      %dma_start3A_963 = tpu.memref_slice %dma_start3A_961[%add3A_953, %dma_start3A_962] : memref<125x80xi32, #tpu.memory_space<hbm>> -> memref<1x80xi32, #tpu.memory_space<hbm>>
      %dma_start3A_964 = tpu.memref_squeeze %dma_start3A_963 : memref<1x80xi32, #tpu.memory_space<hbm>> -> memref<80xi32, #tpu.memory_space<hbm>>
      %dma_start3A_965 = arith.constant 0 : i32
      %dma_start3A_966 = tpu.memref_slice %arg7[%dma_start3A_954, %dma_start3A_965] : memref<6x80xi32, #tpu.memory_space<vmem>> -> memref<1x80xi32, #tpu.memory_space<vmem>>
      %dma_start3A_967 = tpu.memref_squeeze %dma_start3A_966 : memref<1x80xi32, #tpu.memory_space<vmem>> -> memref<80xi32, #tpu.memory_space<vmem>>
      %dma_start3A_968 = arith.constant 0 : i32
      %dma_start3A_969 = arith.constant 0 : i32
      %dma_start3A_970 = tpu.memref_slice %arg3[%add3A, %dma_start3A_968, %dma_start3A_969] : memref<32x125x80xi32, #tpu.memory_space<hbm>> -> memref<1x125x80xi32, #tpu.memory_space<hbm>>
      %dma_start3A_971 = tpu.memref_squeeze %dma_start3A_970 : memref<1x125x80xi32, #tpu.memory_space<hbm>> -> memref<125x80xi32, #tpu.memory_space<hbm>>
      %dma_start3A_972 = arith.constant 0 : i32
      %dma_start3A_973 = tpu.memref_slice %dma_start3A_971[%add3A_953, %dma_start3A_972] : memref<125x80xi32, #tpu.memory_space<hbm>> -> memref<1x80xi32, #tpu.memory_space<hbm>>
      %dma_start3A_974 = tpu.memref_squeeze %dma_start3A_973 : memref<1x80xi32, #tpu.memory_space<hbm>> -> memref<80xi32, #tpu.memory_space<hbm>>
      tpu.enqueue_dma source(%dma_start3A_974 : memref<80xi32, #tpu.memory_space<hbm>>) target(%dma_start3A_967 : memref<80xi32, #tpu.memory_space<vmem>>) target_semaphore(%arg20 : memref<!tpu.dma_semaphore, #tpu.memory_space<semaphore_mem>>)
      %dma_start3A_975 = arith.constant 1 : i32
      %dma_start3A_976 = arith.constant 0 : i32
      %dma_start3A_977 = tpu.memref_slice %arg8[%dma_start3A_975, %dma_start3A_976] : memref<6x80xi32, #tpu.memory_space<vmem>> -> memref<1x80xi32, #tpu.memory_space<vmem>>
      %dma_start3A_978 = tpu.memref_squeeze %dma_start3A_977 : memref<1x80xi32, #tpu.memory_space<vmem>> -> memref<80xi32, #tpu.memory_space<vmem>>
      %dma_start3A_979 = arith.constant 0 : i32
      %dma_start3A_980 = arith.constant 0 : i32
      %dma_start3A_981 = tpu.memref_slice %arg4[%add3A, %dma_start3A_979, %dma_start3A_980] : memref<32x125x80xi32, #tpu.memory_space<hbm>> -> memref<1x125x80xi32, #tpu.memory_space<hbm>>
      %dma_start3A_982 = tpu.memref_squeeze %dma_start3A_981 : memref<1x125x80xi32, #tpu.memory_space<hbm>> -> memref<125x80xi32, #tpu.memory_space<hbm>>
      %dma_start3A_983 = arith.constant 0 : i32
      %dma_start3A_984 = tpu.memref_slice %dma_start3A_982[%add3A_953, %dma_start3A_983] : memref<125x80xi32, #tpu.memory_space<hbm>> -> memref<1x80xi32, #tpu.memory_space<hbm>>
      %dma_start3A_985 = tpu.memref_squeeze %dma_start3A_984 : memref<1x80xi32, #tpu.memory_space<hbm>> -> memref<80xi32, #tpu.memory_space<hbm>>
      %dma_start3A_986 = arith.constant 0 : i32
      %dma_start3A_987 = tpu.memref_slice %arg8[%dma_start3A_975, %dma_start3A_986] : memref<6x80xi32, #tpu.memory_space<vmem>> -> memref<1x80xi32, #tpu.memory_space<vmem>>
      %dma_start3A_988 = tpu.memref_squeeze %dma_start3A_987 : memref<1x80xi32, #tpu.memory_space<vmem>> -> memref<80xi32, #tpu.memory_space<vmem>>
      %dma_start3A_989 = arith.constant 0 : i32
      %dma_start3A_990 = arith.constant 0 : i32
      %dma_start3A_991 = tpu.memref_slice %arg4[%add3A, %dma_start3A_989, %dma_start3A_990] : memref<32x125x80xi32, #tpu.memory_space<hbm>> -> memref<1x125x80xi32, #tpu.memory_space<hbm>>
      %dma_start3A_992 = tpu.memref_squeeze %dma_start3A_991 : memref<1x125x80xi32, #tpu.memory_space<hbm>> -> memref<125x80xi32, #tpu.memory_space<hbm>>
      %dma_start3A_993 = arith.constant 0 : i32
      %dma_start3A_994 = tpu.memref_slice %dma_start3A_992[%add3A_953, %dma_start3A_993] : memref<125x80xi32, #tpu.memory_space<hbm>> -> memref<1x80xi32, #tpu.memory_space<hbm>>
      %dma_start3A_995 = tpu.memref_squeeze %dma_start3A_994 : memref<1x80xi32, #tpu.memory_space<hbm>> -> memref<80xi32, #tpu.memory_space<hbm>>
      tpu.enqueue_dma source(%dma_start3A_995 : memref<80xi32, #tpu.memory_space<hbm>>) target(%dma_start3A_988 : memref<80xi32, #tpu.memory_space<vmem>>) target_semaphore(%arg20 : memref<!tpu.dma_semaphore, #tpu.memory_space<semaphore_mem>>)
      %dma_wait3A_996 = arith.constant 0 : i32
      %dma_wait3A_997 = arith.constant 4 : i32
      %dma_wait3A_998 = arith.constant 0 : i32
      %dma_wait3A_999 = tpu.memref_slice %arg7[%dma_wait3A_997, %dma_wait3A_998] : memref<6x80xi32, #tpu.memory_space<vmem>> -> memref<1x80xi32, #tpu.memory_space<vmem>>
      %dma_wait3A_1000 = tpu.memref_squeeze %dma_wait3A_999 : memref<1x80xi32, #tpu.memory_space<vmem>> -> memref<80xi32, #tpu.memory_space<vmem>>
      %dma_wait3A_1001 = arith.constant 0 : i32
      %dma_wait3A_1002 = arith.constant 0 : i32
      %dma_wait3A_1003 = tpu.memref_slice %arg3[%add3A, %dma_wait3A_1001, %dma_wait3A_1002] : memref<32x125x80xi32, #tpu.memory_space<hbm>> -> memref<1x125x80xi32, #tpu.memory_space<hbm>>
      %dma_wait3A_1004 = tpu.memref_squeeze %dma_wait3A_1003 : memref<1x125x80xi32, #tpu.memory_space<hbm>> -> memref<125x80xi32, #tpu.memory_space<hbm>>
      %dma_wait3A_1005 = arith.constant 0 : i32
      %dma_wait3A_1006 = tpu.memref_slice %dma_wait3A_1004[%dma_wait3A_996, %dma_wait3A_1005] : memref<125x80xi32, #tpu.memory_space<hbm>> -> memref<1x80xi32, #tpu.memory_space<hbm>>
      %dma_wait3A_1007 = tpu.memref_squeeze %dma_wait3A_1006 : memref<1x80xi32, #tpu.memory_space<hbm>> -> memref<80xi32, #tpu.memory_space<hbm>>
      %dma_wait3A_1008 = arith.constant 0 : i32
      %dma_wait3A_1009 = tpu.memref_slice %arg7[%dma_wait3A_997, %dma_wait3A_1008] : memref<6x80xi32, #tpu.memory_space<vmem>> -> memref<1x80xi32, #tpu.memory_space<vmem>>
      %dma_wait3A_1010 = tpu.memref_squeeze %dma_wait3A_1009 : memref<1x80xi32, #tpu.memory_space<vmem>> -> memref<80xi32, #tpu.memory_space<vmem>>
      %dma_wait3A_1011 = arith.constant 0 : i32
      %dma_wait3A_1012 = arith.constant 0 : i32
      %dma_wait3A_1013 = tpu.memref_slice %arg3[%add3A, %dma_wait3A_1011, %dma_wait3A_1012] : memref<32x125x80xi32, #tpu.memory_space<hbm>> -> memref<1x125x80xi32, #tpu.memory_space<hbm>>
      %dma_wait3A_1014 = tpu.memref_squeeze %dma_wait3A_1013 : memref<1x125x80xi32, #tpu.memory_space<hbm>> -> memref<125x80xi32, #tpu.memory_space<hbm>>
      %dma_wait3A_1015 = arith.constant 0 : i32
      %dma_wait3A_1016 = tpu.memref_slice %dma_wait3A_1014[%dma_wait3A_996, %dma_wait3A_1015] : memref<125x80xi32, #tpu.memory_space<hbm>> -> memref<1x80xi32, #tpu.memory_space<hbm>>
      %dma_wait3A_1017 = tpu.memref_squeeze %dma_wait3A_1016 : memref<1x80xi32, #tpu.memory_space<hbm>> -> memref<80xi32, #tpu.memory_space<hbm>>
      tpu.wait_dma2 semaphore(%arg23 : memref<!tpu.dma_semaphore, #tpu.memory_space<semaphore_mem>>) src(%dma_wait3A_1017 : memref<80xi32, #tpu.memory_space<hbm>>) dst(%dma_wait3A_1010 : memref<80xi32, #tpu.memory_space<vmem>>)
      %dma_wait3A_1018 = arith.constant 0 : i32
      %dma_wait3A_1019 = arith.constant 4 : i32
      %dma_wait3A_1020 = arith.constant 0 : i32
      %dma_wait3A_1021 = tpu.memref_slice %arg8[%dma_wait3A_1019, %dma_wait3A_1020] : memref<6x80xi32, #tpu.memory_space<vmem>> -> memref<1x80xi32, #tpu.memory_space<vmem>>
      %dma_wait3A_1022 = tpu.memref_squeeze %dma_wait3A_1021 : memref<1x80xi32, #tpu.memory_space<vmem>> -> memref<80xi32, #tpu.memory_space<vmem>>
      %dma_wait3A_1023 = arith.constant 0 : i32
      %dma_wait3A_1024 = arith.constant 0 : i32
      %dma_wait3A_1025 = tpu.memref_slice %arg4[%add3A, %dma_wait3A_1023, %dma_wait3A_1024] : memref<32x125x80xi32, #tpu.memory_space<hbm>> -> memref<1x125x80xi32, #tpu.memory_space<hbm>>
      %dma_wait3A_1026 = tpu.memref_squeeze %dma_wait3A_1025 : memref<1x125x80xi32, #tpu.memory_space<hbm>> -> memref<125x80xi32, #tpu.memory_space<hbm>>
      %dma_wait3A_1027 = arith.constant 0 : i32
      %dma_wait3A_1028 = tpu.memref_slice %dma_wait3A_1026[%dma_wait3A_1018, %dma_wait3A_1027] : memref<125x80xi32, #tpu.memory_space<hbm>> -> memref<1x80xi32, #tpu.memory_space<hbm>>
      %dma_wait3A_1029 = tpu.memref_squeeze %dma_wait3A_1028 : memref<1x80xi32, #tpu.memory_space<hbm>> -> memref<80xi32, #tpu.memory_space<hbm>>
      %dma_wait3A_1030 = arith.constant 0 : i32
      %dma_wait3A_1031 = tpu.memref_slice %arg8[%dma_wait3A_1019, %dma_wait3A_1030] : memref<6x80xi32, #tpu.memory_space<vmem>> -> memref<1x80xi32, #tpu.memory_space<vmem>>
      %dma_wait3A_1032 = tpu.memref_squeeze %dma_wait3A_1031 : memref<1x80xi32, #tpu.memory_space<vmem>> -> memref<80xi32, #tpu.memory_space<vmem>>
      %dma_wait3A_1033 = arith.constant 0 : i32
      %dma_wait3A_1034 = arith.constant 0 : i32
      %dma_wait3A_1035 = tpu.memref_slice %arg4[%add3A, %dma_wait3A_1033, %dma_wait3A_1034] : memref<32x125x80xi32, #tpu.memory_space<hbm>> -> memref<1x125x80xi32, #tpu.memory_space<hbm>>
      %dma_wait3A_1036 = tpu.memref_squeeze %dma_wait3A_1035 : memref<1x125x80xi32, #tpu.memory_space<hbm>> -> memref<125x80xi32, #tpu.memory_space<hbm>>
      %dma_wait3A_1037 = arith.constant 0 : i32
      %dma_wait3A_1038 = tpu.memref_slice %dma_wait3A_1036[%dma_wait3A_1018, %dma_wait3A_1037] : memref<125x80xi32, #tpu.memory_space<hbm>> -> memref<1x80xi32, #tpu.memory_space<hbm>>
      %dma_wait3A_1039 = tpu.memref_squeeze %dma_wait3A_1038 : memref<1x80xi32, #tpu.memory_space<hbm>> -> memref<80xi32, #tpu.memory_space<hbm>>
      tpu.wait_dma2 semaphore(%arg23 : memref<!tpu.dma_semaphore, #tpu.memory_space<semaphore_mem>>) src(%dma_wait3A_1039 : memref<80xi32, #tpu.memory_space<hbm>>) dst(%dma_wait3A_1032 : memref<80xi32, #tpu.memory_space<vmem>>)
      %dma_start3A_1040 = arith.constant 4 : i32
      %dma_start3A_1041 = arith.constant 0 : i32
      %dma_start3A_1042 = tpu.memref_slice %arg7[%dma_start3A_1040, %dma_start3A_1041] : memref<6x80xi32, #tpu.memory_space<vmem>> -> memref<1x80xi32, #tpu.memory_space<vmem>>
      %dma_start3A_1043 = tpu.memref_squeeze %dma_start3A_1042 : memref<1x80xi32, #tpu.memory_space<vmem>> -> memref<80xi32, #tpu.memory_space<vmem>>
      %dma_start3A_1044 = arith.constant 0 : i32
      %dma_start3A_1045 = arith.constant 0 : i32
      %dma_start3A_1046 = tpu.memref_slice %arg2[%dma_start3A_1044, %dma_start3A_1045] : memref<10000x128xf32, #tpu.memory_space<hbm>> -> memref<10000x128xf32, #tpu.memory_space<hbm>>
      tpu.enqueue_indirect_dma source(%dma_start3A_1046 : memref<10000x128xf32, #tpu.memory_space<hbm>>) target(%arg10 : memref<80x128xf32, #tpu.memory_space<vmem>>) offsets(%dma_start3A_1043 : memref<80xi32, #tpu.memory_space<vmem>>) semaphore(%arg14 : memref<!tpu.dma_semaphore, #tpu.memory_space<semaphore_mem>>)
      %dma_wait3A_1047 = arith.constant 0 : i32
      %dma_wait3A_1048 = arith.constant 0 : i32
      %dma_wait3A_1049 = tpu.memref_slice %arg8[%dma_wait3A_1047, %dma_wait3A_1048] : memref<6x80xi32, #tpu.memory_space<vmem>> -> memref<1x80xi32, #tpu.memory_space<vmem>>
      %dma_wait3A_1050 = tpu.memref_squeeze %dma_wait3A_1049 : memref<1x80xi32, #tpu.memory_space<vmem>> -> memref<80xi32, #tpu.memory_space<vmem>>
      %dma_wait3A_1051 = arith.constant 0 : i32
      %dma_wait3A_1052 = arith.constant 0 : i32
      %dma_wait3A_1053 = tpu.memref_slice %arg12[%dma_wait3A_1051, %dma_wait3A_1052] : memref<10000x128xf32, #tpu.memory_space<vmem_shared>> -> memref<10000x128xf32, #tpu.memory_space<vmem_shared>>
      tpu.wait_indirect_dma semaphore(%arg18 : memref<!tpu.dma_semaphore, #tpu.memory_space<semaphore_mem>>) src(%arg11 : memref<80x128xf32, #tpu.memory_space<vmem>>) dst(%dma_wait3A_1053 : memref<10000x128xf32, #tpu.memory_space<vmem_shared>>)
      %add3A_1054 = arith.constant 6 : i32
      %add3A_1055 = arith.addi %mul3A_643, %add3A_1054 : i32
      %add3A_1056 = arith.constant 2 : i32
      %add3A_1057 = arith.addi %add3A_1055, %add3A_1056 : i32
      %dma_start3A_1058 = arith.constant 2 : i32
      %dma_start3A_1059 = arith.constant 0 : i32
      %dma_start3A_1060 = tpu.memref_slice %arg7[%dma_start3A_1058, %dma_start3A_1059] : memref<6x80xi32, #tpu.memory_space<vmem>> -> memref<1x80xi32, #tpu.memory_space<vmem>>
      %dma_start3A_1061 = tpu.memref_squeeze %dma_start3A_1060 : memref<1x80xi32, #tpu.memory_space<vmem>> -> memref<80xi32, #tpu.memory_space<vmem>>
      %dma_start3A_1062 = arith.constant 0 : i32
      %dma_start3A_1063 = arith.constant 0 : i32
      %dma_start3A_1064 = tpu.memref_slice %arg3[%add3A, %dma_start3A_1062, %dma_start3A_1063] : memref<32x125x80xi32, #tpu.memory_space<hbm>> -> memref<1x125x80xi32, #tpu.memory_space<hbm>>
      %dma_start3A_1065 = tpu.memref_squeeze %dma_start3A_1064 : memref<1x125x80xi32, #tpu.memory_space<hbm>> -> memref<125x80xi32, #tpu.memory_space<hbm>>
      %dma_start3A_1066 = arith.constant 0 : i32
      %dma_start3A_1067 = tpu.memref_slice %dma_start3A_1065[%add3A_1057, %dma_start3A_1066] : memref<125x80xi32, #tpu.memory_space<hbm>> -> memref<1x80xi32, #tpu.memory_space<hbm>>
      %dma_start3A_1068 = tpu.memref_squeeze %dma_start3A_1067 : memref<1x80xi32, #tpu.memory_space<hbm>> -> memref<80xi32, #tpu.memory_space<hbm>>
      %dma_start3A_1069 = arith.constant 0 : i32
      %dma_start3A_1070 = tpu.memref_slice %arg7[%dma_start3A_1058, %dma_start3A_1069] : memref<6x80xi32, #tpu.memory_space<vmem>> -> memref<1x80xi32, #tpu.memory_space<vmem>>
      %dma_start3A_1071 = tpu.memref_squeeze %dma_start3A_1070 : memref<1x80xi32, #tpu.memory_space<vmem>> -> memref<80xi32, #tpu.memory_space<vmem>>
      %dma_start3A_1072 = arith.constant 0 : i32
      %dma_start3A_1073 = arith.constant 0 : i32
      %dma_start3A_1074 = tpu.memref_slice %arg3[%add3A, %dma_start3A_1072, %dma_start3A_1073] : memref<32x125x80xi32, #tpu.memory_space<hbm>> -> memref<1x125x80xi32, #tpu.memory_space<hbm>>
      %dma_start3A_1075 = tpu.memref_squeeze %dma_start3A_1074 : memref<1x125x80xi32, #tpu.memory_space<hbm>> -> memref<125x80xi32, #tpu.memory_space<hbm>>
      %dma_start3A_1076 = arith.constant 0 : i32
      %dma_start3A_1077 = tpu.memref_slice %dma_start3A_1075[%add3A_1057, %dma_start3A_1076] : memref<125x80xi32, #tpu.memory_space<hbm>> -> memref<1x80xi32, #tpu.memory_space<hbm>>
      %dma_start3A_1078 = tpu.memref_squeeze %dma_start3A_1077 : memref<1x80xi32, #tpu.memory_space<hbm>> -> memref<80xi32, #tpu.memory_space<hbm>>
      tpu.enqueue_dma source(%dma_start3A_1078 : memref<80xi32, #tpu.memory_space<hbm>>) target(%dma_start3A_1071 : memref<80xi32, #tpu.memory_space<vmem>>) target_semaphore(%arg21 : memref<!tpu.dma_semaphore, #tpu.memory_space<semaphore_mem>>)
      %dma_start3A_1079 = arith.constant 2 : i32
      %dma_start3A_1080 = arith.constant 0 : i32
      %dma_start3A_1081 = tpu.memref_slice %arg8[%dma_start3A_1079, %dma_start3A_1080] : memref<6x80xi32, #tpu.memory_space<vmem>> -> memref<1x80xi32, #tpu.memory_space<vmem>>
      %dma_start3A_1082 = tpu.memref_squeeze %dma_start3A_1081 : memref<1x80xi32, #tpu.memory_space<vmem>> -> memref<80xi32, #tpu.memory_space<vmem>>
      %dma_start3A_1083 = arith.constant 0 : i32
      %dma_start3A_1084 = arith.constant 0 : i32
      %dma_start3A_1085 = tpu.memref_slice %arg4[%add3A, %dma_start3A_1083, %dma_start3A_1084] : memref<32x125x80xi32, #tpu.memory_space<hbm>> -> memref<1x125x80xi32, #tpu.memory_space<hbm>>
      %dma_start3A_1086 = tpu.memref_squeeze %dma_start3A_1085 : memref<1x125x80xi32, #tpu.memory_space<hbm>> -> memref<125x80xi32, #tpu.memory_space<hbm>>
      %dma_start3A_1087 = arith.constant 0 : i32
      %dma_start3A_1088 = tpu.memref_slice %dma_start3A_1086[%add3A_1057, %dma_start3A_1087] : memref<125x80xi32, #tpu.memory_space<hbm>> -> memref<1x80xi32, #tpu.memory_space<hbm>>
      %dma_start3A_1089 = tpu.memref_squeeze %dma_start3A_1088 : memref<1x80xi32, #tpu.memory_space<hbm>> -> memref<80xi32, #tpu.memory_space<hbm>>
      %dma_start3A_1090 = arith.constant 0 : i32
      %dma_start3A_1091 = tpu.memref_slice %arg8[%dma_start3A_1079, %dma_start3A_1090] : memref<6x80xi32, #tpu.memory_space<vmem>> -> memref<1x80xi32, #tpu.memory_space<vmem>>
      %dma_start3A_1092 = tpu.memref_squeeze %dma_start3A_1091 : memref<1x80xi32, #tpu.memory_space<vmem>> -> memref<80xi32, #tpu.memory_space<vmem>>
      %dma_start3A_1093 = arith.constant 0 : i32
      %dma_start3A_1094 = arith.constant 0 : i32
      %dma_start3A_1095 = tpu.memref_slice %arg4[%add3A, %dma_start3A_1093, %dma_start3A_1094] : memref<32x125x80xi32, #tpu.memory_space<hbm>> -> memref<1x125x80xi32, #tpu.memory_space<hbm>>
      %dma_start3A_1096 = tpu.memref_squeeze %dma_start3A_1095 : memref<1x125x80xi32, #tpu.memory_space<hbm>> -> memref<125x80xi32, #tpu.memory_space<hbm>>
      %dma_start3A_1097 = arith.constant 0 : i32
      %dma_start3A_1098 = tpu.memref_slice %dma_start3A_1096[%add3A_1057, %dma_start3A_1097] : memref<125x80xi32, #tpu.memory_space<hbm>> -> memref<1x80xi32, #tpu.memory_space<hbm>>
      %dma_start3A_1099 = tpu.memref_squeeze %dma_start3A_1098 : memref<1x80xi32, #tpu.memory_space<hbm>> -> memref<80xi32, #tpu.memory_space<hbm>>
      tpu.enqueue_dma source(%dma_start3A_1099 : memref<80xi32, #tpu.memory_space<hbm>>) target(%dma_start3A_1092 : memref<80xi32, #tpu.memory_space<vmem>>) target_semaphore(%arg21 : memref<!tpu.dma_semaphore, #tpu.memory_space<semaphore_mem>>)
      %dma_wait3A_1100 = arith.constant 0 : i32
      %dma_wait3A_1101 = arith.constant 5 : i32
      %dma_wait3A_1102 = arith.constant 0 : i32
      %dma_wait3A_1103 = tpu.memref_slice %arg7[%dma_wait3A_1101, %dma_wait3A_1102] : memref<6x80xi32, #tpu.memory_space<vmem>> -> memref<1x80xi32, #tpu.memory_space<vmem>>
      %dma_wait3A_1104 = tpu.memref_squeeze %dma_wait3A_1103 : memref<1x80xi32, #tpu.memory_space<vmem>> -> memref<80xi32, #tpu.memory_space<vmem>>
      %dma_wait3A_1105 = arith.constant 0 : i32
      %dma_wait3A_1106 = arith.constant 0 : i32
      %dma_wait3A_1107 = tpu.memref_slice %arg3[%add3A, %dma_wait3A_1105, %dma_wait3A_1106] : memref<32x125x80xi32, #tpu.memory_space<hbm>> -> memref<1x125x80xi32, #tpu.memory_space<hbm>>
      %dma_wait3A_1108 = tpu.memref_squeeze %dma_wait3A_1107 : memref<1x125x80xi32, #tpu.memory_space<hbm>> -> memref<125x80xi32, #tpu.memory_space<hbm>>
      %dma_wait3A_1109 = arith.constant 0 : i32
      %dma_wait3A_1110 = tpu.memref_slice %dma_wait3A_1108[%dma_wait3A_1100, %dma_wait3A_1109] : memref<125x80xi32, #tpu.memory_space<hbm>> -> memref<1x80xi32, #tpu.memory_space<hbm>>
      %dma_wait3A_1111 = tpu.memref_squeeze %dma_wait3A_1110 : memref<1x80xi32, #tpu.memory_space<hbm>> -> memref<80xi32, #tpu.memory_space<hbm>>
      %dma_wait3A_1112 = arith.constant 0 : i32
      %dma_wait3A_1113 = tpu.memref_slice %arg7[%dma_wait3A_1101, %dma_wait3A_1112] : memref<6x80xi32, #tpu.memory_space<vmem>> -> memref<1x80xi32, #tpu.memory_space<vmem>>
      %dma_wait3A_1114 = tpu.memref_squeeze %dma_wait3A_1113 : memref<1x80xi32, #tpu.memory_space<vmem>> -> memref<80xi32, #tpu.memory_space<vmem>>
      %dma_wait3A_1115 = arith.constant 0 : i32
      %dma_wait3A_1116 = arith.constant 0 : i32
      %dma_wait3A_1117 = tpu.memref_slice %arg3[%add3A, %dma_wait3A_1115, %dma_wait3A_1116] : memref<32x125x80xi32, #tpu.memory_space<hbm>> -> memref<1x125x80xi32, #tpu.memory_space<hbm>>
      %dma_wait3A_1118 = tpu.memref_squeeze %dma_wait3A_1117 : memref<1x125x80xi32, #tpu.memory_space<hbm>> -> memref<125x80xi32, #tpu.memory_space<hbm>>
      %dma_wait3A_1119 = arith.constant 0 : i32
      %dma_wait3A_1120 = tpu.memref_slice %dma_wait3A_1118[%dma_wait3A_1100, %dma_wait3A_1119] : memref<125x80xi32, #tpu.memory_space<hbm>> -> memref<1x80xi32, #tpu.memory_space<hbm>>
      %dma_wait3A_1121 = tpu.memref_squeeze %dma_wait3A_1120 : memref<1x80xi32, #tpu.memory_space<hbm>> -> memref<80xi32, #tpu.memory_space<hbm>>
      tpu.wait_dma2 semaphore(%arg24 : memref<!tpu.dma_semaphore, #tpu.memory_space<semaphore_mem>>) src(%dma_wait3A_1121 : memref<80xi32, #tpu.memory_space<hbm>>) dst(%dma_wait3A_1114 : memref<80xi32, #tpu.memory_space<vmem>>)
      %dma_wait3A_1122 = arith.constant 0 : i32
      %dma_wait3A_1123 = arith.constant 5 : i32
      %dma_wait3A_1124 = arith.constant 0 : i32
      %dma_wait3A_1125 = tpu.memref_slice %arg8[%dma_wait3A_1123, %dma_wait3A_1124] : memref<6x80xi32, #tpu.memory_space<vmem>> -> memref<1x80xi32, #tpu.memory_space<vmem>>
      %dma_wait3A_1126 = tpu.memref_squeeze %dma_wait3A_1125 : memref<1x80xi32, #tpu.memory_space<vmem>> -> memref<80xi32, #tpu.memory_space<vmem>>
      %dma_wait3A_1127 = arith.constant 0 : i32
      %dma_wait3A_1128 = arith.constant 0 : i32
      %dma_wait3A_1129 = tpu.memref_slice %arg4[%add3A, %dma_wait3A_1127, %dma_wait3A_1128] : memref<32x125x80xi32, #tpu.memory_space<hbm>> -> memref<1x125x80xi32, #tpu.memory_space<hbm>>
      %dma_wait3A_1130 = tpu.memref_squeeze %dma_wait3A_1129 : memref<1x125x80xi32, #tpu.memory_space<hbm>> -> memref<125x80xi32, #tpu.memory_space<hbm>>
      %dma_wait3A_1131 = arith.constant 0 : i32
      %dma_wait3A_1132 = tpu.memref_slice %dma_wait3A_1130[%dma_wait3A_1122, %dma_wait3A_1131] : memref<125x80xi32, #tpu.memory_space<hbm>> -> memref<1x80xi32, #tpu.memory_space<hbm>>
      %dma_wait3A_1133 = tpu.memref_squeeze %dma_wait3A_1132 : memref<1x80xi32, #tpu.memory_space<hbm>> -> memref<80xi32, #tpu.memory_space<hbm>>
      %dma_wait3A_1134 = arith.constant 0 : i32
      %dma_wait3A_1135 = tpu.memref_slice %arg8[%dma_wait3A_1123, %dma_wait3A_1134] : memref<6x80xi32, #tpu.memory_space<vmem>> -> memref<1x80xi32, #tpu.memory_space<vmem>>
      %dma_wait3A_1136 = tpu.memref_squeeze %dma_wait3A_1135 : memref<1x80xi32, #tpu.memory_space<vmem>> -> memref<80xi32, #tpu.memory_space<vmem>>
      %dma_wait3A_1137 = arith.constant 0 : i32
      %dma_wait3A_1138 = arith.constant 0 : i32
      %dma_wait3A_1139 = tpu.memref_slice %arg4[%add3A, %dma_wait3A_1137, %dma_wait3A_1138] : memref<32x125x80xi32, #tpu.memory_space<hbm>> -> memref<1x125x80xi32, #tpu.memory_space<hbm>>
      %dma_wait3A_1140 = tpu.memref_squeeze %dma_wait3A_1139 : memref<1x125x80xi32, #tpu.memory_space<hbm>> -> memref<125x80xi32, #tpu.memory_space<hbm>>
      %dma_wait3A_1141 = arith.constant 0 : i32
      %dma_wait3A_1142 = tpu.memref_slice %dma_wait3A_1140[%dma_wait3A_1122, %dma_wait3A_1141] : memref<125x80xi32, #tpu.memory_space<hbm>> -> memref<1x80xi32, #tpu.memory_space<hbm>>
      %dma_wait3A_1143 = tpu.memref_squeeze %dma_wait3A_1142 : memref<1x80xi32, #tpu.memory_space<hbm>> -> memref<80xi32, #tpu.memory_space<hbm>>
      tpu.wait_dma2 semaphore(%arg24 : memref<!tpu.dma_semaphore, #tpu.memory_space<semaphore_mem>>) src(%dma_wait3A_1143 : memref<80xi32, #tpu.memory_space<hbm>>) dst(%dma_wait3A_1136 : memref<80xi32, #tpu.memory_space<vmem>>)
      %dma_start3A_1144 = arith.constant 5 : i32
      %dma_start3A_1145 = arith.constant 0 : i32
      %dma_start3A_1146 = tpu.memref_slice %arg7[%dma_start3A_1144, %dma_start3A_1145] : memref<6x80xi32, #tpu.memory_space<vmem>> -> memref<1x80xi32, #tpu.memory_space<vmem>>
      %dma_start3A_1147 = tpu.memref_squeeze %dma_start3A_1146 : memref<1x80xi32, #tpu.memory_space<vmem>> -> memref<80xi32, #tpu.memory_space<vmem>>
      %dma_start3A_1148 = arith.constant 0 : i32
      %dma_start3A_1149 = arith.constant 0 : i32
      %dma_start3A_1150 = tpu.memref_slice %arg2[%dma_start3A_1148, %dma_start3A_1149] : memref<10000x128xf32, #tpu.memory_space<hbm>> -> memref<10000x128xf32, #tpu.memory_space<hbm>>
      tpu.enqueue_indirect_dma source(%dma_start3A_1150 : memref<10000x128xf32, #tpu.memory_space<hbm>>) target(%arg11 : memref<80x128xf32, #tpu.memory_space<vmem>>) offsets(%dma_start3A_1147 : memref<80xi32, #tpu.memory_space<vmem>>) semaphore(%arg15 : memref<!tpu.dma_semaphore, #tpu.memory_space<semaphore_mem>>)
      %dma_wait3A_1151 = arith.constant 0 : i32
      %dma_wait3A_1152 = arith.constant 0 : i32
      %dma_wait3A_1153 = tpu.memref_slice %arg7[%dma_wait3A_1151, %dma_wait3A_1152] : memref<6x80xi32, #tpu.memory_space<vmem>> -> memref<1x80xi32, #tpu.memory_space<vmem>>
      %dma_wait3A_1154 = tpu.memref_squeeze %dma_wait3A_1153 : memref<1x80xi32, #tpu.memory_space<vmem>> -> memref<80xi32, #tpu.memory_space<vmem>>
      %dma_wait3A_1155 = arith.constant 0 : i32
      %dma_wait3A_1156 = arith.constant 0 : i32
      %dma_wait3A_1157 = tpu.memref_slice %arg2[%dma_wait3A_1155, %dma_wait3A_1156] : memref<10000x128xf32, #tpu.memory_space<hbm>> -> memref<10000x128xf32, #tpu.memory_space<hbm>>
      tpu.wait_indirect_dma semaphore(%arg13 : memref<!tpu.dma_semaphore, #tpu.memory_space<semaphore_mem>>) src(%dma_wait3A_1157 : memref<10000x128xf32, #tpu.memory_space<hbm>>) dst(%arg9 : memref<80x128xf32, #tpu.memory_space<vmem>>)
      %dma_start3A_1158 = arith.constant 3 : i32
      %dma_start3A_1159 = arith.constant 0 : i32
      %dma_start3A_1160 = tpu.memref_slice %arg8[%dma_start3A_1158, %dma_start3A_1159] : memref<6x80xi32, #tpu.memory_space<vmem>> -> memref<1x80xi32, #tpu.memory_space<vmem>>
      %dma_start3A_1161 = tpu.memref_squeeze %dma_start3A_1160 : memref<1x80xi32, #tpu.memory_space<vmem>> -> memref<80xi32, #tpu.memory_space<vmem>>
      %dma_start3A_1162 = arith.constant 0 : i32
      %dma_start3A_1163 = arith.constant 0 : i32
      %dma_start3A_1164 = tpu.memref_slice %arg12[%dma_start3A_1162, %dma_start3A_1163] : memref<10000x128xf32, #tpu.memory_space<vmem_shared>> -> memref<10000x128xf32, #tpu.memory_space<vmem_shared>>
      tpu.enqueue_indirect_dma source(%arg9 : memref<80x128xf32, #tpu.memory_space<vmem>>) target(%dma_start3A_1164 : memref<10000x128xf32, #tpu.memory_space<vmem_shared>>) offsets(%dma_start3A_1161 : memref<80xi32, #tpu.memory_space<vmem>>) semaphore(%arg16 : memref<!tpu.dma_semaphore, #tpu.memory_space<semaphore_mem>>) {add = true}
      %dma_wait3A_1165 = arith.constant 0 : i32
      %dma_wait3A_1166 = arith.constant 0 : i32
      %dma_wait3A_1167 = tpu.memref_slice %arg7[%dma_wait3A_1165, %dma_wait3A_1166] : memref<6x80xi32, #tpu.memory_space<vmem>> -> memref<1x80xi32, #tpu.memory_space<vmem>>
      %dma_wait3A_1168 = tpu.memref_squeeze %dma_wait3A_1167 : memref<1x80xi32, #tpu.memory_space<vmem>> -> memref<80xi32, #tpu.memory_space<vmem>>
      %dma_wait3A_1169 = arith.constant 0 : i32
      %dma_wait3A_1170 = arith.constant 0 : i32
      %dma_wait3A_1171 = tpu.memref_slice %arg2[%dma_wait3A_1169, %dma_wait3A_1170] : memref<10000x128xf32, #tpu.memory_space<hbm>> -> memref<10000x128xf32, #tpu.memory_space<hbm>>
      tpu.wait_indirect_dma semaphore(%arg14 : memref<!tpu.dma_semaphore, #tpu.memory_space<semaphore_mem>>) src(%dma_wait3A_1171 : memref<10000x128xf32, #tpu.memory_space<hbm>>) dst(%arg10 : memref<80x128xf32, #tpu.memory_space<vmem>>)
      %dma_start3A_1172 = arith.constant 4 : i32
      %dma_start3A_1173 = arith.constant 0 : i32
      %dma_start3A_1174 = tpu.memref_slice %arg8[%dma_start3A_1172, %dma_start3A_1173] : memref<6x80xi32, #tpu.memory_space<vmem>> -> memref<1x80xi32, #tpu.memory_space<vmem>>
      %dma_start3A_1175 = tpu.memref_squeeze %dma_start3A_1174 : memref<1x80xi32, #tpu.memory_space<vmem>> -> memref<80xi32, #tpu.memory_space<vmem>>
      %dma_start3A_1176 = arith.constant 0 : i32
      %dma_start3A_1177 = arith.constant 0 : i32
      %dma_start3A_1178 = tpu.memref_slice %arg12[%dma_start3A_1176, %dma_start3A_1177] : memref<10000x128xf32, #tpu.memory_space<vmem_shared>> -> memref<10000x128xf32, #tpu.memory_space<vmem_shared>>
      tpu.enqueue_indirect_dma source(%arg10 : memref<80x128xf32, #tpu.memory_space<vmem>>) target(%dma_start3A_1178 : memref<10000x128xf32, #tpu.memory_space<vmem_shared>>) offsets(%dma_start3A_1175 : memref<80xi32, #tpu.memory_space<vmem>>) semaphore(%arg17 : memref<!tpu.dma_semaphore, #tpu.memory_space<semaphore_mem>>) {add = true}
      %dma_wait3A_1179 = arith.constant 0 : i32
      %dma_wait3A_1180 = arith.constant 0 : i32
      %dma_wait3A_1181 = tpu.memref_slice %arg7[%dma_wait3A_1179, %dma_wait3A_1180] : memref<6x80xi32, #tpu.memory_space<vmem>> -> memref<1x80xi32, #tpu.memory_space<vmem>>
      %dma_wait3A_1182 = tpu.memref_squeeze %dma_wait3A_1181 : memref<1x80xi32, #tpu.memory_space<vmem>> -> memref<80xi32, #tpu.memory_space<vmem>>
      %dma_wait3A_1183 = arith.constant 0 : i32
      %dma_wait3A_1184 = arith.constant 0 : i32
      %dma_wait3A_1185 = tpu.memref_slice %arg2[%dma_wait3A_1183, %dma_wait3A_1184] : memref<10000x128xf32, #tpu.memory_space<hbm>> -> memref<10000x128xf32, #tpu.memory_space<hbm>>
      tpu.wait_indirect_dma semaphore(%arg15 : memref<!tpu.dma_semaphore, #tpu.memory_space<semaphore_mem>>) src(%dma_wait3A_1185 : memref<10000x128xf32, #tpu.memory_space<hbm>>) dst(%arg11 : memref<80x128xf32, #tpu.memory_space<vmem>>)
      %dma_start3A_1186 = arith.constant 5 : i32
      %dma_start3A_1187 = arith.constant 0 : i32
      %dma_start3A_1188 = tpu.memref_slice %arg8[%dma_start3A_1186, %dma_start3A_1187] : memref<6x80xi32, #tpu.memory_space<vmem>> -> memref<1x80xi32, #tpu.memory_space<vmem>>
      %dma_start3A_1189 = tpu.memref_squeeze %dma_start3A_1188 : memref<1x80xi32, #tpu.memory_space<vmem>> -> memref<80xi32, #tpu.memory_space<vmem>>
      %dma_start3A_1190 = arith.constant 0 : i32
      %dma_start3A_1191 = arith.constant 0 : i32
      %dma_start3A_1192 = tpu.memref_slice %arg12[%dma_start3A_1190, %dma_start3A_1191] : memref<10000x128xf32, #tpu.memory_space<vmem_shared>> -> memref<10000x128xf32, #tpu.memory_space<vmem_shared>>
      tpu.enqueue_indirect_dma source(%arg11 : memref<80x128xf32, #tpu.memory_space<vmem>>) target(%dma_start3A_1192 : memref<10000x128xf32, #tpu.memory_space<vmem_shared>>) offsets(%dma_start3A_1189 : memref<80xi32, #tpu.memory_space<vmem>>) semaphore(%arg18 : memref<!tpu.dma_semaphore, #tpu.memory_space<semaphore_mem>>) {add = true}
      %dma_wait3A_1193 = arith.constant 0 : i32
      %dma_wait3A_1194 = arith.constant 0 : i32
      %dma_wait3A_1195 = tpu.memref_slice %arg8[%dma_wait3A_1193, %dma_wait3A_1194] : memref<6x80xi32, #tpu.memory_space<vmem>> -> memref<1x80xi32, #tpu.memory_space<vmem>>
      %dma_wait3A_1196 = tpu.memref_squeeze %dma_wait3A_1195 : memref<1x80xi32, #tpu.memory_space<vmem>> -> memref<80xi32, #tpu.memory_space<vmem>>
      %dma_wait3A_1197 = arith.constant 0 : i32
      %dma_wait3A_1198 = arith.constant 0 : i32
      %dma_wait3A_1199 = tpu.memref_slice %arg12[%dma_wait3A_1197, %dma_wait3A_1198] : memref<10000x128xf32, #tpu.memory_space<vmem_shared>> -> memref<10000x128xf32, #tpu.memory_space<vmem_shared>>
      tpu.wait_indirect_dma semaphore(%arg16 : memref<!tpu.dma_semaphore, #tpu.memory_space<semaphore_mem>>) src(%arg9 : memref<80x128xf32, #tpu.memory_space<vmem>>) dst(%dma_wait3A_1199 : memref<10000x128xf32, #tpu.memory_space<vmem_shared>>)
      %add3A_1200 = arith.constant 6 : i32
      %add3A_1201 = arith.addi %mul3A_643, %add3A_1200 : i32
      %add3A_1202 = arith.constant 3 : i32
      %add3A_1203 = arith.addi %add3A_1201, %add3A_1202 : i32
      %add3A_1204 = arith.constant 0 : i32
      %add3A_1205 = arith.addi %add3A_1203, %add3A_1204 : i32
      %lt3A = arith.constant 125 : i32
      %lt3A_1206 = arith.cmpi slt, %add3A_1205, %lt3A : i32
      %convert_element_type3A_1207 = arith.extui %lt3A_1206 : i1 to i32
      %cond3A_1208 = arith.constant 0 : i32
      %cond3A_1209 = arith.cmpi ne, %convert_element_type3A_1207, %cond3A_1208 : i32
      scf.if %cond3A_1209 {
        %add3A_1246 = arith.constant 6 : i32
        %add3A_1247 = arith.addi %mul3A_643, %add3A_1246 : i32
        %add3A_1248 = arith.constant 3 : i32
        %add3A_1249 = arith.addi %add3A_1247, %add3A_1248 : i32
        %add3A_1250 = arith.constant 0 : i32
        %add3A_1251 = arith.addi %add3A_1249, %add3A_1250 : i32
        %dma_start3A_1252 = arith.constant 3 : i32
        %dma_start3A_1253 = arith.constant 0 : i32
        %dma_start3A_1254 = tpu.memref_slice %arg7[%dma_start3A_1252, %dma_start3A_1253] : memref<6x80xi32, #tpu.memory_space<vmem>> -> memref<1x80xi32, #tpu.memory_space<vmem>>
        %dma_start3A_1255 = tpu.memref_squeeze %dma_start3A_1254 : memref<1x80xi32, #tpu.memory_space<vmem>> -> memref<80xi32, #tpu.memory_space<vmem>>
        %dma_start3A_1256 = arith.constant 0 : i32
        %dma_start3A_1257 = arith.constant 0 : i32
        %dma_start3A_1258 = tpu.memref_slice %arg3[%add3A, %dma_start3A_1256, %dma_start3A_1257] : memref<32x125x80xi32, #tpu.memory_space<hbm>> -> memref<1x125x80xi32, #tpu.memory_space<hbm>>
        %dma_start3A_1259 = tpu.memref_squeeze %dma_start3A_1258 : memref<1x125x80xi32, #tpu.memory_space<hbm>> -> memref<125x80xi32, #tpu.memory_space<hbm>>
        %dma_start3A_1260 = arith.constant 0 : i32
        %dma_start3A_1261 = tpu.memref_slice %dma_start3A_1259[%add3A_1251, %dma_start3A_1260] : memref<125x80xi32, #tpu.memory_space<hbm>> -> memref<1x80xi32, #tpu.memory_space<hbm>>
        %dma_start3A_1262 = tpu.memref_squeeze %dma_start3A_1261 : memref<1x80xi32, #tpu.memory_space<hbm>> -> memref<80xi32, #tpu.memory_space<hbm>>
        %dma_start3A_1263 = arith.constant 0 : i32
        %dma_start3A_1264 = tpu.memref_slice %arg7[%dma_start3A_1252, %dma_start3A_1263] : memref<6x80xi32, #tpu.memory_space<vmem>> -> memref<1x80xi32, #tpu.memory_space<vmem>>
        %dma_start3A_1265 = tpu.memref_squeeze %dma_start3A_1264 : memref<1x80xi32, #tpu.memory_space<vmem>> -> memref<80xi32, #tpu.memory_space<vmem>>
        %dma_start3A_1266 = arith.constant 0 : i32
        %dma_start3A_1267 = arith.constant 0 : i32
        %dma_start3A_1268 = tpu.memref_slice %arg3[%add3A, %dma_start3A_1266, %dma_start3A_1267] : memref<32x125x80xi32, #tpu.memory_space<hbm>> -> memref<1x125x80xi32, #tpu.memory_space<hbm>>
        %dma_start3A_1269 = tpu.memref_squeeze %dma_start3A_1268 : memref<1x125x80xi32, #tpu.memory_space<hbm>> -> memref<125x80xi32, #tpu.memory_space<hbm>>
        %dma_start3A_1270 = arith.constant 0 : i32
        %dma_start3A_1271 = tpu.memref_slice %dma_start3A_1269[%add3A_1251, %dma_start3A_1270] : memref<125x80xi32, #tpu.memory_space<hbm>> -> memref<1x80xi32, #tpu.memory_space<hbm>>
        %dma_start3A_1272 = tpu.memref_squeeze %dma_start3A_1271 : memref<1x80xi32, #tpu.memory_space<hbm>> -> memref<80xi32, #tpu.memory_space<hbm>>
        tpu.enqueue_dma source(%dma_start3A_1272 : memref<80xi32, #tpu.memory_space<hbm>>) target(%dma_start3A_1265 : memref<80xi32, #tpu.memory_space<vmem>>) target_semaphore(%arg22 : memref<!tpu.dma_semaphore, #tpu.memory_space<semaphore_mem>>)
        %dma_start3A_1273 = arith.constant 3 : i32
        %dma_start3A_1274 = arith.constant 0 : i32
        %dma_start3A_1275 = tpu.memref_slice %arg8[%dma_start3A_1273, %dma_start3A_1274] : memref<6x80xi32, #tpu.memory_space<vmem>> -> memref<1x80xi32, #tpu.memory_space<vmem>>
        %dma_start3A_1276 = tpu.memref_squeeze %dma_start3A_1275 : memref<1x80xi32, #tpu.memory_space<vmem>> -> memref<80xi32, #tpu.memory_space<vmem>>
        %dma_start3A_1277 = arith.constant 0 : i32
        %dma_start3A_1278 = arith.constant 0 : i32
        %dma_start3A_1279 = tpu.memref_slice %arg4[%add3A, %dma_start3A_1277, %dma_start3A_1278] : memref<32x125x80xi32, #tpu.memory_space<hbm>> -> memref<1x125x80xi32, #tpu.memory_space<hbm>>
        %dma_start3A_1280 = tpu.memref_squeeze %dma_start3A_1279 : memref<1x125x80xi32, #tpu.memory_space<hbm>> -> memref<125x80xi32, #tpu.memory_space<hbm>>
        %dma_start3A_1281 = arith.constant 0 : i32
        %dma_start3A_1282 = tpu.memref_slice %dma_start3A_1280[%add3A_1251, %dma_start3A_1281] : memref<125x80xi32, #tpu.memory_space<hbm>> -> memref<1x80xi32, #tpu.memory_space<hbm>>
        %dma_start3A_1283 = tpu.memref_squeeze %dma_start3A_1282 : memref<1x80xi32, #tpu.memory_space<hbm>> -> memref<80xi32, #tpu.memory_space<hbm>>
        %dma_start3A_1284 = arith.constant 0 : i32
        %dma_start3A_1285 = tpu.memref_slice %arg8[%dma_start3A_1273, %dma_start3A_1284] : memref<6x80xi32, #tpu.memory_space<vmem>> -> memref<1x80xi32, #tpu.memory_space<vmem>>
        %dma_start3A_1286 = tpu.memref_squeeze %dma_start3A_1285 : memref<1x80xi32, #tpu.memory_space<vmem>> -> memref<80xi32, #tpu.memory_space<vmem>>
        %dma_start3A_1287 = arith.constant 0 : i32
        %dma_start3A_1288 = arith.constant 0 : i32
        %dma_start3A_1289 = tpu.memref_slice %arg4[%add3A, %dma_start3A_1287, %dma_start3A_1288] : memref<32x125x80xi32, #tpu.memory_space<hbm>> -> memref<1x125x80xi32, #tpu.memory_space<hbm>>
        %dma_start3A_1290 = tpu.memref_squeeze %dma_start3A_1289 : memref<1x125x80xi32, #tpu.memory_space<hbm>> -> memref<125x80xi32, #tpu.memory_space<hbm>>
        %dma_start3A_1291 = arith.constant 0 : i32
        %dma_start3A_1292 = tpu.memref_slice %dma_start3A_1290[%add3A_1251, %dma_start3A_1291] : memref<125x80xi32, #tpu.memory_space<hbm>> -> memref<1x80xi32, #tpu.memory_space<hbm>>
        %dma_start3A_1293 = tpu.memref_squeeze %dma_start3A_1292 : memref<1x80xi32, #tpu.memory_space<hbm>> -> memref<80xi32, #tpu.memory_space<hbm>>
        tpu.enqueue_dma source(%dma_start3A_1293 : memref<80xi32, #tpu.memory_space<hbm>>) target(%dma_start3A_1286 : memref<80xi32, #tpu.memory_space<vmem>>) target_semaphore(%arg22 : memref<!tpu.dma_semaphore, #tpu.memory_space<semaphore_mem>>)
      } else {
      }
      %dma_wait3A_1210 = arith.constant 0 : i32
      %dma_wait3A_1211 = arith.constant 0 : i32
      %dma_wait3A_1212 = tpu.memref_slice %arg8[%dma_wait3A_1210, %dma_wait3A_1211] : memref<6x80xi32, #tpu.memory_space<vmem>> -> memref<1x80xi32, #tpu.memory_space<vmem>>
      %dma_wait3A_1213 = tpu.memref_squeeze %dma_wait3A_1212 : memref<1x80xi32, #tpu.memory_space<vmem>> -> memref<80xi32, #tpu.memory_space<vmem>>
      %dma_wait3A_1214 = arith.constant 0 : i32
      %dma_wait3A_1215 = arith.constant 0 : i32
      %dma_wait3A_1216 = tpu.memref_slice %arg12[%dma_wait3A_1214, %dma_wait3A_1215] : memref<10000x128xf32, #tpu.memory_space<vmem_shared>> -> memref<10000x128xf32, #tpu.memory_space<vmem_shared>>
      tpu.wait_indirect_dma semaphore(%arg17 : memref<!tpu.dma_semaphore, #tpu.memory_space<semaphore_mem>>) src(%arg10 : memref<80x128xf32, #tpu.memory_space<vmem>>) dst(%dma_wait3A_1216 : memref<10000x128xf32, #tpu.memory_space<vmem_shared>>)
      %add3A_1217 = arith.constant 6 : i32
      %add3A_1218 = arith.addi %mul3A_643, %add3A_1217 : i32
      %add3A_1219 = arith.constant 3 : i32
      %add3A_1220 = arith.addi %add3A_1218, %add3A_1219 : i32
      %add3A_1221 = arith.constant 1 : i32
      %add3A_1222 = arith.addi %add3A_1220, %add3A_1221 : i32
      %lt3A_1223 = arith.constant 125 : i32
      %lt3A_1224 = arith.cmpi slt, %add3A_1222, %lt3A_1223 : i32
      %convert_element_type3A_1225 = arith.extui %lt3A_1224 : i1 to i32
      %cond3A_1226 = arith.constant 0 : i32
      %cond3A_1227 = arith.cmpi ne, %convert_element_type3A_1225, %cond3A_1226 : i32
      scf.if %cond3A_1227 {
        %add3A_1246 = arith.constant 6 : i32
        %add3A_1247 = arith.addi %mul3A_643, %add3A_1246 : i32
        %add3A_1248 = arith.constant 3 : i32
        %add3A_1249 = arith.addi %add3A_1247, %add3A_1248 : i32
        %add3A_1250 = arith.constant 1 : i32
        %add3A_1251 = arith.addi %add3A_1249, %add3A_1250 : i32
        %dma_start3A_1252 = arith.constant 4 : i32
        %dma_start3A_1253 = arith.constant 0 : i32
        %dma_start3A_1254 = tpu.memref_slice %arg7[%dma_start3A_1252, %dma_start3A_1253] : memref<6x80xi32, #tpu.memory_space<vmem>> -> memref<1x80xi32, #tpu.memory_space<vmem>>
        %dma_start3A_1255 = tpu.memref_squeeze %dma_start3A_1254 : memref<1x80xi32, #tpu.memory_space<vmem>> -> memref<80xi32, #tpu.memory_space<vmem>>
        %dma_start3A_1256 = arith.constant 0 : i32
        %dma_start3A_1257 = arith.constant 0 : i32
        %dma_start3A_1258 = tpu.memref_slice %arg3[%add3A, %dma_start3A_1256, %dma_start3A_1257] : memref<32x125x80xi32, #tpu.memory_space<hbm>> -> memref<1x125x80xi32, #tpu.memory_space<hbm>>
        %dma_start3A_1259 = tpu.memref_squeeze %dma_start3A_1258 : memref<1x125x80xi32, #tpu.memory_space<hbm>> -> memref<125x80xi32, #tpu.memory_space<hbm>>
        %dma_start3A_1260 = arith.constant 0 : i32
        %dma_start3A_1261 = tpu.memref_slice %dma_start3A_1259[%add3A_1251, %dma_start3A_1260] : memref<125x80xi32, #tpu.memory_space<hbm>> -> memref<1x80xi32, #tpu.memory_space<hbm>>
        %dma_start3A_1262 = tpu.memref_squeeze %dma_start3A_1261 : memref<1x80xi32, #tpu.memory_space<hbm>> -> memref<80xi32, #tpu.memory_space<hbm>>
        %dma_start3A_1263 = arith.constant 0 : i32
        %dma_start3A_1264 = tpu.memref_slice %arg7[%dma_start3A_1252, %dma_start3A_1263] : memref<6x80xi32, #tpu.memory_space<vmem>> -> memref<1x80xi32, #tpu.memory_space<vmem>>
        %dma_start3A_1265 = tpu.memref_squeeze %dma_start3A_1264 : memref<1x80xi32, #tpu.memory_space<vmem>> -> memref<80xi32, #tpu.memory_space<vmem>>
        %dma_start3A_1266 = arith.constant 0 : i32
        %dma_start3A_1267 = arith.constant 0 : i32
        %dma_start3A_1268 = tpu.memref_slice %arg3[%add3A, %dma_start3A_1266, %dma_start3A_1267] : memref<32x125x80xi32, #tpu.memory_space<hbm>> -> memref<1x125x80xi32, #tpu.memory_space<hbm>>
        %dma_start3A_1269 = tpu.memref_squeeze %dma_start3A_1268 : memref<1x125x80xi32, #tpu.memory_space<hbm>> -> memref<125x80xi32, #tpu.memory_space<hbm>>
        %dma_start3A_1270 = arith.constant 0 : i32
        %dma_start3A_1271 = tpu.memref_slice %dma_start3A_1269[%add3A_1251, %dma_start3A_1270] : memref<125x80xi32, #tpu.memory_space<hbm>> -> memref<1x80xi32, #tpu.memory_space<hbm>>
        %dma_start3A_1272 = tpu.memref_squeeze %dma_start3A_1271 : memref<1x80xi32, #tpu.memory_space<hbm>> -> memref<80xi32, #tpu.memory_space<hbm>>
        tpu.enqueue_dma source(%dma_start3A_1272 : memref<80xi32, #tpu.memory_space<hbm>>) target(%dma_start3A_1265 : memref<80xi32, #tpu.memory_space<vmem>>) target_semaphore(%arg23 : memref<!tpu.dma_semaphore, #tpu.memory_space<semaphore_mem>>)
        %dma_start3A_1273 = arith.constant 4 : i32
        %dma_start3A_1274 = arith.constant 0 : i32
        %dma_start3A_1275 = tpu.memref_slice %arg8[%dma_start3A_1273, %dma_start3A_1274] : memref<6x80xi32, #tpu.memory_space<vmem>> -> memref<1x80xi32, #tpu.memory_space<vmem>>
        %dma_start3A_1276 = tpu.memref_squeeze %dma_start3A_1275 : memref<1x80xi32, #tpu.memory_space<vmem>> -> memref<80xi32, #tpu.memory_space<vmem>>
        %dma_start3A_1277 = arith.constant 0 : i32
        %dma_start3A_1278 = arith.constant 0 : i32
        %dma_start3A_1279 = tpu.memref_slice %arg4[%add3A, %dma_start3A_1277, %dma_start3A_1278] : memref<32x125x80xi32, #tpu.memory_space<hbm>> -> memref<1x125x80xi32, #tpu.memory_space<hbm>>
        %dma_start3A_1280 = tpu.memref_squeeze %dma_start3A_1279 : memref<1x125x80xi32, #tpu.memory_space<hbm>> -> memref<125x80xi32, #tpu.memory_space<hbm>>
        %dma_start3A_1281 = arith.constant 0 : i32
        %dma_start3A_1282 = tpu.memref_slice %dma_start3A_1280[%add3A_1251, %dma_start3A_1281] : memref<125x80xi32, #tpu.memory_space<hbm>> -> memref<1x80xi32, #tpu.memory_space<hbm>>
        %dma_start3A_1283 = tpu.memref_squeeze %dma_start3A_1282 : memref<1x80xi32, #tpu.memory_space<hbm>> -> memref<80xi32, #tpu.memory_space<hbm>>
        %dma_start3A_1284 = arith.constant 0 : i32
        %dma_start3A_1285 = tpu.memref_slice %arg8[%dma_start3A_1273, %dma_start3A_1284] : memref<6x80xi32, #tpu.memory_space<vmem>> -> memref<1x80xi32, #tpu.memory_space<vmem>>
        %dma_start3A_1286 = tpu.memref_squeeze %dma_start3A_1285 : memref<1x80xi32, #tpu.memory_space<vmem>> -> memref<80xi32, #tpu.memory_space<vmem>>
        %dma_start3A_1287 = arith.constant 0 : i32
        %dma_start3A_1288 = arith.constant 0 : i32
        %dma_start3A_1289 = tpu.memref_slice %arg4[%add3A, %dma_start3A_1287, %dma_start3A_1288] : memref<32x125x80xi32, #tpu.memory_space<hbm>> -> memref<1x125x80xi32, #tpu.memory_space<hbm>>
        %dma_start3A_1290 = tpu.memref_squeeze %dma_start3A_1289 : memref<1x125x80xi32, #tpu.memory_space<hbm>> -> memref<125x80xi32, #tpu.memory_space<hbm>>
        %dma_start3A_1291 = arith.constant 0 : i32
        %dma_start3A_1292 = tpu.memref_slice %dma_start3A_1290[%add3A_1251, %dma_start3A_1291] : memref<125x80xi32, #tpu.memory_space<hbm>> -> memref<1x80xi32, #tpu.memory_space<hbm>>
        %dma_start3A_1293 = tpu.memref_squeeze %dma_start3A_1292 : memref<1x80xi32, #tpu.memory_space<hbm>> -> memref<80xi32, #tpu.memory_space<hbm>>
        tpu.enqueue_dma source(%dma_start3A_1293 : memref<80xi32, #tpu.memory_space<hbm>>) target(%dma_start3A_1286 : memref<80xi32, #tpu.memory_space<vmem>>) target_semaphore(%arg23 : memref<!tpu.dma_semaphore, #tpu.memory_space<semaphore_mem>>)
      } else {
      }
      %dma_wait3A_1228 = arith.constant 0 : i32
      %dma_wait3A_1229 = arith.constant 0 : i32
      %dma_wait3A_1230 = tpu.memref_slice %arg8[%dma_wait3A_1228, %dma_wait3A_1229] : memref<6x80xi32, #tpu.memory_space<vmem>> -> memref<1x80xi32, #tpu.memory_space<vmem>>
      %dma_wait3A_1231 = tpu.memref_squeeze %dma_wait3A_1230 : memref<1x80xi32, #tpu.memory_space<vmem>> -> memref<80xi32, #tpu.memory_space<vmem>>
      %dma_wait3A_1232 = arith.constant 0 : i32
      %dma_wait3A_1233 = arith.constant 0 : i32
      %dma_wait3A_1234 = tpu.memref_slice %arg12[%dma_wait3A_1232, %dma_wait3A_1233] : memref<10000x128xf32, #tpu.memory_space<vmem_shared>> -> memref<10000x128xf32, #tpu.memory_space<vmem_shared>>
      tpu.wait_indirect_dma semaphore(%arg18 : memref<!tpu.dma_semaphore, #tpu.memory_space<semaphore_mem>>) src(%arg11 : memref<80x128xf32, #tpu.memory_space<vmem>>) dst(%dma_wait3A_1234 : memref<10000x128xf32, #tpu.memory_space<vmem_shared>>)
      %add3A_1235 = arith.constant 6 : i32
      %add3A_1236 = arith.addi %mul3A_643, %add3A_1235 : i32
      %add3A_1237 = arith.constant 3 : i32
      %add3A_1238 = arith.addi %add3A_1236, %add3A_1237 : i32
      %add3A_1239 = arith.constant 2 : i32
      %add3A_1240 = arith.addi %add3A_1238, %add3A_1239 : i32
      %lt3A_1241 = arith.constant 125 : i32
      %lt3A_1242 = arith.cmpi slt, %add3A_1240, %lt3A_1241 : i32
      %convert_element_type3A_1243 = arith.extui %lt3A_1242 : i1 to i32
      %cond3A_1244 = arith.constant 0 : i32
      %cond3A_1245 = arith.cmpi ne, %convert_element_type3A_1243, %cond3A_1244 : i32
      scf.if %cond3A_1245 {
        %add3A_1246 = arith.constant 6 : i32
        %add3A_1247 = arith.addi %mul3A_643, %add3A_1246 : i32
        %add3A_1248 = arith.constant 3 : i32
        %add3A_1249 = arith.addi %add3A_1247, %add3A_1248 : i32
        %add3A_1250 = arith.constant 2 : i32
        %add3A_1251 = arith.addi %add3A_1249, %add3A_1250 : i32
        %dma_start3A_1252 = arith.constant 5 : i32
        %dma_start3A_1253 = arith.constant 0 : i32
        %dma_start3A_1254 = tpu.memref_slice %arg7[%dma_start3A_1252, %dma_start3A_1253] : memref<6x80xi32, #tpu.memory_space<vmem>> -> memref<1x80xi32, #tpu.memory_space<vmem>>
        %dma_start3A_1255 = tpu.memref_squeeze %dma_start3A_1254 : memref<1x80xi32, #tpu.memory_space<vmem>> -> memref<80xi32, #tpu.memory_space<vmem>>
        %dma_start3A_1256 = arith.constant 0 : i32
        %dma_start3A_1257 = arith.constant 0 : i32
        %dma_start3A_1258 = tpu.memref_slice %arg3[%add3A, %dma_start3A_1256, %dma_start3A_1257] : memref<32x125x80xi32, #tpu.memory_space<hbm>> -> memref<1x125x80xi32, #tpu.memory_space<hbm>>
        %dma_start3A_1259 = tpu.memref_squeeze %dma_start3A_1258 : memref<1x125x80xi32, #tpu.memory_space<hbm>> -> memref<125x80xi32, #tpu.memory_space<hbm>>
        %dma_start3A_1260 = arith.constant 0 : i32
        %dma_start3A_1261 = tpu.memref_slice %dma_start3A_1259[%add3A_1251, %dma_start3A_1260] : memref<125x80xi32, #tpu.memory_space<hbm>> -> memref<1x80xi32, #tpu.memory_space<hbm>>
        %dma_start3A_1262 = tpu.memref_squeeze %dma_start3A_1261 : memref<1x80xi32, #tpu.memory_space<hbm>> -> memref<80xi32, #tpu.memory_space<hbm>>
        %dma_start3A_1263 = arith.constant 0 : i32
        %dma_start3A_1264 = tpu.memref_slice %arg7[%dma_start3A_1252, %dma_start3A_1263] : memref<6x80xi32, #tpu.memory_space<vmem>> -> memref<1x80xi32, #tpu.memory_space<vmem>>
        %dma_start3A_1265 = tpu.memref_squeeze %dma_start3A_1264 : memref<1x80xi32, #tpu.memory_space<vmem>> -> memref<80xi32, #tpu.memory_space<vmem>>
        %dma_start3A_1266 = arith.constant 0 : i32
        %dma_start3A_1267 = arith.constant 0 : i32
        %dma_start3A_1268 = tpu.memref_slice %arg3[%add3A, %dma_start3A_1266, %dma_start3A_1267] : memref<32x125x80xi32, #tpu.memory_space<hbm>> -> memref<1x125x80xi32, #tpu.memory_space<hbm>>
        %dma_start3A_1269 = tpu.memref_squeeze %dma_start3A_1268 : memref<1x125x80xi32, #tpu.memory_space<hbm>> -> memref<125x80xi32, #tpu.memory_space<hbm>>
        %dma_start3A_1270 = arith.constant 0 : i32
        %dma_start3A_1271 = tpu.memref_slice %dma_start3A_1269[%add3A_1251, %dma_start3A_1270] : memref<125x80xi32, #tpu.memory_space<hbm>> -> memref<1x80xi32, #tpu.memory_space<hbm>>
        %dma_start3A_1272 = tpu.memref_squeeze %dma_start3A_1271 : memref<1x80xi32, #tpu.memory_space<hbm>> -> memref<80xi32, #tpu.memory_space<hbm>>
        tpu.enqueue_dma source(%dma_start3A_1272 : memref<80xi32, #tpu.memory_space<hbm>>) target(%dma_start3A_1265 : memref<80xi32, #tpu.memory_space<vmem>>) target_semaphore(%arg24 : memref<!tpu.dma_semaphore, #tpu.memory_space<semaphore_mem>>)
        %dma_start3A_1273 = arith.constant 5 : i32
        %dma_start3A_1274 = arith.constant 0 : i32
        %dma_start3A_1275 = tpu.memref_slice %arg8[%dma_start3A_1273, %dma_start3A_1274] : memref<6x80xi32, #tpu.memory_space<vmem>> -> memref<1x80xi32, #tpu.memory_space<vmem>>
        %dma_start3A_1276 = tpu.memref_squeeze %dma_start3A_1275 : memref<1x80xi32, #tpu.memory_space<vmem>> -> memref<80xi32, #tpu.memory_space<vmem>>
        %dma_start3A_1277 = arith.constant 0 : i32
        %dma_start3A_1278 = arith.constant 0 : i32
        %dma_start3A_1279 = tpu.memref_slice %arg4[%add3A, %dma_start3A_1277, %dma_start3A_1278] : memref<32x125x80xi32, #tpu.memory_space<hbm>> -> memref<1x125x80xi32, #tpu.memory_space<hbm>>
        %dma_start3A_1280 = tpu.memref_squeeze %dma_start3A_1279 : memref<1x125x80xi32, #tpu.memory_space<hbm>> -> memref<125x80xi32, #tpu.memory_space<hbm>>
        %dma_start3A_1281 = arith.constant 0 : i32
        %dma_start3A_1282 = tpu.memref_slice %dma_start3A_1280[%add3A_1251, %dma_start3A_1281] : memref<125x80xi32, #tpu.memory_space<hbm>> -> memref<1x80xi32, #tpu.memory_space<hbm>>
        %dma_start3A_1283 = tpu.memref_squeeze %dma_start3A_1282 : memref<1x80xi32, #tpu.memory_space<hbm>> -> memref<80xi32, #tpu.memory_space<hbm>>
        %dma_start3A_1284 = arith.constant 0 : i32
        %dma_start3A_1285 = tpu.memref_slice %arg8[%dma_start3A_1273, %dma_start3A_1284] : memref<6x80xi32, #tpu.memory_space<vmem>> -> memref<1x80xi32, #tpu.memory_space<vmem>>
        %dma_start3A_1286 = tpu.memref_squeeze %dma_start3A_1285 : memref<1x80xi32, #tpu.memory_space<vmem>> -> memref<80xi32, #tpu.memory_space<vmem>>
        %dma_start3A_1287 = arith.constant 0 : i32
        %dma_start3A_1288 = arith.constant 0 : i32
        %dma_start3A_1289 = tpu.memref_slice %arg4[%add3A, %dma_start3A_1287, %dma_start3A_1288] : memref<32x125x80xi32, #tpu.memory_space<hbm>> -> memref<1x125x80xi32, #tpu.memory_space<hbm>>
        %dma_start3A_1290 = tpu.memref_squeeze %dma_start3A_1289 : memref<1x125x80xi32, #tpu.memory_space<hbm>> -> memref<125x80xi32, #tpu.memory_space<hbm>>
        %dma_start3A_1291 = arith.constant 0 : i32
        %dma_start3A_1292 = tpu.memref_slice %dma_start3A_1290[%add3A_1251, %dma_start3A_1291] : memref<125x80xi32, #tpu.memory_space<hbm>> -> memref<1x80xi32, #tpu.memory_space<hbm>>
        %dma_start3A_1293 = tpu.memref_squeeze %dma_start3A_1292 : memref<1x80xi32, #tpu.memory_space<hbm>> -> memref<80xi32, #tpu.memory_space<hbm>>
        tpu.enqueue_dma source(%dma_start3A_1293 : memref<80xi32, #tpu.memory_space<hbm>>) target(%dma_start3A_1286 : memref<80xi32, #tpu.memory_space<vmem>>) target_semaphore(%arg24 : memref<!tpu.dma_semaphore, #tpu.memory_space<semaphore_mem>>)
      } else {
      }
    }
    %scan3A_276 = arith.constant 20 : i32
    %dma_wait3A = arith.constant 0 : i32
    %dma_wait3A_277 = arith.constant 0 : i32
    %dma_wait3A_278 = arith.constant 0 : i32
    %dma_wait3A_279 = tpu.memref_slice %arg7[%dma_wait3A_277, %dma_wait3A_278] : memref<6x80xi32, #tpu.memory_space<vmem>> -> memref<1x80xi32, #tpu.memory_space<vmem>>
    %dma_wait3A_280 = tpu.memref_squeeze %dma_wait3A_279 : memref<1x80xi32, #tpu.memory_space<vmem>> -> memref<80xi32, #tpu.memory_space<vmem>>
    %dma_wait3A_281 = arith.constant 0 : i32
    %dma_wait3A_282 = arith.constant 0 : i32
    %dma_wait3A_283 = tpu.memref_slice %arg3[%add3A, %dma_wait3A_281, %dma_wait3A_282] : memref<32x125x80xi32, #tpu.memory_space<hbm>> -> memref<1x125x80xi32, #tpu.memory_space<hbm>>
    %dma_wait3A_284 = tpu.memref_squeeze %dma_wait3A_283 : memref<1x125x80xi32, #tpu.memory_space<hbm>> -> memref<125x80xi32, #tpu.memory_space<hbm>>
    %dma_wait3A_285 = arith.constant 0 : i32
    %dma_wait3A_286 = tpu.memref_slice %dma_wait3A_284[%dma_wait3A, %dma_wait3A_285] : memref<125x80xi32, #tpu.memory_space<hbm>> -> memref<1x80xi32, #tpu.memory_space<hbm>>
    %dma_wait3A_287 = tpu.memref_squeeze %dma_wait3A_286 : memref<1x80xi32, #tpu.memory_space<hbm>> -> memref<80xi32, #tpu.memory_space<hbm>>
    %dma_wait3A_288 = arith.constant 0 : i32
    %dma_wait3A_289 = tpu.memref_slice %arg7[%dma_wait3A_277, %dma_wait3A_288] : memref<6x80xi32, #tpu.memory_space<vmem>> -> memref<1x80xi32, #tpu.memory_space<vmem>>
    %dma_wait3A_290 = tpu.memref_squeeze %dma_wait3A_289 : memref<1x80xi32, #tpu.memory_space<vmem>> -> memref<80xi32, #tpu.memory_space<vmem>>
    %dma_wait3A_291 = arith.constant 0 : i32
    %dma_wait3A_292 = arith.constant 0 : i32
    %dma_wait3A_293 = tpu.memref_slice %arg3[%add3A, %dma_wait3A_291, %dma_wait3A_292] : memref<32x125x80xi32, #tpu.memory_space<hbm>> -> memref<1x125x80xi32, #tpu.memory_space<hbm>>
    %dma_wait3A_294 = tpu.memref_squeeze %dma_wait3A_293 : memref<1x125x80xi32, #tpu.memory_space<hbm>> -> memref<125x80xi32, #tpu.memory_space<hbm>>
    %dma_wait3A_295 = arith.constant 0 : i32
    %dma_wait3A_296 = tpu.memref_slice %dma_wait3A_294[%dma_wait3A, %dma_wait3A_295] : memref<125x80xi32, #tpu.memory_space<hbm>> -> memref<1x80xi32, #tpu.memory_space<hbm>>
    %dma_wait3A_297 = tpu.memref_squeeze %dma_wait3A_296 : memref<1x80xi32, #tpu.memory_space<hbm>> -> memref<80xi32, #tpu.memory_space<hbm>>
    tpu.wait_dma2 semaphore(%arg19 : memref<!tpu.dma_semaphore, #tpu.memory_space<semaphore_mem>>) src(%dma_wait3A_297 : memref<80xi32, #tpu.memory_space<hbm>>) dst(%dma_wait3A_290 : memref<80xi32, #tpu.memory_space<vmem>>)
    %dma_wait3A_298 = arith.constant 0 : i32
    %dma_wait3A_299 = arith.constant 0 : i32
    %dma_wait3A_300 = arith.constant 0 : i32
    %dma_wait3A_301 = tpu.memref_slice %arg8[%dma_wait3A_299, %dma_wait3A_300] : memref<6x80xi32, #tpu.memory_space<vmem>> -> memref<1x80xi32, #tpu.memory_space<vmem>>
    %dma_wait3A_302 = tpu.memref_squeeze %dma_wait3A_301 : memref<1x80xi32, #tpu.memory_space<vmem>> -> memref<80xi32, #tpu.memory_space<vmem>>
    %dma_wait3A_303 = arith.constant 0 : i32
    %dma_wait3A_304 = arith.constant 0 : i32
    %dma_wait3A_305 = tpu.memref_slice %arg4[%add3A, %dma_wait3A_303, %dma_wait3A_304] : memref<32x125x80xi32, #tpu.memory_space<hbm>> -> memref<1x125x80xi32, #tpu.memory_space<hbm>>
    %dma_wait3A_306 = tpu.memref_squeeze %dma_wait3A_305 : memref<1x125x80xi32, #tpu.memory_space<hbm>> -> memref<125x80xi32, #tpu.memory_space<hbm>>
    %dma_wait3A_307 = arith.constant 0 : i32
    %dma_wait3A_308 = tpu.memref_slice %dma_wait3A_306[%dma_wait3A_298, %dma_wait3A_307] : memref<125x80xi32, #tpu.memory_space<hbm>> -> memref<1x80xi32, #tpu.memory_space<hbm>>
    %dma_wait3A_309 = tpu.memref_squeeze %dma_wait3A_308 : memref<1x80xi32, #tpu.memory_space<hbm>> -> memref<80xi32, #tpu.memory_space<hbm>>
    %dma_wait3A_310 = arith.constant 0 : i32
    %dma_wait3A_311 = tpu.memref_slice %arg8[%dma_wait3A_299, %dma_wait3A_310] : memref<6x80xi32, #tpu.memory_space<vmem>> -> memref<1x80xi32, #tpu.memory_space<vmem>>
    %dma_wait3A_312 = tpu.memref_squeeze %dma_wait3A_311 : memref<1x80xi32, #tpu.memory_space<vmem>> -> memref<80xi32, #tpu.memory_space<vmem>>
    %dma_wait3A_313 = arith.constant 0 : i32
    %dma_wait3A_314 = arith.constant 0 : i32
    %dma_wait3A_315 = tpu.memref_slice %arg4[%add3A, %dma_wait3A_313, %dma_wait3A_314] : memref<32x125x80xi32, #tpu.memory_space<hbm>> -> memref<1x125x80xi32, #tpu.memory_space<hbm>>
    %dma_wait3A_316 = tpu.memref_squeeze %dma_wait3A_315 : memref<1x125x80xi32, #tpu.memory_space<hbm>> -> memref<125x80xi32, #tpu.memory_space<hbm>>
    %dma_wait3A_317 = arith.constant 0 : i32
    %dma_wait3A_318 = tpu.memref_slice %dma_wait3A_316[%dma_wait3A_298, %dma_wait3A_317] : memref<125x80xi32, #tpu.memory_space<hbm>> -> memref<1x80xi32, #tpu.memory_space<hbm>>
    %dma_wait3A_319 = tpu.memref_squeeze %dma_wait3A_318 : memref<1x80xi32, #tpu.memory_space<hbm>> -> memref<80xi32, #tpu.memory_space<hbm>>
    tpu.wait_dma2 semaphore(%arg19 : memref<!tpu.dma_semaphore, #tpu.memory_space<semaphore_mem>>) src(%dma_wait3A_319 : memref<80xi32, #tpu.memory_space<hbm>>) dst(%dma_wait3A_312 : memref<80xi32, #tpu.memory_space<vmem>>)
    %dma_start3A_320 = arith.constant 0 : i32
    %dma_start3A_321 = arith.constant 0 : i32
    %dma_start3A_322 = tpu.memref_slice %arg7[%dma_start3A_320, %dma_start3A_321] : memref<6x80xi32, #tpu.memory_space<vmem>> -> memref<1x80xi32, #tpu.memory_space<vmem>>
    %dma_start3A_323 = tpu.memref_squeeze %dma_start3A_322 : memref<1x80xi32, #tpu.memory_space<vmem>> -> memref<80xi32, #tpu.memory_space<vmem>>
    %dma_start3A_324 = arith.constant 0 : i32
    %dma_start3A_325 = arith.constant 0 : i32
    %dma_start3A_326 = tpu.memref_slice %arg2[%dma_start3A_324, %dma_start3A_325] : memref<10000x128xf32, #tpu.memory_space<hbm>> -> memref<10000x128xf32, #tpu.memory_space<hbm>>
    tpu.enqueue_indirect_dma source(%dma_start3A_326 : memref<10000x128xf32, #tpu.memory_space<hbm>>) target(%arg9 : memref<80x128xf32, #tpu.memory_space<vmem>>) offsets(%dma_start3A_323 : memref<80xi32, #tpu.memory_space<vmem>>) semaphore(%arg13 : memref<!tpu.dma_semaphore, #tpu.memory_space<semaphore_mem>>)
    %dma_wait3A_327 = arith.constant 0 : i32
    %dma_wait3A_328 = arith.constant 1 : i32
    %dma_wait3A_329 = arith.constant 0 : i32
    %dma_wait3A_330 = tpu.memref_slice %arg7[%dma_wait3A_328, %dma_wait3A_329] : memref<6x80xi32, #tpu.memory_space<vmem>> -> memref<1x80xi32, #tpu.memory_space<vmem>>
    %dma_wait3A_331 = tpu.memref_squeeze %dma_wait3A_330 : memref<1x80xi32, #tpu.memory_space<vmem>> -> memref<80xi32, #tpu.memory_space<vmem>>
    %dma_wait3A_332 = arith.constant 0 : i32
    %dma_wait3A_333 = arith.constant 0 : i32
    %dma_wait3A_334 = tpu.memref_slice %arg3[%add3A, %dma_wait3A_332, %dma_wait3A_333] : memref<32x125x80xi32, #tpu.memory_space<hbm>> -> memref<1x125x80xi32, #tpu.memory_space<hbm>>
    %dma_wait3A_335 = tpu.memref_squeeze %dma_wait3A_334 : memref<1x125x80xi32, #tpu.memory_space<hbm>> -> memref<125x80xi32, #tpu.memory_space<hbm>>
    %dma_wait3A_336 = arith.constant 0 : i32
    %dma_wait3A_337 = tpu.memref_slice %dma_wait3A_335[%dma_wait3A_327, %dma_wait3A_336] : memref<125x80xi32, #tpu.memory_space<hbm>> -> memref<1x80xi32, #tpu.memory_space<hbm>>
    %dma_wait3A_338 = tpu.memref_squeeze %dma_wait3A_337 : memref<1x80xi32, #tpu.memory_space<hbm>> -> memref<80xi32, #tpu.memory_space<hbm>>
    %dma_wait3A_339 = arith.constant 0 : i32
    %dma_wait3A_340 = tpu.memref_slice %arg7[%dma_wait3A_328, %dma_wait3A_339] : memref<6x80xi32, #tpu.memory_space<vmem>> -> memref<1x80xi32, #tpu.memory_space<vmem>>
    %dma_wait3A_341 = tpu.memref_squeeze %dma_wait3A_340 : memref<1x80xi32, #tpu.memory_space<vmem>> -> memref<80xi32, #tpu.memory_space<vmem>>
    %dma_wait3A_342 = arith.constant 0 : i32
    %dma_wait3A_343 = arith.constant 0 : i32
    %dma_wait3A_344 = tpu.memref_slice %arg3[%add3A, %dma_wait3A_342, %dma_wait3A_343] : memref<32x125x80xi32, #tpu.memory_space<hbm>> -> memref<1x125x80xi32, #tpu.memory_space<hbm>>
    %dma_wait3A_345 = tpu.memref_squeeze %dma_wait3A_344 : memref<1x125x80xi32, #tpu.memory_space<hbm>> -> memref<125x80xi32, #tpu.memory_space<hbm>>
    %dma_wait3A_346 = arith.constant 0 : i32
    %dma_wait3A_347 = tpu.memref_slice %dma_wait3A_345[%dma_wait3A_327, %dma_wait3A_346] : memref<125x80xi32, #tpu.memory_space<hbm>> -> memref<1x80xi32, #tpu.memory_space<hbm>>
    %dma_wait3A_348 = tpu.memref_squeeze %dma_wait3A_347 : memref<1x80xi32, #tpu.memory_space<hbm>> -> memref<80xi32, #tpu.memory_space<hbm>>
    tpu.wait_dma2 semaphore(%arg20 : memref<!tpu.dma_semaphore, #tpu.memory_space<semaphore_mem>>) src(%dma_wait3A_348 : memref<80xi32, #tpu.memory_space<hbm>>) dst(%dma_wait3A_341 : memref<80xi32, #tpu.memory_space<vmem>>)
    %dma_wait3A_349 = arith.constant 0 : i32
    %dma_wait3A_350 = arith.constant 1 : i32
    %dma_wait3A_351 = arith.constant 0 : i32
    %dma_wait3A_352 = tpu.memref_slice %arg8[%dma_wait3A_350, %dma_wait3A_351] : memref<6x80xi32, #tpu.memory_space<vmem>> -> memref<1x80xi32, #tpu.memory_space<vmem>>
    %dma_wait3A_353 = tpu.memref_squeeze %dma_wait3A_352 : memref<1x80xi32, #tpu.memory_space<vmem>> -> memref<80xi32, #tpu.memory_space<vmem>>
    %dma_wait3A_354 = arith.constant 0 : i32
    %dma_wait3A_355 = arith.constant 0 : i32
    %dma_wait3A_356 = tpu.memref_slice %arg4[%add3A, %dma_wait3A_354, %dma_wait3A_355] : memref<32x125x80xi32, #tpu.memory_space<hbm>> -> memref<1x125x80xi32, #tpu.memory_space<hbm>>
    %dma_wait3A_357 = tpu.memref_squeeze %dma_wait3A_356 : memref<1x125x80xi32, #tpu.memory_space<hbm>> -> memref<125x80xi32, #tpu.memory_space<hbm>>
    %dma_wait3A_358 = arith.constant 0 : i32
    %dma_wait3A_359 = tpu.memref_slice %dma_wait3A_357[%dma_wait3A_349, %dma_wait3A_358] : memref<125x80xi32, #tpu.memory_space<hbm>> -> memref<1x80xi32, #tpu.memory_space<hbm>>
    %dma_wait3A_360 = tpu.memref_squeeze %dma_wait3A_359 : memref<1x80xi32, #tpu.memory_space<hbm>> -> memref<80xi32, #tpu.memory_space<hbm>>
    %dma_wait3A_361 = arith.constant 0 : i32
    %dma_wait3A_362 = tpu.memref_slice %arg8[%dma_wait3A_350, %dma_wait3A_361] : memref<6x80xi32, #tpu.memory_space<vmem>> -> memref<1x80xi32, #tpu.memory_space<vmem>>
    %dma_wait3A_363 = tpu.memref_squeeze %dma_wait3A_362 : memref<1x80xi32, #tpu.memory_space<vmem>> -> memref<80xi32, #tpu.memory_space<vmem>>
    %dma_wait3A_364 = arith.constant 0 : i32
    %dma_wait3A_365 = arith.constant 0 : i32
    %dma_wait3A_366 = tpu.memref_slice %arg4[%add3A, %dma_wait3A_364, %dma_wait3A_365] : memref<32x125x80xi32, #tpu.memory_space<hbm>> -> memref<1x125x80xi32, #tpu.memory_space<hbm>>
    %dma_wait3A_367 = tpu.memref_squeeze %dma_wait3A_366 : memref<1x125x80xi32, #tpu.memory_space<hbm>> -> memref<125x80xi32, #tpu.memory_space<hbm>>
    %dma_wait3A_368 = arith.constant 0 : i32
    %dma_wait3A_369 = tpu.memref_slice %dma_wait3A_367[%dma_wait3A_349, %dma_wait3A_368] : memref<125x80xi32, #tpu.memory_space<hbm>> -> memref<1x80xi32, #tpu.memory_space<hbm>>
    %dma_wait3A_370 = tpu.memref_squeeze %dma_wait3A_369 : memref<1x80xi32, #tpu.memory_space<hbm>> -> memref<80xi32, #tpu.memory_space<hbm>>
    tpu.wait_dma2 semaphore(%arg20 : memref<!tpu.dma_semaphore, #tpu.memory_space<semaphore_mem>>) src(%dma_wait3A_370 : memref<80xi32, #tpu.memory_space<hbm>>) dst(%dma_wait3A_363 : memref<80xi32, #tpu.memory_space<vmem>>)
    %dma_start3A_371 = arith.constant 1 : i32
    %dma_start3A_372 = arith.constant 0 : i32
    %dma_start3A_373 = tpu.memref_slice %arg7[%dma_start3A_371, %dma_start3A_372] : memref<6x80xi32, #tpu.memory_space<vmem>> -> memref<1x80xi32, #tpu.memory_space<vmem>>
    %dma_start3A_374 = tpu.memref_squeeze %dma_start3A_373 : memref<1x80xi32, #tpu.memory_space<vmem>> -> memref<80xi32, #tpu.memory_space<vmem>>
    %dma_start3A_375 = arith.constant 0 : i32
    %dma_start3A_376 = arith.constant 0 : i32
    %dma_start3A_377 = tpu.memref_slice %arg2[%dma_start3A_375, %dma_start3A_376] : memref<10000x128xf32, #tpu.memory_space<hbm>> -> memref<10000x128xf32, #tpu.memory_space<hbm>>
    tpu.enqueue_indirect_dma source(%dma_start3A_377 : memref<10000x128xf32, #tpu.memory_space<hbm>>) target(%arg10 : memref<80x128xf32, #tpu.memory_space<vmem>>) offsets(%dma_start3A_374 : memref<80xi32, #tpu.memory_space<vmem>>) semaphore(%arg14 : memref<!tpu.dma_semaphore, #tpu.memory_space<semaphore_mem>>)
    %dma_wait3A_378 = arith.constant 0 : i32
    %dma_wait3A_379 = arith.constant 2 : i32
    %dma_wait3A_380 = arith.constant 0 : i32
    %dma_wait3A_381 = tpu.memref_slice %arg7[%dma_wait3A_379, %dma_wait3A_380] : memref<6x80xi32, #tpu.memory_space<vmem>> -> memref<1x80xi32, #tpu.memory_space<vmem>>
    %dma_wait3A_382 = tpu.memref_squeeze %dma_wait3A_381 : memref<1x80xi32, #tpu.memory_space<vmem>> -> memref<80xi32, #tpu.memory_space<vmem>>
    %dma_wait3A_383 = arith.constant 0 : i32
    %dma_wait3A_384 = arith.constant 0 : i32
    %dma_wait3A_385 = tpu.memref_slice %arg3[%add3A, %dma_wait3A_383, %dma_wait3A_384] : memref<32x125x80xi32, #tpu.memory_space<hbm>> -> memref<1x125x80xi32, #tpu.memory_space<hbm>>
    %dma_wait3A_386 = tpu.memref_squeeze %dma_wait3A_385 : memref<1x125x80xi32, #tpu.memory_space<hbm>> -> memref<125x80xi32, #tpu.memory_space<hbm>>
    %dma_wait3A_387 = arith.constant 0 : i32
    %dma_wait3A_388 = tpu.memref_slice %dma_wait3A_386[%dma_wait3A_378, %dma_wait3A_387] : memref<125x80xi32, #tpu.memory_space<hbm>> -> memref<1x80xi32, #tpu.memory_space<hbm>>
    %dma_wait3A_389 = tpu.memref_squeeze %dma_wait3A_388 : memref<1x80xi32, #tpu.memory_space<hbm>> -> memref<80xi32, #tpu.memory_space<hbm>>
    %dma_wait3A_390 = arith.constant 0 : i32
    %dma_wait3A_391 = tpu.memref_slice %arg7[%dma_wait3A_379, %dma_wait3A_390] : memref<6x80xi32, #tpu.memory_space<vmem>> -> memref<1x80xi32, #tpu.memory_space<vmem>>
    %dma_wait3A_392 = tpu.memref_squeeze %dma_wait3A_391 : memref<1x80xi32, #tpu.memory_space<vmem>> -> memref<80xi32, #tpu.memory_space<vmem>>
    %dma_wait3A_393 = arith.constant 0 : i32
    %dma_wait3A_394 = arith.constant 0 : i32
    %dma_wait3A_395 = tpu.memref_slice %arg3[%add3A, %dma_wait3A_393, %dma_wait3A_394] : memref<32x125x80xi32, #tpu.memory_space<hbm>> -> memref<1x125x80xi32, #tpu.memory_space<hbm>>
    %dma_wait3A_396 = tpu.memref_squeeze %dma_wait3A_395 : memref<1x125x80xi32, #tpu.memory_space<hbm>> -> memref<125x80xi32, #tpu.memory_space<hbm>>
    %dma_wait3A_397 = arith.constant 0 : i32
    %dma_wait3A_398 = tpu.memref_slice %dma_wait3A_396[%dma_wait3A_378, %dma_wait3A_397] : memref<125x80xi32, #tpu.memory_space<hbm>> -> memref<1x80xi32, #tpu.memory_space<hbm>>
    %dma_wait3A_399 = tpu.memref_squeeze %dma_wait3A_398 : memref<1x80xi32, #tpu.memory_space<hbm>> -> memref<80xi32, #tpu.memory_space<hbm>>
    tpu.wait_dma2 semaphore(%arg21 : memref<!tpu.dma_semaphore, #tpu.memory_space<semaphore_mem>>) src(%dma_wait3A_399 : memref<80xi32, #tpu.memory_space<hbm>>) dst(%dma_wait3A_392 : memref<80xi32, #tpu.memory_space<vmem>>)
    %dma_wait3A_400 = arith.constant 0 : i32
    %dma_wait3A_401 = arith.constant 2 : i32
    %dma_wait3A_402 = arith.constant 0 : i32
    %dma_wait3A_403 = tpu.memref_slice %arg8[%dma_wait3A_401, %dma_wait3A_402] : memref<6x80xi32, #tpu.memory_space<vmem>> -> memref<1x80xi32, #tpu.memory_space<vmem>>
    %dma_wait3A_404 = tpu.memref_squeeze %dma_wait3A_403 : memref<1x80xi32, #tpu.memory_space<vmem>> -> memref<80xi32, #tpu.memory_space<vmem>>
    %dma_wait3A_405 = arith.constant 0 : i32
    %dma_wait3A_406 = arith.constant 0 : i32
    %dma_wait3A_407 = tpu.memref_slice %arg4[%add3A, %dma_wait3A_405, %dma_wait3A_406] : memref<32x125x80xi32, #tpu.memory_space<hbm>> -> memref<1x125x80xi32, #tpu.memory_space<hbm>>
    %dma_wait3A_408 = tpu.memref_squeeze %dma_wait3A_407 : memref<1x125x80xi32, #tpu.memory_space<hbm>> -> memref<125x80xi32, #tpu.memory_space<hbm>>
    %dma_wait3A_409 = arith.constant 0 : i32
    %dma_wait3A_410 = tpu.memref_slice %dma_wait3A_408[%dma_wait3A_400, %dma_wait3A_409] : memref<125x80xi32, #tpu.memory_space<hbm>> -> memref<1x80xi32, #tpu.memory_space<hbm>>
    %dma_wait3A_411 = tpu.memref_squeeze %dma_wait3A_410 : memref<1x80xi32, #tpu.memory_space<hbm>> -> memref<80xi32, #tpu.memory_space<hbm>>
    %dma_wait3A_412 = arith.constant 0 : i32
    %dma_wait3A_413 = tpu.memref_slice %arg8[%dma_wait3A_401, %dma_wait3A_412] : memref<6x80xi32, #tpu.memory_space<vmem>> -> memref<1x80xi32, #tpu.memory_space<vmem>>
    %dma_wait3A_414 = tpu.memref_squeeze %dma_wait3A_413 : memref<1x80xi32, #tpu.memory_space<vmem>> -> memref<80xi32, #tpu.memory_space<vmem>>
    %dma_wait3A_415 = arith.constant 0 : i32
    %dma_wait3A_416 = arith.constant 0 : i32
    %dma_wait3A_417 = tpu.memref_slice %arg4[%add3A, %dma_wait3A_415, %dma_wait3A_416] : memref<32x125x80xi32, #tpu.memory_space<hbm>> -> memref<1x125x80xi32, #tpu.memory_space<hbm>>
    %dma_wait3A_418 = tpu.memref_squeeze %dma_wait3A_417 : memref<1x125x80xi32, #tpu.memory_space<hbm>> -> memref<125x80xi32, #tpu.memory_space<hbm>>
    %dma_wait3A_419 = arith.constant 0 : i32
    %dma_wait3A_420 = tpu.memref_slice %dma_wait3A_418[%dma_wait3A_400, %dma_wait3A_419] : memref<125x80xi32, #tpu.memory_space<hbm>> -> memref<1x80xi32, #tpu.memory_space<hbm>>
    %dma_wait3A_421 = tpu.memref_squeeze %dma_wait3A_420 : memref<1x80xi32, #tpu.memory_space<hbm>> -> memref<80xi32, #tpu.memory_space<hbm>>
    tpu.wait_dma2 semaphore(%arg21 : memref<!tpu.dma_semaphore, #tpu.memory_space<semaphore_mem>>) src(%dma_wait3A_421 : memref<80xi32, #tpu.memory_space<hbm>>) dst(%dma_wait3A_414 : memref<80xi32, #tpu.memory_space<vmem>>)
    %dma_start3A_422 = arith.constant 2 : i32
    %dma_start3A_423 = arith.constant 0 : i32
    %dma_start3A_424 = tpu.memref_slice %arg7[%dma_start3A_422, %dma_start3A_423] : memref<6x80xi32, #tpu.memory_space<vmem>> -> memref<1x80xi32, #tpu.memory_space<vmem>>
    %dma_start3A_425 = tpu.memref_squeeze %dma_start3A_424 : memref<1x80xi32, #tpu.memory_space<vmem>> -> memref<80xi32, #tpu.memory_space<vmem>>
    %dma_start3A_426 = arith.constant 0 : i32
    %dma_start3A_427 = arith.constant 0 : i32
    %dma_start3A_428 = tpu.memref_slice %arg2[%dma_start3A_426, %dma_start3A_427] : memref<10000x128xf32, #tpu.memory_space<hbm>> -> memref<10000x128xf32, #tpu.memory_space<hbm>>
    tpu.enqueue_indirect_dma source(%dma_start3A_428 : memref<10000x128xf32, #tpu.memory_space<hbm>>) target(%arg11 : memref<80x128xf32, #tpu.memory_space<vmem>>) offsets(%dma_start3A_425 : memref<80xi32, #tpu.memory_space<vmem>>) semaphore(%arg15 : memref<!tpu.dma_semaphore, #tpu.memory_space<semaphore_mem>>)
    %dma_wait3A_429 = arith.constant 0 : i32
    %dma_wait3A_430 = arith.constant 0 : i32
    %dma_wait3A_431 = tpu.memref_slice %arg7[%dma_wait3A_429, %dma_wait3A_430] : memref<6x80xi32, #tpu.memory_space<vmem>> -> memref<1x80xi32, #tpu.memory_space<vmem>>
    %dma_wait3A_432 = tpu.memref_squeeze %dma_wait3A_431 : memref<1x80xi32, #tpu.memory_space<vmem>> -> memref<80xi32, #tpu.memory_space<vmem>>
    %dma_wait3A_433 = arith.constant 0 : i32
    %dma_wait3A_434 = arith.constant 0 : i32
    %dma_wait3A_435 = tpu.memref_slice %arg2[%dma_wait3A_433, %dma_wait3A_434] : memref<10000x128xf32, #tpu.memory_space<hbm>> -> memref<10000x128xf32, #tpu.memory_space<hbm>>
    tpu.wait_indirect_dma semaphore(%arg13 : memref<!tpu.dma_semaphore, #tpu.memory_space<semaphore_mem>>) src(%dma_wait3A_435 : memref<10000x128xf32, #tpu.memory_space<hbm>>) dst(%arg9 : memref<80x128xf32, #tpu.memory_space<vmem>>)
    %dma_start3A_436 = arith.constant 0 : i32
    %dma_start3A_437 = arith.constant 0 : i32
    %dma_start3A_438 = tpu.memref_slice %arg8[%dma_start3A_436, %dma_start3A_437] : memref<6x80xi32, #tpu.memory_space<vmem>> -> memref<1x80xi32, #tpu.memory_space<vmem>>
    %dma_start3A_439 = tpu.memref_squeeze %dma_start3A_438 : memref<1x80xi32, #tpu.memory_space<vmem>> -> memref<80xi32, #tpu.memory_space<vmem>>
    %dma_start3A_440 = arith.constant 0 : i32
    %dma_start3A_441 = arith.constant 0 : i32
    %dma_start3A_442 = tpu.memref_slice %arg12[%dma_start3A_440, %dma_start3A_441] : memref<10000x128xf32, #tpu.memory_space<vmem_shared>> -> memref<10000x128xf32, #tpu.memory_space<vmem_shared>>
    tpu.enqueue_indirect_dma source(%arg9 : memref<80x128xf32, #tpu.memory_space<vmem>>) target(%dma_start3A_442 : memref<10000x128xf32, #tpu.memory_space<vmem_shared>>) offsets(%dma_start3A_439 : memref<80xi32, #tpu.memory_space<vmem>>) semaphore(%arg16 : memref<!tpu.dma_semaphore, #tpu.memory_space<semaphore_mem>>) {add = true}
    %dma_wait3A_443 = arith.constant 0 : i32
    %dma_wait3A_444 = arith.constant 0 : i32
    %dma_wait3A_445 = tpu.memref_slice %arg7[%dma_wait3A_443, %dma_wait3A_444] : memref<6x80xi32, #tpu.memory_space<vmem>> -> memref<1x80xi32, #tpu.memory_space<vmem>>
    %dma_wait3A_446 = tpu.memref_squeeze %dma_wait3A_445 : memref<1x80xi32, #tpu.memory_space<vmem>> -> memref<80xi32, #tpu.memory_space<vmem>>
    %dma_wait3A_447 = arith.constant 0 : i32
    %dma_wait3A_448 = arith.constant 0 : i32
    %dma_wait3A_449 = tpu.memref_slice %arg2[%dma_wait3A_447, %dma_wait3A_448] : memref<10000x128xf32, #tpu.memory_space<hbm>> -> memref<10000x128xf32, #tpu.memory_space<hbm>>
    tpu.wait_indirect_dma semaphore(%arg14 : memref<!tpu.dma_semaphore, #tpu.memory_space<semaphore_mem>>) src(%dma_wait3A_449 : memref<10000x128xf32, #tpu.memory_space<hbm>>) dst(%arg10 : memref<80x128xf32, #tpu.memory_space<vmem>>)
    %dma_start3A_450 = arith.constant 1 : i32
    %dma_start3A_451 = arith.constant 0 : i32
    %dma_start3A_452 = tpu.memref_slice %arg8[%dma_start3A_450, %dma_start3A_451] : memref<6x80xi32, #tpu.memory_space<vmem>> -> memref<1x80xi32, #tpu.memory_space<vmem>>
    %dma_start3A_453 = tpu.memref_squeeze %dma_start3A_452 : memref<1x80xi32, #tpu.memory_space<vmem>> -> memref<80xi32, #tpu.memory_space<vmem>>
    %dma_start3A_454 = arith.constant 0 : i32
    %dma_start3A_455 = arith.constant 0 : i32
    %dma_start3A_456 = tpu.memref_slice %arg12[%dma_start3A_454, %dma_start3A_455] : memref<10000x128xf32, #tpu.memory_space<vmem_shared>> -> memref<10000x128xf32, #tpu.memory_space<vmem_shared>>
    tpu.enqueue_indirect_dma source(%arg10 : memref<80x128xf32, #tpu.memory_space<vmem>>) target(%dma_start3A_456 : memref<10000x128xf32, #tpu.memory_space<vmem_shared>>) offsets(%dma_start3A_453 : memref<80xi32, #tpu.memory_space<vmem>>) semaphore(%arg17 : memref<!tpu.dma_semaphore, #tpu.memory_space<semaphore_mem>>) {add = true}
    %dma_wait3A_457 = arith.constant 0 : i32
    %dma_wait3A_458 = arith.constant 0 : i32
    %dma_wait3A_459 = tpu.memref_slice %arg7[%dma_wait3A_457, %dma_wait3A_458] : memref<6x80xi32, #tpu.memory_space<vmem>> -> memref<1x80xi32, #tpu.memory_space<vmem>>
    %dma_wait3A_460 = tpu.memref_squeeze %dma_wait3A_459 : memref<1x80xi32, #tpu.memory_space<vmem>> -> memref<80xi32, #tpu.memory_space<vmem>>
    %dma_wait3A_461 = arith.constant 0 : i32
    %dma_wait3A_462 = arith.constant 0 : i32
    %dma_wait3A_463 = tpu.memref_slice %arg2[%dma_wait3A_461, %dma_wait3A_462] : memref<10000x128xf32, #tpu.memory_space<hbm>> -> memref<10000x128xf32, #tpu.memory_space<hbm>>
    tpu.wait_indirect_dma semaphore(%arg15 : memref<!tpu.dma_semaphore, #tpu.memory_space<semaphore_mem>>) src(%dma_wait3A_463 : memref<10000x128xf32, #tpu.memory_space<hbm>>) dst(%arg11 : memref<80x128xf32, #tpu.memory_space<vmem>>)
    %dma_start3A_464 = arith.constant 2 : i32
    %dma_start3A_465 = arith.constant 0 : i32
    %dma_start3A_466 = tpu.memref_slice %arg8[%dma_start3A_464, %dma_start3A_465] : memref<6x80xi32, #tpu.memory_space<vmem>> -> memref<1x80xi32, #tpu.memory_space<vmem>>
    %dma_start3A_467 = tpu.memref_squeeze %dma_start3A_466 : memref<1x80xi32, #tpu.memory_space<vmem>> -> memref<80xi32, #tpu.memory_space<vmem>>
    %dma_start3A_468 = arith.constant 0 : i32
    %dma_start3A_469 = arith.constant 0 : i32
    %dma_start3A_470 = tpu.memref_slice %arg12[%dma_start3A_468, %dma_start3A_469] : memref<10000x128xf32, #tpu.memory_space<vmem_shared>> -> memref<10000x128xf32, #tpu.memory_space<vmem_shared>>
    tpu.enqueue_indirect_dma source(%arg11 : memref<80x128xf32, #tpu.memory_space<vmem>>) target(%dma_start3A_470 : memref<10000x128xf32, #tpu.memory_space<vmem_shared>>) offsets(%dma_start3A_467 : memref<80xi32, #tpu.memory_space<vmem>>) semaphore(%arg18 : memref<!tpu.dma_semaphore, #tpu.memory_space<semaphore_mem>>) {add = true}
    %dma_wait3A_471 = arith.constant 0 : i32
    %dma_wait3A_472 = arith.constant 0 : i32
    %dma_wait3A_473 = tpu.memref_slice %arg8[%dma_wait3A_471, %dma_wait3A_472] : memref<6x80xi32, #tpu.memory_space<vmem>> -> memref<1x80xi32, #tpu.memory_space<vmem>>
    %dma_wait3A_474 = tpu.memref_squeeze %dma_wait3A_473 : memref<1x80xi32, #tpu.memory_space<vmem>> -> memref<80xi32, #tpu.memory_space<vmem>>
    %dma_wait3A_475 = arith.constant 0 : i32
    %dma_wait3A_476 = arith.constant 0 : i32
    %dma_wait3A_477 = tpu.memref_slice %arg12[%dma_wait3A_475, %dma_wait3A_476] : memref<10000x128xf32, #tpu.memory_space<vmem_shared>> -> memref<10000x128xf32, #tpu.memory_space<vmem_shared>>
    tpu.wait_indirect_dma semaphore(%arg16 : memref<!tpu.dma_semaphore, #tpu.memory_space<semaphore_mem>>) src(%arg9 : memref<80x128xf32, #tpu.memory_space<vmem>>) dst(%dma_wait3A_477 : memref<10000x128xf32, #tpu.memory_space<vmem_shared>>)
    %dma_wait3A_478 = arith.constant 0 : i32
    %dma_wait3A_479 = arith.constant 3 : i32
    %dma_wait3A_480 = arith.constant 0 : i32
    %dma_wait3A_481 = tpu.memref_slice %arg7[%dma_wait3A_479, %dma_wait3A_480] : memref<6x80xi32, #tpu.memory_space<vmem>> -> memref<1x80xi32, #tpu.memory_space<vmem>>
    %dma_wait3A_482 = tpu.memref_squeeze %dma_wait3A_481 : memref<1x80xi32, #tpu.memory_space<vmem>> -> memref<80xi32, #tpu.memory_space<vmem>>
    %dma_wait3A_483 = arith.constant 0 : i32
    %dma_wait3A_484 = arith.constant 0 : i32
    %dma_wait3A_485 = tpu.memref_slice %arg3[%add3A, %dma_wait3A_483, %dma_wait3A_484] : memref<32x125x80xi32, #tpu.memory_space<hbm>> -> memref<1x125x80xi32, #tpu.memory_space<hbm>>
    %dma_wait3A_486 = tpu.memref_squeeze %dma_wait3A_485 : memref<1x125x80xi32, #tpu.memory_space<hbm>> -> memref<125x80xi32, #tpu.memory_space<hbm>>
    %dma_wait3A_487 = arith.constant 0 : i32
    %dma_wait3A_488 = tpu.memref_slice %dma_wait3A_486[%dma_wait3A_478, %dma_wait3A_487] : memref<125x80xi32, #tpu.memory_space<hbm>> -> memref<1x80xi32, #tpu.memory_space<hbm>>
    %dma_wait3A_489 = tpu.memref_squeeze %dma_wait3A_488 : memref<1x80xi32, #tpu.memory_space<hbm>> -> memref<80xi32, #tpu.memory_space<hbm>>
    %dma_wait3A_490 = arith.constant 0 : i32
    %dma_wait3A_491 = tpu.memref_slice %arg7[%dma_wait3A_479, %dma_wait3A_490] : memref<6x80xi32, #tpu.memory_space<vmem>> -> memref<1x80xi32, #tpu.memory_space<vmem>>
    %dma_wait3A_492 = tpu.memref_squeeze %dma_wait3A_491 : memref<1x80xi32, #tpu.memory_space<vmem>> -> memref<80xi32, #tpu.memory_space<vmem>>
    %dma_wait3A_493 = arith.constant 0 : i32
    %dma_wait3A_494 = arith.constant 0 : i32
    %dma_wait3A_495 = tpu.memref_slice %arg3[%add3A, %dma_wait3A_493, %dma_wait3A_494] : memref<32x125x80xi32, #tpu.memory_space<hbm>> -> memref<1x125x80xi32, #tpu.memory_space<hbm>>
    %dma_wait3A_496 = tpu.memref_squeeze %dma_wait3A_495 : memref<1x125x80xi32, #tpu.memory_space<hbm>> -> memref<125x80xi32, #tpu.memory_space<hbm>>
    %dma_wait3A_497 = arith.constant 0 : i32
    %dma_wait3A_498 = tpu.memref_slice %dma_wait3A_496[%dma_wait3A_478, %dma_wait3A_497] : memref<125x80xi32, #tpu.memory_space<hbm>> -> memref<1x80xi32, #tpu.memory_space<hbm>>
    %dma_wait3A_499 = tpu.memref_squeeze %dma_wait3A_498 : memref<1x80xi32, #tpu.memory_space<hbm>> -> memref<80xi32, #tpu.memory_space<hbm>>
    tpu.wait_dma2 semaphore(%arg22 : memref<!tpu.dma_semaphore, #tpu.memory_space<semaphore_mem>>) src(%dma_wait3A_499 : memref<80xi32, #tpu.memory_space<hbm>>) dst(%dma_wait3A_492 : memref<80xi32, #tpu.memory_space<vmem>>)
    %dma_wait3A_500 = arith.constant 0 : i32
    %dma_wait3A_501 = arith.constant 3 : i32
    %dma_wait3A_502 = arith.constant 0 : i32
    %dma_wait3A_503 = tpu.memref_slice %arg8[%dma_wait3A_501, %dma_wait3A_502] : memref<6x80xi32, #tpu.memory_space<vmem>> -> memref<1x80xi32, #tpu.memory_space<vmem>>
    %dma_wait3A_504 = tpu.memref_squeeze %dma_wait3A_503 : memref<1x80xi32, #tpu.memory_space<vmem>> -> memref<80xi32, #tpu.memory_space<vmem>>
    %dma_wait3A_505 = arith.constant 0 : i32
    %dma_wait3A_506 = arith.constant 0 : i32
    %dma_wait3A_507 = tpu.memref_slice %arg4[%add3A, %dma_wait3A_505, %dma_wait3A_506] : memref<32x125x80xi32, #tpu.memory_space<hbm>> -> memref<1x125x80xi32, #tpu.memory_space<hbm>>
    %dma_wait3A_508 = tpu.memref_squeeze %dma_wait3A_507 : memref<1x125x80xi32, #tpu.memory_space<hbm>> -> memref<125x80xi32, #tpu.memory_space<hbm>>
    %dma_wait3A_509 = arith.constant 0 : i32
    %dma_wait3A_510 = tpu.memref_slice %dma_wait3A_508[%dma_wait3A_500, %dma_wait3A_509] : memref<125x80xi32, #tpu.memory_space<hbm>> -> memref<1x80xi32, #tpu.memory_space<hbm>>
    %dma_wait3A_511 = tpu.memref_squeeze %dma_wait3A_510 : memref<1x80xi32, #tpu.memory_space<hbm>> -> memref<80xi32, #tpu.memory_space<hbm>>
    %dma_wait3A_512 = arith.constant 0 : i32
    %dma_wait3A_513 = tpu.memref_slice %arg8[%dma_wait3A_501, %dma_wait3A_512] : memref<6x80xi32, #tpu.memory_space<vmem>> -> memref<1x80xi32, #tpu.memory_space<vmem>>
    %dma_wait3A_514 = tpu.memref_squeeze %dma_wait3A_513 : memref<1x80xi32, #tpu.memory_space<vmem>> -> memref<80xi32, #tpu.memory_space<vmem>>
    %dma_wait3A_515 = arith.constant 0 : i32
    %dma_wait3A_516 = arith.constant 0 : i32
    %dma_wait3A_517 = tpu.memref_slice %arg4[%add3A, %dma_wait3A_515, %dma_wait3A_516] : memref<32x125x80xi32, #tpu.memory_space<hbm>> -> memref<1x125x80xi32, #tpu.memory_space<hbm>>
    %dma_wait3A_518 = tpu.memref_squeeze %dma_wait3A_517 : memref<1x125x80xi32, #tpu.memory_space<hbm>> -> memref<125x80xi32, #tpu.memory_space<hbm>>
    %dma_wait3A_519 = arith.constant 0 : i32
    %dma_wait3A_520 = tpu.memref_slice %dma_wait3A_518[%dma_wait3A_500, %dma_wait3A_519] : memref<125x80xi32, #tpu.memory_space<hbm>> -> memref<1x80xi32, #tpu.memory_space<hbm>>
    %dma_wait3A_521 = tpu.memref_squeeze %dma_wait3A_520 : memref<1x80xi32, #tpu.memory_space<hbm>> -> memref<80xi32, #tpu.memory_space<hbm>>
    tpu.wait_dma2 semaphore(%arg22 : memref<!tpu.dma_semaphore, #tpu.memory_space<semaphore_mem>>) src(%dma_wait3A_521 : memref<80xi32, #tpu.memory_space<hbm>>) dst(%dma_wait3A_514 : memref<80xi32, #tpu.memory_space<vmem>>)
    %dma_start3A_522 = arith.constant 3 : i32
    %dma_start3A_523 = arith.constant 0 : i32
    %dma_start3A_524 = tpu.memref_slice %arg7[%dma_start3A_522, %dma_start3A_523] : memref<6x80xi32, #tpu.memory_space<vmem>> -> memref<1x80xi32, #tpu.memory_space<vmem>>
    %dma_start3A_525 = tpu.memref_squeeze %dma_start3A_524 : memref<1x80xi32, #tpu.memory_space<vmem>> -> memref<80xi32, #tpu.memory_space<vmem>>
    %dma_start3A_526 = arith.constant 0 : i32
    %dma_start3A_527 = arith.constant 0 : i32
    %dma_start3A_528 = tpu.memref_slice %arg2[%dma_start3A_526, %dma_start3A_527] : memref<10000x128xf32, #tpu.memory_space<hbm>> -> memref<10000x128xf32, #tpu.memory_space<hbm>>
    tpu.enqueue_indirect_dma source(%dma_start3A_528 : memref<10000x128xf32, #tpu.memory_space<hbm>>) target(%arg9 : memref<80x128xf32, #tpu.memory_space<vmem>>) offsets(%dma_start3A_525 : memref<80xi32, #tpu.memory_space<vmem>>) semaphore(%arg13 : memref<!tpu.dma_semaphore, #tpu.memory_space<semaphore_mem>>)
    %dma_wait3A_529 = arith.constant 0 : i32
    %dma_wait3A_530 = arith.constant 0 : i32
    %dma_wait3A_531 = tpu.memref_slice %arg8[%dma_wait3A_529, %dma_wait3A_530] : memref<6x80xi32, #tpu.memory_space<vmem>> -> memref<1x80xi32, #tpu.memory_space<vmem>>
    %dma_wait3A_532 = tpu.memref_squeeze %dma_wait3A_531 : memref<1x80xi32, #tpu.memory_space<vmem>> -> memref<80xi32, #tpu.memory_space<vmem>>
    %dma_wait3A_533 = arith.constant 0 : i32
    %dma_wait3A_534 = arith.constant 0 : i32
    %dma_wait3A_535 = tpu.memref_slice %arg12[%dma_wait3A_533, %dma_wait3A_534] : memref<10000x128xf32, #tpu.memory_space<vmem_shared>> -> memref<10000x128xf32, #tpu.memory_space<vmem_shared>>
    tpu.wait_indirect_dma semaphore(%arg17 : memref<!tpu.dma_semaphore, #tpu.memory_space<semaphore_mem>>) src(%arg10 : memref<80x128xf32, #tpu.memory_space<vmem>>) dst(%dma_wait3A_535 : memref<10000x128xf32, #tpu.memory_space<vmem_shared>>)
    %dma_wait3A_536 = arith.constant 0 : i32
    %dma_wait3A_537 = arith.constant 4 : i32
    %dma_wait3A_538 = arith.constant 0 : i32
    %dma_wait3A_539 = tpu.memref_slice %arg7[%dma_wait3A_537, %dma_wait3A_538] : memref<6x80xi32, #tpu.memory_space<vmem>> -> memref<1x80xi32, #tpu.memory_space<vmem>>
    %dma_wait3A_540 = tpu.memref_squeeze %dma_wait3A_539 : memref<1x80xi32, #tpu.memory_space<vmem>> -> memref<80xi32, #tpu.memory_space<vmem>>
    %dma_wait3A_541 = arith.constant 0 : i32
    %dma_wait3A_542 = arith.constant 0 : i32
    %dma_wait3A_543 = tpu.memref_slice %arg3[%add3A, %dma_wait3A_541, %dma_wait3A_542] : memref<32x125x80xi32, #tpu.memory_space<hbm>> -> memref<1x125x80xi32, #tpu.memory_space<hbm>>
    %dma_wait3A_544 = tpu.memref_squeeze %dma_wait3A_543 : memref<1x125x80xi32, #tpu.memory_space<hbm>> -> memref<125x80xi32, #tpu.memory_space<hbm>>
    %dma_wait3A_545 = arith.constant 0 : i32
    %dma_wait3A_546 = tpu.memref_slice %dma_wait3A_544[%dma_wait3A_536, %dma_wait3A_545] : memref<125x80xi32, #tpu.memory_space<hbm>> -> memref<1x80xi32, #tpu.memory_space<hbm>>
    %dma_wait3A_547 = tpu.memref_squeeze %dma_wait3A_546 : memref<1x80xi32, #tpu.memory_space<hbm>> -> memref<80xi32, #tpu.memory_space<hbm>>
    %dma_wait3A_548 = arith.constant 0 : i32
    %dma_wait3A_549 = tpu.memref_slice %arg7[%dma_wait3A_537, %dma_wait3A_548] : memref<6x80xi32, #tpu.memory_space<vmem>> -> memref<1x80xi32, #tpu.memory_space<vmem>>
    %dma_wait3A_550 = tpu.memref_squeeze %dma_wait3A_549 : memref<1x80xi32, #tpu.memory_space<vmem>> -> memref<80xi32, #tpu.memory_space<vmem>>
    %dma_wait3A_551 = arith.constant 0 : i32
    %dma_wait3A_552 = arith.constant 0 : i32
    %dma_wait3A_553 = tpu.memref_slice %arg3[%add3A, %dma_wait3A_551, %dma_wait3A_552] : memref<32x125x80xi32, #tpu.memory_space<hbm>> -> memref<1x125x80xi32, #tpu.memory_space<hbm>>
    %dma_wait3A_554 = tpu.memref_squeeze %dma_wait3A_553 : memref<1x125x80xi32, #tpu.memory_space<hbm>> -> memref<125x80xi32, #tpu.memory_space<hbm>>
    %dma_wait3A_555 = arith.constant 0 : i32
    %dma_wait3A_556 = tpu.memref_slice %dma_wait3A_554[%dma_wait3A_536, %dma_wait3A_555] : memref<125x80xi32, #tpu.memory_space<hbm>> -> memref<1x80xi32, #tpu.memory_space<hbm>>
    %dma_wait3A_557 = tpu.memref_squeeze %dma_wait3A_556 : memref<1x80xi32, #tpu.memory_space<hbm>> -> memref<80xi32, #tpu.memory_space<hbm>>
    tpu.wait_dma2 semaphore(%arg23 : memref<!tpu.dma_semaphore, #tpu.memory_space<semaphore_mem>>) src(%dma_wait3A_557 : memref<80xi32, #tpu.memory_space<hbm>>) dst(%dma_wait3A_550 : memref<80xi32, #tpu.memory_space<vmem>>)
    %dma_wait3A_558 = arith.constant 0 : i32
    %dma_wait3A_559 = arith.constant 4 : i32
    %dma_wait3A_560 = arith.constant 0 : i32
    %dma_wait3A_561 = tpu.memref_slice %arg8[%dma_wait3A_559, %dma_wait3A_560] : memref<6x80xi32, #tpu.memory_space<vmem>> -> memref<1x80xi32, #tpu.memory_space<vmem>>
    %dma_wait3A_562 = tpu.memref_squeeze %dma_wait3A_561 : memref<1x80xi32, #tpu.memory_space<vmem>> -> memref<80xi32, #tpu.memory_space<vmem>>
    %dma_wait3A_563 = arith.constant 0 : i32
    %dma_wait3A_564 = arith.constant 0 : i32
    %dma_wait3A_565 = tpu.memref_slice %arg4[%add3A, %dma_wait3A_563, %dma_wait3A_564] : memref<32x125x80xi32, #tpu.memory_space<hbm>> -> memref<1x125x80xi32, #tpu.memory_space<hbm>>
    %dma_wait3A_566 = tpu.memref_squeeze %dma_wait3A_565 : memref<1x125x80xi32, #tpu.memory_space<hbm>> -> memref<125x80xi32, #tpu.memory_space<hbm>>
    %dma_wait3A_567 = arith.constant 0 : i32
    %dma_wait3A_568 = tpu.memref_slice %dma_wait3A_566[%dma_wait3A_558, %dma_wait3A_567] : memref<125x80xi32, #tpu.memory_space<hbm>> -> memref<1x80xi32, #tpu.memory_space<hbm>>
    %dma_wait3A_569 = tpu.memref_squeeze %dma_wait3A_568 : memref<1x80xi32, #tpu.memory_space<hbm>> -> memref<80xi32, #tpu.memory_space<hbm>>
    %dma_wait3A_570 = arith.constant 0 : i32
    %dma_wait3A_571 = tpu.memref_slice %arg8[%dma_wait3A_559, %dma_wait3A_570] : memref<6x80xi32, #tpu.memory_space<vmem>> -> memref<1x80xi32, #tpu.memory_space<vmem>>
    %dma_wait3A_572 = tpu.memref_squeeze %dma_wait3A_571 : memref<1x80xi32, #tpu.memory_space<vmem>> -> memref<80xi32, #tpu.memory_space<vmem>>
    %dma_wait3A_573 = arith.constant 0 : i32
    %dma_wait3A_574 = arith.constant 0 : i32
    %dma_wait3A_575 = tpu.memref_slice %arg4[%add3A, %dma_wait3A_573, %dma_wait3A_574] : memref<32x125x80xi32, #tpu.memory_space<hbm>> -> memref<1x125x80xi32, #tpu.memory_space<hbm>>
    %dma_wait3A_576 = tpu.memref_squeeze %dma_wait3A_575 : memref<1x125x80xi32, #tpu.memory_space<hbm>> -> memref<125x80xi32, #tpu.memory_space<hbm>>
    %dma_wait3A_577 = arith.constant 0 : i32
    %dma_wait3A_578 = tpu.memref_slice %dma_wait3A_576[%dma_wait3A_558, %dma_wait3A_577] : memref<125x80xi32, #tpu.memory_space<hbm>> -> memref<1x80xi32, #tpu.memory_space<hbm>>
    %dma_wait3A_579 = tpu.memref_squeeze %dma_wait3A_578 : memref<1x80xi32, #tpu.memory_space<hbm>> -> memref<80xi32, #tpu.memory_space<hbm>>
    tpu.wait_dma2 semaphore(%arg23 : memref<!tpu.dma_semaphore, #tpu.memory_space<semaphore_mem>>) src(%dma_wait3A_579 : memref<80xi32, #tpu.memory_space<hbm>>) dst(%dma_wait3A_572 : memref<80xi32, #tpu.memory_space<vmem>>)
    %dma_start3A_580 = arith.constant 4 : i32
    %dma_start3A_581 = arith.constant 0 : i32
    %dma_start3A_582 = tpu.memref_slice %arg7[%dma_start3A_580, %dma_start3A_581] : memref<6x80xi32, #tpu.memory_space<vmem>> -> memref<1x80xi32, #tpu.memory_space<vmem>>
    %dma_start3A_583 = tpu.memref_squeeze %dma_start3A_582 : memref<1x80xi32, #tpu.memory_space<vmem>> -> memref<80xi32, #tpu.memory_space<vmem>>
    %dma_start3A_584 = arith.constant 0 : i32
    %dma_start3A_585 = arith.constant 0 : i32
    %dma_start3A_586 = tpu.memref_slice %arg2[%dma_start3A_584, %dma_start3A_585] : memref<10000x128xf32, #tpu.memory_space<hbm>> -> memref<10000x128xf32, #tpu.memory_space<hbm>>
    tpu.enqueue_indirect_dma source(%dma_start3A_586 : memref<10000x128xf32, #tpu.memory_space<hbm>>) target(%arg10 : memref<80x128xf32, #tpu.memory_space<vmem>>) offsets(%dma_start3A_583 : memref<80xi32, #tpu.memory_space<vmem>>) semaphore(%arg14 : memref<!tpu.dma_semaphore, #tpu.memory_space<semaphore_mem>>)
    %dma_wait3A_587 = arith.constant 0 : i32
    %dma_wait3A_588 = arith.constant 0 : i32
    %dma_wait3A_589 = tpu.memref_slice %arg7[%dma_wait3A_587, %dma_wait3A_588] : memref<6x80xi32, #tpu.memory_space<vmem>> -> memref<1x80xi32, #tpu.memory_space<vmem>>
    %dma_wait3A_590 = tpu.memref_squeeze %dma_wait3A_589 : memref<1x80xi32, #tpu.memory_space<vmem>> -> memref<80xi32, #tpu.memory_space<vmem>>
    %dma_wait3A_591 = arith.constant 0 : i32
    %dma_wait3A_592 = arith.constant 0 : i32
    %dma_wait3A_593 = tpu.memref_slice %arg2[%dma_wait3A_591, %dma_wait3A_592] : memref<10000x128xf32, #tpu.memory_space<hbm>> -> memref<10000x128xf32, #tpu.memory_space<hbm>>
    tpu.wait_indirect_dma semaphore(%arg13 : memref<!tpu.dma_semaphore, #tpu.memory_space<semaphore_mem>>) src(%dma_wait3A_593 : memref<10000x128xf32, #tpu.memory_space<hbm>>) dst(%arg9 : memref<80x128xf32, #tpu.memory_space<vmem>>)
    %dma_start3A_594 = arith.constant 3 : i32
    %dma_start3A_595 = arith.constant 0 : i32
    %dma_start3A_596 = tpu.memref_slice %arg8[%dma_start3A_594, %dma_start3A_595] : memref<6x80xi32, #tpu.memory_space<vmem>> -> memref<1x80xi32, #tpu.memory_space<vmem>>
    %dma_start3A_597 = tpu.memref_squeeze %dma_start3A_596 : memref<1x80xi32, #tpu.memory_space<vmem>> -> memref<80xi32, #tpu.memory_space<vmem>>
    %dma_start3A_598 = arith.constant 0 : i32
    %dma_start3A_599 = arith.constant 0 : i32
    %dma_start3A_600 = tpu.memref_slice %arg12[%dma_start3A_598, %dma_start3A_599] : memref<10000x128xf32, #tpu.memory_space<vmem_shared>> -> memref<10000x128xf32, #tpu.memory_space<vmem_shared>>
    tpu.enqueue_indirect_dma source(%arg9 : memref<80x128xf32, #tpu.memory_space<vmem>>) target(%dma_start3A_600 : memref<10000x128xf32, #tpu.memory_space<vmem_shared>>) offsets(%dma_start3A_597 : memref<80xi32, #tpu.memory_space<vmem>>) semaphore(%arg16 : memref<!tpu.dma_semaphore, #tpu.memory_space<semaphore_mem>>) {add = true}
    %dma_wait3A_601 = arith.constant 0 : i32
    %dma_wait3A_602 = arith.constant 0 : i32
    %dma_wait3A_603 = tpu.memref_slice %arg7[%dma_wait3A_601, %dma_wait3A_602] : memref<6x80xi32, #tpu.memory_space<vmem>> -> memref<1x80xi32, #tpu.memory_space<vmem>>
    %dma_wait3A_604 = tpu.memref_squeeze %dma_wait3A_603 : memref<1x80xi32, #tpu.memory_space<vmem>> -> memref<80xi32, #tpu.memory_space<vmem>>
    %dma_wait3A_605 = arith.constant 0 : i32
    %dma_wait3A_606 = arith.constant 0 : i32
    %dma_wait3A_607 = tpu.memref_slice %arg2[%dma_wait3A_605, %dma_wait3A_606] : memref<10000x128xf32, #tpu.memory_space<hbm>> -> memref<10000x128xf32, #tpu.memory_space<hbm>>
    tpu.wait_indirect_dma semaphore(%arg14 : memref<!tpu.dma_semaphore, #tpu.memory_space<semaphore_mem>>) src(%dma_wait3A_607 : memref<10000x128xf32, #tpu.memory_space<hbm>>) dst(%arg10 : memref<80x128xf32, #tpu.memory_space<vmem>>)
    %dma_start3A_608 = arith.constant 4 : i32
    %dma_start3A_609 = arith.constant 0 : i32
    %dma_start3A_610 = tpu.memref_slice %arg8[%dma_start3A_608, %dma_start3A_609] : memref<6x80xi32, #tpu.memory_space<vmem>> -> memref<1x80xi32, #tpu.memory_space<vmem>>
    %dma_start3A_611 = tpu.memref_squeeze %dma_start3A_610 : memref<1x80xi32, #tpu.memory_space<vmem>> -> memref<80xi32, #tpu.memory_space<vmem>>
    %dma_start3A_612 = arith.constant 0 : i32
    %dma_start3A_613 = arith.constant 0 : i32
    %dma_start3A_614 = tpu.memref_slice %arg12[%dma_start3A_612, %dma_start3A_613] : memref<10000x128xf32, #tpu.memory_space<vmem_shared>> -> memref<10000x128xf32, #tpu.memory_space<vmem_shared>>
    tpu.enqueue_indirect_dma source(%arg10 : memref<80x128xf32, #tpu.memory_space<vmem>>) target(%dma_start3A_614 : memref<10000x128xf32, #tpu.memory_space<vmem_shared>>) offsets(%dma_start3A_611 : memref<80xi32, #tpu.memory_space<vmem>>) semaphore(%arg17 : memref<!tpu.dma_semaphore, #tpu.memory_space<semaphore_mem>>) {add = true}
    %dma_wait3A_615 = arith.constant 0 : i32
    %dma_wait3A_616 = arith.constant 0 : i32
    %dma_wait3A_617 = tpu.memref_slice %arg8[%dma_wait3A_615, %dma_wait3A_616] : memref<6x80xi32, #tpu.memory_space<vmem>> -> memref<1x80xi32, #tpu.memory_space<vmem>>
    %dma_wait3A_618 = tpu.memref_squeeze %dma_wait3A_617 : memref<1x80xi32, #tpu.memory_space<vmem>> -> memref<80xi32, #tpu.memory_space<vmem>>
    %dma_wait3A_619 = arith.constant 0 : i32
    %dma_wait3A_620 = arith.constant 0 : i32
    %dma_wait3A_621 = tpu.memref_slice %arg12[%dma_wait3A_619, %dma_wait3A_620] : memref<10000x128xf32, #tpu.memory_space<vmem_shared>> -> memref<10000x128xf32, #tpu.memory_space<vmem_shared>>
    tpu.wait_indirect_dma semaphore(%arg16 : memref<!tpu.dma_semaphore, #tpu.memory_space<semaphore_mem>>) src(%arg9 : memref<80x128xf32, #tpu.memory_space<vmem>>) dst(%dma_wait3A_621 : memref<10000x128xf32, #tpu.memory_space<vmem_shared>>)
    %dma_wait3A_622 = arith.constant 0 : i32
    %dma_wait3A_623 = arith.constant 0 : i32
    %dma_wait3A_624 = tpu.memref_slice %arg8[%dma_wait3A_622, %dma_wait3A_623] : memref<6x80xi32, #tpu.memory_space<vmem>> -> memref<1x80xi32, #tpu.memory_space<vmem>>
    %dma_wait3A_625 = tpu.memref_squeeze %dma_wait3A_624 : memref<1x80xi32, #tpu.memory_space<vmem>> -> memref<80xi32, #tpu.memory_space<vmem>>
    %dma_wait3A_626 = arith.constant 0 : i32
    %dma_wait3A_627 = arith.constant 0 : i32
    %dma_wait3A_628 = tpu.memref_slice %arg12[%dma_wait3A_626, %dma_wait3A_627] : memref<10000x128xf32, #tpu.memory_space<vmem_shared>> -> memref<10000x128xf32, #tpu.memory_space<vmem_shared>>
    tpu.wait_indirect_dma semaphore(%arg17 : memref<!tpu.dma_semaphore, #tpu.memory_space<semaphore_mem>>) src(%arg10 : memref<80x128xf32, #tpu.memory_space<vmem>>) dst(%dma_wait3A_628 : memref<10000x128xf32, #tpu.memory_space<vmem_shared>>)
    %dma_wait3A_629 = arith.constant 0 : i32
    %dma_wait3A_630 = arith.constant 0 : i32
    %dma_wait3A_631 = tpu.memref_slice %arg8[%dma_wait3A_629, %dma_wait3A_630] : memref<6x80xi32, #tpu.memory_space<vmem>> -> memref<1x80xi32, #tpu.memory_space<vmem>>
    %dma_wait3A_632 = tpu.memref_squeeze %dma_wait3A_631 : memref<1x80xi32, #tpu.memory_space<vmem>> -> memref<80xi32, #tpu.memory_space<vmem>>
    %dma_wait3A_633 = arith.constant 0 : i32
    %dma_wait3A_634 = arith.constant 0 : i32
    %dma_wait3A_635 = tpu.memref_slice %arg12[%dma_wait3A_633, %dma_wait3A_634] : memref<10000x128xf32, #tpu.memory_space<vmem_shared>> -> memref<10000x128xf32, #tpu.memory_space<vmem_shared>>
    tpu.wait_indirect_dma semaphore(%arg18 : memref<!tpu.dma_semaphore, #tpu.memory_space<semaphore_mem>>) src(%arg11 : memref<80x128xf32, #tpu.memory_space<vmem>>) dst(%dma_wait3A_635 : memref<10000x128xf32, #tpu.memory_space<vmem_shared>>)
    %barrier3A_636 = arith.constant 0 : index
    tpu.barrier barrier_id(%barrier3A_636)
    "tpu.region"() ({
      %run_scoped3A = tpu.sem_alloc : memref<!tpu.dma_semaphore, #tpu.memory_space<semaphore_mem>>
      %dma_start3A_637 = arith.constant 0 : i32
      %dma_start3A_638 = arith.constant 0 : i32
      %dma_start3A_639 = tpu.memref_slice %arg6[%arg0, %dma_start3A_637, %dma_start3A_638] : memref<2x10000x128xf32, #tpu.memory_space<hbm>> -> memref<1x10000x128xf32, #tpu.memory_space<hbm>>
      %dma_start3A_640 = tpu.memref_squeeze %dma_start3A_639 : memref<1x10000x128xf32, #tpu.memory_space<hbm>> -> memref<10000x128xf32, #tpu.memory_space<hbm>>
      %dma_start3A_641 = arith.constant 0 : i32
      %dma_start3A_642 = tpu.memref_slice %dma_start3A_640[%min3A_3, %dma_start3A_641] : memref<10000x128xf32, #tpu.memory_space<hbm>> -> memref<632x128xf32, #tpu.memory_space<hbm>>
      %dma_start3A_643 = arith.constant 0 : i32
      %dma_start3A_644 = tpu.memref_slice %arg12[%min3A_3, %dma_start3A_643] : memref<10000x128xf32, #tpu.memory_space<vmem_shared>> -> memref<632x128xf32, #tpu.memory_space<vmem_shared>>
      tpu.enqueue_dma source(%dma_start3A_644 : memref<632x128xf32, #tpu.memory_space<vmem_shared>>) target(%dma_start3A_642 : memref<632x128xf32, #tpu.memory_space<hbm>>) target_semaphore(%run_scoped3A : memref<!tpu.dma_semaphore, #tpu.memory_space<semaphore_mem>>)
      %dma_wait3A_645 = arith.constant 0 : i32
      %dma_wait3A_646 = arith.constant 0 : i32
      %dma_wait3A_647 = tpu.memref_slice %arg6[%arg0, %dma_wait3A_645, %dma_wait3A_646] : memref<2x10000x128xf32, #tpu.memory_space<hbm>> -> memref<1x10000x128xf32, #tpu.memory_space<hbm>>
      %dma_wait3A_648 = tpu.memref_squeeze %dma_wait3A_647 : memref<1x10000x128xf32, #tpu.memory_space<hbm>> -> memref<10000x128xf32, #tpu.memory_space<hbm>>
      %dma_wait3A_649 = arith.constant 0 : i32
      %dma_wait3A_650 = tpu.memref_slice %dma_wait3A_648[%min3A_3, %dma_wait3A_649] : memref<10000x128xf32, #tpu.memory_space<hbm>> -> memref<632x128xf32, #tpu.memory_space<hbm>>
      %dma_wait3A_651 = arith.constant 0 : i32
      %dma_wait3A_652 = tpu.memref_slice %arg12[%min3A_3, %dma_wait3A_651] : memref<10000x128xf32, #tpu.memory_space<vmem_shared>> -> memref<632x128xf32, #tpu.memory_space<vmem_shared>>
      tpu.wait_dma2 semaphore(%run_scoped3A : memref<!tpu.dma_semaphore, #tpu.memory_space<semaphore_mem>>) src(%dma_wait3A_652 : memref<632x128xf32, #tpu.memory_space<vmem_shared>>) dst(%dma_wait3A_650 : memref<632x128xf32, #tpu.memory_space<hbm>>)
      tpu.yield
    }) : () -> ()
    return
  }
}

module attributes {stable_mosaic.version = 14 : i64} {
  func.func @_prep_body(%arg0: memref<10000x128xf32, #tpu.memory_space<vmem>>, %arg1: memref<128x128xf32, #tpu.memory_space<vmem>>, %arg2: memref<2x80x128xf32, #tpu.memory_space<vmem>>, %arg3: memref<10000x128xf32, #tpu.memory_space<vmem>>) attributes {dimension_semantics = [], scalar_prefetch = 0 : i64, scratch_operands = 0 : i64, tpu.core_type = #tpu.core_type<tc>} {
    %get3A = arith.constant 0 : index
    %get3A_0 = arith.constant 0 : index
    %get3A_1 = arith.constant 0 : index
    %get3A_2 = vector.load %arg2[%get3A, %get3A_0, %get3A_1] : memref<2x80x128xf32, #tpu.memory_space<vmem>>, vector<1x80x128xf32>
    %get3A_3 = vector.shape_cast %get3A_2 : vector<1x80x128xf32> to vector<80x128xf32>
    %get3A_4 = arith.constant 1 : index
    %get3A_5 = arith.constant 0 : index
    %get3A_6 = arith.constant 0 : index
    %get3A_7 = vector.load %arg2[%get3A_4, %get3A_5, %get3A_6] : memref<2x80x128xf32, #tpu.memory_space<vmem>>, vector<1x80x128xf32>
    %get3A_8 = vector.shape_cast %get3A_7 : vector<1x80x128xf32> to vector<80x128xf32>
    %add3A = arith.addf %get3A_3, %get3A_8 : vector<80x128xf32>
    %reshape3A = vector.shape_cast %add3A : vector<80x128xf32> to vector<10240xf32>
    %slice3A = vector.extract_strided_slice %reshape3A {offsets = [0], sizes = [10000], strides = [1]} : vector<10240xf32> to vector<10000xf32>
    %add3A_9 = arith.constant 1.000000e+00 : f32
    %add3A_10 = vector.broadcast %add3A_9 : f32 to vector<10000xf32>
    %add3A_11 = arith.addf %add3A_10, %slice3A : vector<10000xf32>
    %rsqrt3A = math.rsqrt %add3A_11 : vector<10000xf32>
    %get3A_12 = arith.constant 0 : index
    %get3A_13 = arith.constant 0 : index
    %get3A_14 = vector.load %arg0[%get3A_12, %get3A_13] : memref<10000x128xf32, #tpu.memory_space<vmem>>, vector<10000x128xf32>
    %get3A_15 = arith.constant 0 : index
    %get3A_16 = arith.constant 0 : index
    %get3A_17 = vector.load %arg1[%get3A_15, %get3A_16] : memref<128x128xf32, #tpu.memory_space<vmem>>, vector<128x128xf32>
    %dot_general3A = arith.constant dense<0.000000e+00> : vector<10000x128xf32>
    %dot_general3A_18 = tpu.matmul %get3A_14, %get3A_17, %dot_general3A {dimension_numbers = #tpu.dot_dimension_numbers<[1], [0], [0], [1], [0, 0, 1, 1], [], []>, transpose_lhs_hint = false} : vector<10000x128xf32>, vector<128x128xf32>, vector<10000x128xf32> -> vector<10000x128xf32>
    %broadcast_in_dim3A = vector.shape_cast %rsqrt3A : vector<10000xf32> to vector<10000x1xf32>
    %mul3A = vector.broadcast %broadcast_in_dim3A : vector<10000x1xf32> to vector<10000x128xf32>
    %mul3A_19 = arith.mulf %dot_general3A_18, %mul3A : vector<10000x128xf32>
    %swap3A = arith.constant 0 : index
    %swap3A_20 = arith.constant 0 : index
    %swap3A_21 = vector.load %arg3[%swap3A, %swap3A_20] : memref<10000x128xf32, #tpu.memory_space<vmem>>, vector<10000x128xf32>
    tpu.vector_store %arg3[%swap3A, %swap3A_20], %mul3A_19 {strides = array<i32>} : memref<10000x128xf32, #tpu.memory_space<vmem>>, vector<10000x128xf32>,
    return
  }
}

module attributes {stable_mosaic.version = 14 : i64} {
  func.func @_out_body(%arg0: i32, %arg1: memref<2x1024x128xf32, #tpu.memory_space<vmem>>, %arg2: memref<2x8x128xf32, #tpu.memory_space<vmem>>, %arg3: memref<1x128xf32, #tpu.memory_space<vmem>>, %arg4: memref<1024x128xf32, #tpu.memory_space<vmem>>) attributes {dimension_semantics = [#tpu.dimension_semantics<arbitrary>], iteration_bounds = array<i64: 10>, scalar_prefetch = 0 : i64, scratch_operands = 0 : i64, tpu.core_type = #tpu.core_type<tc>, window_params = [{transform_indices = @transform_0, window_bounds = array<i64: 2, 1024, 128>}, {transform_indices = @transform_1, window_bounds = array<i64: 2, 8, 128>}, {pipeline_mode = #tpu.pipeline_mode<synchronous>, transform_indices = @transform_2, window_bounds = array<i64: 1, 128>}, {transform_indices = @transform_3, window_bounds = array<i64: 1024, 128>}]} {
    %get3A = arith.constant 0 : index
    %get3A_0 = arith.constant 0 : index
    %get3A_1 = arith.constant 0 : index
    %get3A_2 = vector.load %arg2[%get3A, %get3A_0, %get3A_1] : memref<2x8x128xf32, #tpu.memory_space<vmem>>, vector<1x8x128xf32>
    %get3A_3 = vector.shape_cast %get3A_2 : vector<1x8x128xf32> to vector<8x128xf32>
    %get3A_4 = arith.constant 1 : index
    %get3A_5 = arith.constant 0 : index
    %get3A_6 = arith.constant 0 : index
    %get3A_7 = vector.load %arg2[%get3A_4, %get3A_5, %get3A_6] : memref<2x8x128xf32, #tpu.memory_space<vmem>>, vector<1x8x128xf32>
    %get3A_8 = vector.shape_cast %get3A_7 : vector<1x8x128xf32> to vector<8x128xf32>
    %add3A = arith.addf %get3A_3, %get3A_8 : vector<8x128xf32>
    %reshape3A = vector.shape_cast %add3A : vector<8x128xf32> to vector<1024xf32>
    %add3A_9 = arith.constant 1.000000e+00 : f32
    %add3A_10 = vector.broadcast %add3A_9 : f32 to vector<1024xf32>
    %add3A_11 = arith.addf %add3A_10, %reshape3A : vector<1024xf32>
    %rsqrt3A = math.rsqrt %add3A_11 : vector<1024xf32>
    %get3A_12 = arith.constant 0 : index
    %get3A_13 = arith.constant 0 : index
    %get3A_14 = arith.constant 0 : index
    %get3A_15 = vector.load %arg1[%get3A_12, %get3A_13, %get3A_14] : memref<2x1024x128xf32, #tpu.memory_space<vmem>>, vector<1x1024x128xf32>
    %get3A_16 = vector.shape_cast %get3A_15 : vector<1x1024x128xf32> to vector<1024x128xf32>
    %get3A_17 = arith.constant 1 : index
    %get3A_18 = arith.constant 0 : index
    %get3A_19 = arith.constant 0 : index
    %get3A_20 = vector.load %arg1[%get3A_17, %get3A_18, %get3A_19] : memref<2x1024x128xf32, #tpu.memory_space<vmem>>, vector<1x1024x128xf32>
    %get3A_21 = vector.shape_cast %get3A_20 : vector<1x1024x128xf32> to vector<1024x128xf32>
    %add3A_22 = arith.addf %get3A_16, %get3A_21 : vector<1024x128xf32>
    %broadcast_in_dim3A = vector.shape_cast %rsqrt3A : vector<1024xf32> to vector<1024x1xf32>
    %mul3A = vector.broadcast %broadcast_in_dim3A : vector<1024x1xf32> to vector<1024x128xf32>
    %mul3A_23 = arith.mulf %add3A_22, %mul3A : vector<1024x128xf32>
    %get3A_24 = arith.constant 0 : index
    %get3A_25 = arith.constant 0 : index
    %get3A_26 = vector.load %arg3[%get3A_24, %get3A_25] : memref<1x128xf32, #tpu.memory_space<vmem>>, vector<1x128xf32>
    %add3A_27 = vector.broadcast %get3A_26 : vector<1x128xf32> to vector<1024x128xf32>
    %add3A_28 = arith.addf %mul3A_23, %add3A_27 : vector<1024x128xf32>
    %swap3A = arith.constant 0 : index
    %swap3A_29 = arith.constant 0 : index
    %swap3A_30 = vector.load %arg4[%swap3A, %swap3A_29] : memref<1024x128xf32, #tpu.memory_space<vmem>>, vector<1024x128xf32>
    tpu.vector_store %arg4[%swap3A, %swap3A_29], %add3A_28 {strides = array<i32>} : memref<1024x128xf32, #tpu.memory_space<vmem>>, vector<1024x128xf32>,
    return
  }
  func.func @transform_0(%arg0: i32) -> (i32, i32, i32) {
    %c0_i32 = arith.constant 0 : i32
    %c0_i32_0 = arith.constant 0 : i32
    %c0_i32_1 = arith.constant 0 : i32
    return %c0_i32, %arg0, %c0_i32_0 : i32, i32, i32
  }
  func.func @transform_1(%arg0: i32) -> (i32, i32, i32) {
    %c0_i32 = arith.constant 0 : i32
    %c0_i32_0 = arith.constant 0 : i32
    %c0_i32_1 = arith.constant 0 : i32
    return %c0_i32, %arg0, %c0_i32_0 : i32, i32, i32
  }
  func.func @transform_2(%arg0: i32) -> (i32, i32) {
    %c0_i32 = arith.constant 0 : i32
    %c0_i32_0 = arith.constant 0 : i32
    %c0_i32_1 = arith.constant 0 : i32
    return %c0_i32, %c0_i32_0 : i32, i32
  }
  func.func @transform_3(%arg0: i32) -> (i32, i32) {
    %c0_i32 = arith.constant 0 : i32
    %c0_i32_0 = arith.constant 0 : i32
    return %arg0, %c0_i32 : i32, i32
  }
}

</mosaic_0001>

<sc_bundles>
// kernel: kernel.6.cloned.1.call-start
scs
__scs_entry_jumppad:
0x0: {  	(pc) =	sbr.rel $0x88, $3  }
0x1: {  	(tag) =	ssettag $0x0;
	lr =	simm.s32 $0x1  }
0x2: {  	[smem:$0x3F9D] =	sst lr;
	_ =	strace $0xD0000000  }
0x3: {  	_ = 	snop  }
0x4: {  	_ = 	snop  }
0x5: {  	_ = 	snop  }
0x6: {  	_ = 	snop  }
0x7: {  	_ = 	snop  }
__scs_overlays_trampoline_lowered:
0x8: {  	[smem:$0x3FAC] =	sst s0  }
0x9: {  	[smem:$0x3FAD] =	sst s1  }
0xa: {  	[smem:$0x3FAE] =	sst s2  }
0xb: {  	[smem:$0x3FAF] =	sst s3  }
0xc: {  	[smem:$0x3FB0] =	sst s4  }
0xd: {  	[smem:$0x3FB1] =	sst s5  }
0xe: {  	[smem:$0x3FB2] =	sst s6  }
0xf: {  	[smem:$0x3FB3] =	sst s7  }
0x10: {  	[smem:$0x3FB4] =	sst s8  }
0x11: {  	[smem:$0x3FB5] =	sst s9;
	s0 =	simm.s32 @!p0 $0x0  }
0x12: {  	s1 =	sld [smem:$0x3F9B];
	s0 =	simm.s32 @p0 $0x1  }
0x13: {  	[smem:$0x3FB6] =	sst s0;
	s0 =	simm.s32 @!p1 $0x0  }
0x14: {  	s2 =	sld [smem:$0x3F9A];
	s0 =	simm.s32 @p1 $0x1  }
0x15: {  	[smem:$0x3FB7] =	sst s0;
	s0 =	simm.s32 @!p2 $0x0  }
0x16: {  	s3 =	sld [smem:$0x3FDB];
	s0 =	simm.s32 @p2 $0x1  }
0x17: {  	s4 =	simm.s32 $0x1BF5;
	[smem:$0x3FB9] =	sst s0  }
0x18: {  	s0 =	sld [smem:$0x3F9C];
	_ =	swait.ge [sflag:s4], $0x0  }
0x19: {  	s7 =	sld [smem:$0x3F9D]  }
0x1a: {  	s8 =	sadd.s32 $0xFFFFE003, lr  }
0x1b: {  	s9 =	sadd.s32 $0xFFFFFEF7, lr;
	s5 =	simm.s32 $0xFFFFFFFF;
	p2 =	slt.u32 s8, $0xFFFFF086  }
0x1c: {  	p1 =	slt.u32 s9, $0xF7A;
	s5 =	simm.s32 @!p2 $0x0  }
0x1d: {  	s5 =	simm.s32 @p1 $0x1;
	p0 =	seq.s32 s7, s2  }
0x1e: {  	s7 =	smul.u32 @!p0 $0xF7A, s2;
	p2 =	seq.s32 @!p0 s5, $0x0  }
0x1f: {  	s9 =	smul.u32 $0xF7A, s1;
	s8 =	simm.s32 @!p0 $0x1BF5;
	p2 =	por !p2, p0  }
0x20: {  	[sflag:s8] =	ssyncset.s32 @!p0 $0xFFFFF086;
	s6 =	sadd.s32 @!p0 s3, s7;
	s7 =	simm.s32 @!p0 $0x108  }
0x21: {  	s3 =	sadd.s32 s3, s9;
	s6 =	sadd.s32 @!p0 $0x88, s6;
	s7 =	simm.s32 @p2 $0x1082  }
0x22: {  	[simem:s7], [sflag:s8] =	dma.local @!p0 [hbm:s6], $0xF7A  }
0x23: {  	s9 =	sor.u32 $0xD0000000, s2;
	s6 =	simm.s32 $0x108;
	_ =	swait.ge @!p0 [sflag:s8], $0x0  }
0x24: {  	s3 =	sadd.s32 $0x88, s3;
	s6 =	simm.s32 @!p1 $0x1082;
	[sflag:s4] =	ssyncset.s32 $0xFFFFF086  }
0x25: {  	[simem:s6], [sflag:s4] =	dma.local [hbm:s3], $0xF7A  }
0x26: {  	[smem:$0x3F9D] =	sst s1;
	(tag) =	ssettag s2;
	_ =	strace s9  }
0x27: {  	s1 =	sld [smem:$0x3FAD]  }
0x28: {  	s2 =	sld [smem:$0x3FAE]  }
0x29: {  	s4 =	sld [smem:$0x3FB0]  }
0x2a: {  	p0 =	seq.s32 s5, $0x0;
	s5 =	sld [smem:$0x3FB1]  }
0x2b: {  	s6 =	sld [smem:$0x3FB2]  }
0x2c: {  	s7 =	sld [smem:$0x3FB3]  }
0x2d: {  	s3 =	simm.s32 $0x108;
	s8 =	sld [smem:$0x3FB4]  }
0x2e: {  	s3 =	simm.s32 @!p0 $0x1082;
	s9 =	sld [smem:$0x3FB5]  }
0x2f: {  	lr =	sadd.s32 s0, s3;
	s0 =	sld [smem:$0x3FAC]  }
0x30: {  	s3 =	sld [smem:$0x3FAF]  }
0x31: {  	[smem:$0x3FB8] =	sst s10  }
0x32: {  	s10 =	sld [smem:$0x3FB6];
	_ =	sdelay $0x3  }
0x33: {  	p0 =	seq.s32 s10, $0x1;
	s10 =	sld [smem:$0x3FB8];
	_ =	sdelay $0x3  }
0x34: {  	[smem:$0x3FB8] =	sst s10  }
0x35: {  	s10 =	sld [smem:$0x3FB7];
	_ =	sdelay $0x3  }
0x36: {  	p1 =	seq.s32 s10, $0x1;
	s10 =	sld [smem:$0x3FB8];
	_ =	sdelay $0x3  }
0x37: {  	[smem:$0x3FB8] =	sst s10  }
0x38: {  	s10 =	sld [smem:$0x3FB9]  }
0x39: {  	_ = 	snop;
	(pc) =	sbr.ind lr, $3  }
0x3a: {  	_ = 	snop  }
0x3b: {  	_ = 	snop  }
0x3c: {  	p2 =	seq.s32 s10, $0x1;
	s10 =	sld [smem:$0x3FB8]  }
0x3d: {  	_ =	shalt  }
0x3e: {  	_ =	shalt  }
0x3f: {  	_ =	shalt  }
0x40: {  	_ =	shalt  }
0x41: {  	_ =	shalt  }
0x42: {  	_ =	shalt  }
0x43: {  	_ =	shalt  }
0x44: {  	_ =	shalt  }
0x45: {  	_ =	shalt  }
0x46: {  	_ =	shalt  }
0x47: {  	_ =	shalt  }
0x48: {  	_ =	shalt  }
0x49: {  	_ =	shalt  }
0x4a: {  	_ =	shalt  }
0x4b: {  	_ =	shalt  }
0x4c: {  	_ =	shalt  }
0x4d: {  	_ =	shalt  }
0x4e: {  	_ =	shalt  }
0x4f: {  	_ =	shalt  }
0x50: {  	_ =	shalt  }
0x51: {  	_ =	shalt  }
0x52: {  	_ =	shalt  }
0x53: {  	_ =	shalt  }
0x54: {  	_ =	shalt  }
0x55: {  	_ =	shalt  }
0x56: {  	_ =	shalt  }
0x57: {  	_ =	shalt  }
0x58: {  	_ =	shalt  }
0x59: {  	_ =	shalt  }
0x5a: {  	_ =	shalt  }
0x5b: {  	_ =	shalt  }
0x5c: {  	_ =	shalt  }
0x5d: {  	_ =	shalt  }
0x5e: {  	_ =	shalt  }
0x5f: {  	_ =	shalt  }
0x60: {  	_ =	shalt  }
0x61: {  	_ =	shalt  }
0x62: {  	_ =	shalt  }
0x63: {  	_ =	shalt  }
0x64: {  	_ =	shalt  }
0x65: {  	_ =	shalt  }
0x66: {  	_ =	shalt  }
0x67: {  	_ =	shalt  }
0x68: {  	_ =	shalt  }
0x69: {  	_ =	shalt  }
0x6a: {  	_ =	shalt  }
0x6b: {  	_ =	shalt  }
0x6c: {  	_ =	shalt  }
0x6d: {  	_ =	shalt  }
0x6e: {  	_ =	shalt  }
0x6f: {  	_ =	shalt  }
0x70: {  	_ =	shalt  }
0x71: {  	_ =	shalt  }
0x72: {  	_ =	shalt  }
0x73: {  	_ =	shalt  }
0x74: {  	_ =	shalt  }
0x75: {  	_ =	shalt  }
0x76: {  	_ =	shalt  }
0x77: {  	_ =	shalt  }
0x78: {  	_ =	shalt  }
0x79: {  	_ =	shalt  }
0x7a: {  	_ =	shalt  }
0x7b: {  	_ =	shalt  }
0x7c: {  	_ =	shalt  }
0x7d: {  	_ =	shalt  }
0x7e: {  	_ =	shalt  }
0x7f: {  	_ =	shalt  }
0x80: {  	_ =	shalt  }
0x81: {  	_ =	shalt  }
0x82: {  	_ =	shalt  }
0x83: {  	_ =	shalt  }
0x84: {  	_ =	shalt  }
0x85: {  	_ =	shalt  }
0x86: {  	_ =	shalt  }
0x87: {  	_ =	shalt  }
.Lfunc_end0:
.L_simem_size_0:
called_computation_lowered:
.L_overlay_start_0:
0x88: {  	s2 =	sld [smem:$0x3FD9]  }
0x89: {  	s3 =	sld [smem:$0x3FFE];
	_ =	sdelay $0x1  }
0x8a: {  	s1 =	srdreg.scid  }
0x8b: {  	s0 =	sand.u32 $0x1, s1  }
0x8c: {  	s17 =	sshll.u32 s0, $0xA;
	s2 =	sadd.s32 s3, s2  }
0x8d: {  	s2 =	sadd.s32 s2, s17  }
0x8e: {  	[smem:$0x3FC4] =	sst s2  }
0x8f: {  	_ = 	snop  }
0x90: {  	s2 =	sld [smem:$0x3FD0];
	(tm) =	ssettm $0x1  }
0x91: {  	s18 =	sld [smem:$0x3FFB];
	_ =	sdelay $0x3  }
0x92: {  	_ =	strace s18  }
0x93: {  	s3 =	sld [smem:$0x3FFC];
	_ =	sdelay $0x3  }
0x94: {  	_ =	strace s3  }
0x95: {  	s3 =	sld [smem:$0x3FFD];
	_ =	sdelay $0x3  }
0x96: {  	_ =	strace s3  }
0x97: {  	_ =	strace $0x8FFFFFFF  }
0x98: {  	s19 =	sld [smem:$0x3FDB];
	_ =	sdelay $0x1  }
0x99: {  	s4 =	simm.s32 $_scs_section_size  }
0x9a: {  	s5 =	simm.s32 $_size__tile_overlayer_lowered;
	s6 =	simm.s32 $_tile_overlayer_lowered  }
0x9b: {  	s22 =	simm.s32 $0x1BFF;
	s21 =	sshll.u32 s6, $0x1;
	s3 =	sadd.s32 s4, s19  }
0x9c: {  	s7 =	simm.s32 $0x0;
	s20 =	sshll.u32 s5, $0x1;
	s5 =	sadd.s32 s21, s3  }
0x9d: {  	[timem:s7], [sflag:s22] =	dma.local [hbm:s5], s20  }
0x9e: {  	_ =	swait.ge [sflag:s22], s20  }
0x9f: {  	s4 =	ssub.s32 $0x0, s20;
	[sflag:s22] =	ssyncset.done $0x0  }
0xa0: {  	[sflag:s22] =	ssyncadd.s32 s4;
	_ =	sdelay $0x1  }
0xa1: {  	s23 =	simm.s32 $0x1B8B  }
0xa2: {  	_ =	swait.ge [sflag:s23], $0x1  }
0xa3: {  	[sflag:s23] =	ssyncset.done $0x0  }
0xa4: {  	s25 =	simm.s32 $0x1B8E;
	s24 =	sld [smem:$0x3FFE];
	[sflag:s23] =	ssyncadd.s32 $0xFFFFFFFF  }
0xa5: {  	s26 =	simm.s32 $execute0_lowered;
	[smem:$0x3FD2] =	sst s25  }
0xa6: {  	s5 =	sshll.u32 s26, $0x1;
	_ =	strace $0x80000046;
	[dreg:$0x1] =	wrdreg $0xFFFFFFFF  }
0xa7: {  	s28 =	simm.s32 $_size_execute0_lowered;
	s3 =	sadd.s32 s3, s5;
	[dreg:$0x0] =	wrdreg $0x0  }
0xa8: {  	s5 =	sshll.u32 s28, $0x1;
	[dreg:$0x2] =	wrdreg s3  }
0xa9: {  	[dreg:$0x3] =	wrdreg s5  }
0xaa: {  	[dreg:$0x4] =	wrdreg $0xC0  }
0xab: {  	_ =	task [dreg:s7], $0x5FFFF  }
0xac: {  	[dreg:$0x1] =	wrdreg $0xFFFFFFFF  }
0xad: {  	[dreg:$0x0] =	wrdreg $0x60  }
0xae: {  	[dreg:$0x2] =	wrdreg s2  }
0xaf: {  	[dreg:$0x3] =	wrdreg s24  }
0xb0: {  	[dreg:$0x4] =	wrdreg $0x50000  }
0xb1: {  	[dreg:$0x5] =	wrdreg $0x9  }
0xb2: {  	_ =	task.clear_ibuf [dreg:s7], $0x6FFFF;
	_ =	strace $0x90000046  }
0xb3: {  	s29 =	simm.s32 $0x9;
	_ =	strace $0x80000048  }
0xb4: {  	_ =	swait.ge [sflag:s29], $0x1  }
0xb5: {  	[sflag:s29] =	ssyncadd.s32 $0xFFFFFFFF  }
0xb6: {  	_ =	strace $0x90000048  }
0xb7: {  	_ =	sfence  }
0xb8: {  	s30 =	sld [smem:$0x0];
	_ =	sdelay $0x2  }
0xb9: {  	s31 =	sshll.u32 s1, $0xD;
	s1 =	sshrl.u32 s1, $0x2  }
0xba: {  	s3 =	sand.u32 $0x4000, s31;
	s1 =	sadd.s32 s1, s30  }
0xbb: {  	s0 =	sor.u32 s3, s0;
	s1 =	sshll.u32 s1, $0x11  }
0xbc: {  	s0 =	sor.u32 s1, s0  }
0xbd: {  	s0 =	sadd.s32 $0x8F2B, s0  }
0xbe: {  	[sflag:s0] =	ssyncadd.remote.s32 $0x1  }
0xbf: {  	_ =	sfence.sel $0xFFFF  }
0xc0: {  	[dreg:$0x0] =	wrdreg $0xFFFFFFFF;
	(pc) =	sbr.abs _section_cstart, $3  }
0xc1: {  	[dreg:$0x1] =	wrdreg $0xFFFFFFFF  }
0xc2: {  	_ =	task.clear_ibuf [dreg:s7], $0x2FFFF;
	_ =	strace $0x9FFFFFFF  }
0xc3: {  	(tm) =	ssettm $0x7FFFFFFF  }
tec
execute0_lowered:
.L_overlay_start_1:
0x0: {  	(tag) =	ssettag $0x1  }
0x1: {  	s4 =	rddreg [dreg:$0x0]  }
0x2: {  	s5 =	rddreg [dreg:$0x1]  }
0x3: {  	s1 =	rddreg [dreg:$0x2]  }
0x4: {  	s0 =	rddreg [dreg:$0x3];
	s2 =	simm.s32 $0x0  }
0x5: {  	s3 =	srdreg.scid;
	s6 =	stileid.u32;
	s11 =	simm.s32 $0x2780  }
0x6: {  	s12 =	simm.s32 $0x50;
	s13 =	simm.s32 $0x4F80;
	[smem:$0x7FF] =	sst s2  }
0x7: {  	s7 =	sand.u32 $0x1, s3;
	s29 =	sshrl.u32 s6, $0x2;
	s8 =	sshll.u32 s6, $0x8  }
0x8: {  	s3 =	sadd.s32 $0x1200, s5;
	p0 =	sne.s32 s6, $0x0;
	s9 =	smul.u32 $0x13C00, s29  }
0x9: {  	s30 =	sshll.u32 s7, $0x7;
	s8 =	sand.u32 $0x300, s8;
	s10 =	smul.u32 $0x500, s7  }
0xa: {  	_ =	strace $0x80000047;
	s7 =	ssub.s32 $0x2, s7;
	s8 =	sor.u32 s30, s8  }
0xb: {  	s31 =	sshrl.u32 s7, $0x1;
	s8 =	sor.u32 s9, s8;
	s5 =	sadd.s32 s10, s5  }
0xc: {  	v0 =	vlaneseq.u32;
	s7 =	ssub.s32 s7, s31;
	s9 =	simm.s32 $0x400;
	s10 =	simm.s32 $0x1  }
0xd: {  	v1 =	vimm.f32 $0.0e+00;
	v2 =	vor.u32 $0x10, v0;
	s8 =	sshrl.u32 s8, $0x3;
	s5 =	sadd.s32 $0x1800, s5;
	s6 =	smax.u32 s7, $0x1  }
0xe: {  	v3 =	vor.u32 $0x20, v0;
	v4 =	vor.u32 $0x30, v0;
	v5 =	vor.u32 $0x40, v0;
	s7 =	sshrl.u32 @!p0 s1, $0x3;
	s4 =	sadd.s32 s4, s8;
	s8 =	simm.s32 $0x80  }
.LBB2_1:
0xf: {  	s14 =	simm.s32 @!p0 $0x1C01  }
0x10: {  	[spmem:s7], [sflag:s14] =	dma.local @!p0 [hbm:s3], $0x500  }
0x11: {  	s14 =	simm.s32 @!p0 $0x1  }
0x12: {  	_ =	swait.ge @!p0 [sflag:s14], $0x500  }
0x13: {  	[sflag:s14] =	ssyncset.done @!p0 $0x0  }
0x14: {  	s15 =	simm.s32 $0x3C0;
	[sflag:s14] =	ssyncadd.s32 @!p0 $0xFFFFFB00;
	s14 =	simm.s32 $0x70  }
.LBB2_2:
0x15: {  	p1 =	sne.s32 s15, $0x9FC0;
	[tilespmem:s14+$0x2780] =	vst v1  }
0x16: {  	[tilespmem:s14+$0x2710] =	vst v1  }
0x17: {  	[tilespmem:s14+$0x2720] =	vst v1  }
.Ltmp0:
0x18: {  	[tilespmem:s14+$0x2730] =	vst v1;
	(pc) =	sbr.rel @p1 .LBB2_2-.Ltmp0, $4  }
0x19: {  	[tilespmem:s14+$0x2740] =	vst v1  }
0x1a: {  	[tilespmem:s14+$0x2750] =	vst v1  }
0x1b: {  	[tilespmem:s14+$0x2760] =	vst v1  }
0x1c: {  	[tilespmem:s14+$0x2770] =	vst v1;
	s14 =	sshra.s32 s15, $0x2;
	s15 =	sadd.s32 $0x200, s15  }
0x1d: {  	[tilespmem:s14+$0x2780] =	vst v1  }
0x1e: {  	[tilespmem:s14+$0x2710] =	vst v1  }
0x1f: {  	[tilespmem:s14+$0x2720] =	vst v1  }
0x20: {  	[tilespmem:s14+$0x2730] =	vst v1  }
0x21: {  	[tilespmem:s14+$0x2740] =	vst v1  }
0x22: {  	[tilespmem:s14+$0x2750] =	vst v1  }
0x23: {  	[tilespmem:s14+$0x2760] =	vst v1  }
0x24: {  	[tilespmem:s14+$0x2770] =	vst v1  }
0x25: {  	[tilespmem:$0x4F80] =	vst v0  }
0x26: {  	[tilespmem:$0x4F90] =	vst v2  }
0x27: {  	[tilespmem:$0x4FA0] =	vst v3  }
0x28: {  	[tilespmem:$0x4FB0] =	vst v4  }
0x29: {  	s31 =	simm.s32 $0x0;
	[tilespmem:$0x4FC0] =	vst v5  }
0x2a: {  	[tilespmem:s31], [sflag:$0x1] =	stream.strided.gather [hbm4b:s4+s8], $0x2780, s9, s8, $0x38;
	[tilespmem:$0x5280] =	vst v63  }
0x2b: {  	_ =	swait.ge [sflag:s10], $0x2780  }
0x2c: {  	[sflag:s10] =	ssyncset.done $0x0  }
0x2d: {  	s15 =	simm.s32 $0x0;
	s14 =	simm.s32 $0x40;
	[sflag:s10] =	ssyncadd.s32 $0xFFFFD880  }
.LBB2_4:
0x2e: {  	p1 =	sne.s32 s14, $0x9C00;
	v6 =	vld [tilespmem:s15+$0x0];
	_ =	sdelay $0x4  }
0x2f: {  	(xrf1) =	vunique.msk.u32 $0xffff, v6;
	_ =	sdelay $0xd  }
0x30: {  	_, v7, vm0 =	vpop (xrf1);
	_ =	sdelay $0x1  }
.Ltmp1:
0x31: {  	(pc) =	sbr.rel @p1 .LBB2_4-.Ltmp1, $3  }
0x32: {  	_ = 	snop  }
0x33: {  	v7 =	vcvt.s32.f32 v7;
	_ =	sdelay $0x1  }
0x34: {  	s15 =	sshra.s32 s14, $0x2;
	s14 =	sadd.s32 $0x40, s14;
	[tilespmem:v6+s11+$0x0] =	vst.idx.add.f32.msk vm0, v7  }
0x35: {  	v6 =	vld [tilespmem:s15+$0x0];
	_ =	sdelay $0x4  }
0x36: {  	(xrf1) =	vunique.msk.u32 $0xffff, v6;
	_ =	sdelay $0xd  }
0x37: {  	_, v7, vm0 =	vpop (xrf1);
	_ =	sdelay $0x3  }
0x38: {  	v7 =	vcvt.s32.f32 v7;
	_ =	sdelay $0x1  }
0x39: {  	[tilespmem:v6+s11+$0x0] =	vst.idx.add.f32.msk vm0, v7  }
0x3a: {  	[bflag:$0x0] =	sbarrier.arrive $0xFFFF  }
0x3b: {  	[spmem:s1] =	stream.indirect.scatter.add.f32 [tilespmem:s11], [sflag:$0x1], $0x80, s13, s12, $0xb8;
	[tilespmem:$0x5280] =	vst v63  }
0x3c: {  	_ =	swait.ge [sflag:s10], $0x2800  }
0x3d: {  	[sflag:s10] =	ssyncset.done $0x0  }
0x3e: {  	s2 =	sadd.s32 $0x1, s2;
	[sflag:s10] =	ssyncadd.s32 $0xFFFFD800  }
0x3f: {  	s14 =	simm.s32 @!p0 $0x1C01;
	p1 =	sne.s32 s2, s6;
	[bflag:$0x0] =	sbarrier.arrive $0xFFFF  }
0x40: {  	[hbm:s5], [sflag:s14] =	dma.local @!p0 [spmem:s7], $0x500  }
.Ltmp2:
0x41: {  	_ = 	snop;
	(pc) =	sbr.rel @p1 .LBB2_1-.Ltmp2, $4  }
0x42: {  	s14 =	simm.s32 @!p0 $0x1  }
0x43: {  	_ =	swait.ge @!p0 [sflag:s14], $0x500  }
0x44: {  	[sflag:s14] =	ssyncset.done @!p0 $0x0  }
0x45: {  	[sflag:s14] =	ssyncadd.s32 @!p0 $0xFFFFFB00  }
0x46: {  	_ =	sfence.sel $0x180000  }
0x47: {  	[bflag:$0x0] =	sbarrier.arrive $0xFFFF  }
0x48: {  	_ =	strace $0x90000047  }
0x49: {  	s0 =	sadd.s32 @!p0 $0x100000, s0;
	[bflag:$0x2] =	sbarrier.arrive $0xFFFF  }
0x4a: {  	[sflag:s0] =	ssyncadd.tile.s32 @!p0 $0x1;
	_ =	shalt  }
.Lfunc_end2:
_tile_overlayer_lowered:
.L_overlay_start_2:
0x4b: {  	(tag) =	ssettag $0x2  }
0x4c: {  	s0 =	rddreg [dreg:$0x0];
	s2 =	stileid.u32  }
0x4d: {  	s1 =	rddreg [dreg:$0x1];
	p0 =	sne.s32 s2, $0x0  }
0x4e: {  	s3 =	rddreg [dreg:$0x2];
	[bflag:$0x3] =	sbarrier.arrive $0xFFFF;
	s2 =	simm.s32 @!p0 $0x1C01  }
0x4f: {  	[timem:s3], [sflag:s2] =	dma.local @!p0 [hbm:s0], s1  }
0x50: {  	s0 =	simm.s32 @!p0 $0x1  }
0x51: {  	_ =	swait.ge @!p0 [sflag:s0], s1  }
0x52: {  	s1 =	ssub.s32 @!p0 $0x0, s1;
	[sflag:s0] =	ssyncset.done @!p0 $0x0  }
0x53: {  	[sflag:s0] =	ssyncadd.s32 @!p0 s1  }
0x54: {  	[bflag:$0x3] =	sbarrier.arrive $0xFFFF  }
0x55: {  	_ =	shalt  }

// kernel: kernel.9.cloned.1.call-start
scs
__scs_entry_jumppad:
0x0: {  	(pc) =	sbr.rel $0x88, $3  }
0x1: {  	(tag) =	ssettag $0x0;
	lr =	simm.s32 $0x1  }
0x2: {  	[smem:$0x3F9D] =	sst lr;
	_ =	strace $0xD0000000  }
0x3: {  	_ = 	snop  }
0x4: {  	_ = 	snop  }
0x5: {  	_ = 	snop  }
0x6: {  	_ = 	snop  }
0x7: {  	_ = 	snop  }
__scs_overlays_trampoline_lowered:
0x8: {  	[smem:$0x3FAC] =	sst s0  }
0x9: {  	[smem:$0x3FAD] =	sst s1  }
0xa: {  	[smem:$0x3FAE] =	sst s2  }
0xb: {  	[smem:$0x3FAF] =	sst s3  }
0xc: {  	[smem:$0x3FB0] =	sst s4  }
0xd: {  	[smem:$0x3FB1] =	sst s5  }
0xe: {  	[smem:$0x3FB2] =	sst s6  }
0xf: {  	[smem:$0x3FB3] =	sst s7  }
0x10: {  	[smem:$0x3FB4] =	sst s8  }
0x11: {  	[smem:$0x3FB5] =	sst s9;
	s0 =	simm.s32 @!p0 $0x0  }
0x12: {  	s1 =	sld [smem:$0x3F9B];
	s0 =	simm.s32 @p0 $0x1  }
0x13: {  	[smem:$0x3FB6] =	sst s0;
	s0 =	simm.s32 @!p1 $0x0  }
0x14: {  	s2 =	sld [smem:$0x3F9A];
	s0 =	simm.s32 @p1 $0x1  }
0x15: {  	[smem:$0x3FB7] =	sst s0;
	s0 =	simm.s32 @!p2 $0x0  }
0x16: {  	s3 =	sld [smem:$0x3FDB];
	s0 =	simm.s32 @p2 $0x1  }
0x17: {  	s4 =	simm.s32 $0x1BF5;
	[smem:$0x3FB9] =	sst s0  }
0x18: {  	s0 =	sld [smem:$0x3F9C];
	_ =	swait.ge [sflag:s4], $0x0  }
0x19: {  	s7 =	sld [smem:$0x3F9D]  }
0x1a: {  	s8 =	sadd.s32 $0xFFFFE003, lr  }
0x1b: {  	s9 =	sadd.s32 $0xFFFFFEF7, lr;
	s5 =	simm.s32 $0xFFFFFFFF;
	p2 =	slt.u32 s8, $0xFFFFF086  }
0x1c: {  	p1 =	slt.u32 s9, $0xF7A;
	s5 =	simm.s32 @!p2 $0x0  }
0x1d: {  	s5 =	simm.s32 @p1 $0x1;
	p0 =	seq.s32 s7, s2  }
0x1e: {  	s7 =	smul.u32 @!p0 $0xF7A, s2;
	p2 =	seq.s32 @!p0 s5, $0x0  }
0x1f: {  	s9 =	smul.u32 $0xF7A, s1;
	s8 =	simm.s32 @!p0 $0x1BF5;
	p2 =	por !p2, p0  }
0x20: {  	[sflag:s8] =	ssyncset.s32 @!p0 $0xFFFFF086;
	s6 =	sadd.s32 @!p0 s3, s7;
	s7 =	simm.s32 @!p0 $0x108  }
0x21: {  	s3 =	sadd.s32 s3, s9;
	s6 =	sadd.s32 @!p0 $0x88, s6;
	s7 =	simm.s32 @p2 $0x1082  }
0x22: {  	[simem:s7], [sflag:s8] =	dma.local @!p0 [hbm:s6], $0xF7A  }
0x23: {  	s9 =	sor.u32 $0xD0000000, s2;
	s6 =	simm.s32 $0x108;
	_ =	swait.ge @!p0 [sflag:s8], $0x0  }
0x24: {  	s3 =	sadd.s32 $0x88, s3;
	s6 =	simm.s32 @!p1 $0x1082;
	[sflag:s4] =	ssyncset.s32 $0xFFFFF086  }
0x25: {  	[simem:s6], [sflag:s4] =	dma.local [hbm:s3], $0xF7A  }
0x26: {  	[smem:$0x3F9D] =	sst s1;
	(tag) =	ssettag s2;
	_ =	strace s9  }
0x27: {  	s1 =	sld [smem:$0x3FAD]  }
0x28: {  	s2 =	sld [smem:$0x3FAE]  }
0x29: {  	s4 =	sld [smem:$0x3FB0]  }
0x2a: {  	p0 =	seq.s32 s5, $0x0;
	s5 =	sld [smem:$0x3FB1]  }
0x2b: {  	s6 =	sld [smem:$0x3FB2]  }
0x2c: {  	s7 =	sld [smem:$0x3FB3]  }
0x2d: {  	s3 =	simm.s32 $0x108;
	s8 =	sld [smem:$0x3FB4]  }
0x2e: {  	s3 =	simm.s32 @!p0 $0x1082;
	s9 =	sld [smem:$0x3FB5]  }
0x2f: {  	lr =	sadd.s32 s0, s3;
	s0 =	sld [smem:$0x3FAC]  }
0x30: {  	s3 =	sld [smem:$0x3FAF]  }
0x31: {  	[smem:$0x3FB8] =	sst s10  }
0x32: {  	s10 =	sld [smem:$0x3FB6];
	_ =	sdelay $0x3  }
0x33: {  	p0 =	seq.s32 s10, $0x1;
	s10 =	sld [smem:$0x3FB8];
	_ =	sdelay $0x3  }
0x34: {  	[smem:$0x3FB8] =	sst s10  }
0x35: {  	s10 =	sld [smem:$0x3FB7];
	_ =	sdelay $0x3  }
0x36: {  	p1 =	seq.s32 s10, $0x1;
	s10 =	sld [smem:$0x3FB8];
	_ =	sdelay $0x3  }
0x37: {  	[smem:$0x3FB8] =	sst s10  }
0x38: {  	s10 =	sld [smem:$0x3FB9]  }
0x39: {  	_ = 	snop;
	(pc) =	sbr.ind lr, $3  }
0x3a: {  	_ = 	snop  }
0x3b: {  	_ = 	snop  }
0x3c: {  	p2 =	seq.s32 s10, $0x1;
	s10 =	sld [smem:$0x3FB8]  }
0x3d: {  	_ =	shalt  }
0x3e: {  	_ =	shalt  }
0x3f: {  	_ =	shalt  }
0x40: {  	_ =	shalt  }
0x41: {  	_ =	shalt  }
0x42: {  	_ =	shalt  }
0x43: {  	_ =	shalt  }
0x44: {  	_ =	shalt  }
0x45: {  	_ =	shalt  }
0x46: {  	_ =	shalt  }
0x47: {  	_ =	shalt  }
0x48: {  	_ =	shalt  }
0x49: {  	_ =	shalt  }
0x4a: {  	_ =	shalt  }
0x4b: {  	_ =	shalt  }
0x4c: {  	_ =	shalt  }
0x4d: {  	_ =	shalt  }
0x4e: {  	_ =	shalt  }
0x4f: {  	_ =	shalt  }
0x50: {  	_ =	shalt  }
0x51: {  	_ =	shalt  }
0x52: {  	_ =	shalt  }
0x53: {  	_ =	shalt  }
0x54: {  	_ =	shalt  }
0x55: {  	_ =	shalt  }
0x56: {  	_ =	shalt  }
0x57: {  	_ =	shalt  }
0x58: {  	_ =	shalt  }
0x59: {  	_ =	shalt  }
0x5a: {  	_ =	shalt  }
0x5b: {  	_ =	shalt  }
0x5c: {  	_ =	shalt  }
0x5d: {  	_ =	shalt  }
0x5e: {  	_ =	shalt  }
0x5f: {  	_ =	shalt  }
0x60: {  	_ =	shalt  }
0x61: {  	_ =	shalt  }
0x62: {  	_ =	shalt  }
0x63: {  	_ =	shalt  }
0x64: {  	_ =	shalt  }
0x65: {  	_ =	shalt  }
0x66: {  	_ =	shalt  }
0x67: {  	_ =	shalt  }
0x68: {  	_ =	shalt  }
0x69: {  	_ =	shalt  }
0x6a: {  	_ =	shalt  }
0x6b: {  	_ =	shalt  }
0x6c: {  	_ =	shalt  }
0x6d: {  	_ =	shalt  }
0x6e: {  	_ =	shalt  }
0x6f: {  	_ =	shalt  }
0x70: {  	_ =	shalt  }
0x71: {  	_ =	shalt  }
0x72: {  	_ =	shalt  }
0x73: {  	_ =	shalt  }
0x74: {  	_ =	shalt  }
0x75: {  	_ =	shalt  }
0x76: {  	_ =	shalt  }
0x77: {  	_ =	shalt  }
0x78: {  	_ =	shalt  }
0x79: {  	_ =	shalt  }
0x7a: {  	_ =	shalt  }
0x7b: {  	_ =	shalt  }
0x7c: {  	_ =	shalt  }
0x7d: {  	_ =	shalt  }
0x7e: {  	_ =	shalt  }
0x7f: {  	_ =	shalt  }
0x80: {  	_ =	shalt  }
0x81: {  	_ =	shalt  }
0x82: {  	_ =	shalt  }
0x83: {  	_ =	shalt  }
0x84: {  	_ =	shalt  }
0x85: {  	_ =	shalt  }
0x86: {  	_ =	shalt  }
0x87: {  	_ =	shalt  }
.Lfunc_end0:
.L_simem_size_0:
called_computation.1_lowered:
.L_overlay_start_0:
0x88: {  	s2 =	sld [smem:$0x3FD9]  }
0x89: {  	s3 =	sld [smem:$0x3FFE];
	_ =	sdelay $0x1  }
0x8a: {  	s1 =	srdreg.scid  }
0x8b: {  	s0 =	sand.u32 $0x1, s1  }
0x8c: {  	s17 =	sshll.u32 s0, $0xA;
	s2 =	sadd.s32 s3, s2  }
0x8d: {  	s2 =	sadd.s32 s2, s17  }
0x8e: {  	[smem:$0x3FC4] =	sst s2  }
0x8f: {  	_ = 	snop  }
0x90: {  	s2 =	sld [smem:$0x3FD0];
	(tm) =	ssettm $0x1  }
0x91: {  	s18 =	sld [smem:$0x3FFB];
	_ =	sdelay $0x3  }
0x92: {  	_ =	strace s18  }
0x93: {  	s3 =	sld [smem:$0x3FFC];
	_ =	sdelay $0x3  }
0x94: {  	_ =	strace s3  }
0x95: {  	s3 =	sld [smem:$0x3FFD];
	_ =	sdelay $0x3  }
0x96: {  	_ =	strace s3  }
0x97: {  	_ =	strace $0x8FFFFFFF  }
0x98: {  	s19 =	sld [smem:$0x3FDB];
	_ =	sdelay $0x1  }
0x99: {  	s4 =	simm.s32 $_scs_section_size  }
0x9a: {  	s5 =	simm.s32 $_size__tile_overlayer_lowered;
	s6 =	simm.s32 $_tile_overlayer_lowered  }
0x9b: {  	s22 =	simm.s32 $0x1BFF;
	s21 =	sshll.u32 s6, $0x1;
	s3 =	sadd.s32 s4, s19  }
0x9c: {  	s7 =	simm.s32 $0x0;
	s20 =	sshll.u32 s5, $0x1;
	s5 =	sadd.s32 s21, s3  }
0x9d: {  	[timem:s7], [sflag:s22] =	dma.local [hbm:s5], s20  }
0x9e: {  	_ =	swait.ge [sflag:s22], s20  }
0x9f: {  	s4 =	ssub.s32 $0x0, s20;
	[sflag:s22] =	ssyncset.done $0x0  }
0xa0: {  	[sflag:s22] =	ssyncadd.s32 s4;
	_ =	sdelay $0x1  }
0xa1: {  	s23 =	simm.s32 $0x1B8B  }
0xa2: {  	_ =	swait.ge [sflag:s23], $0x1  }
0xa3: {  	[sflag:s23] =	ssyncset.done $0x0  }
0xa4: {  	s25 =	simm.s32 $0x1B8E;
	s24 =	sld [smem:$0x3FFE];
	[sflag:s23] =	ssyncadd.s32 $0xFFFFFFFF  }
0xa5: {  	s26 =	simm.s32 $execute0_lowered;
	[smem:$0x3FD2] =	sst s25  }
0xa6: {  	s5 =	sshll.u32 s26, $0x1;
	_ =	strace $0x80000049;
	[dreg:$0x1] =	wrdreg $0xFFFFFFFF  }
0xa7: {  	s28 =	simm.s32 $_size_execute0_lowered;
	s3 =	sadd.s32 s3, s5;
	[dreg:$0x0] =	wrdreg $0x0  }
0xa8: {  	s5 =	sshll.u32 s28, $0x1;
	[dreg:$0x2] =	wrdreg s3  }
0xa9: {  	[dreg:$0x3] =	wrdreg s5  }
0xaa: {  	[dreg:$0x4] =	wrdreg $0xC0  }
0xab: {  	_ =	task [dreg:s7], $0x5FFFF  }
0xac: {  	[dreg:$0x1] =	wrdreg $0xFFFFFFFF  }
0xad: {  	[dreg:$0x0] =	wrdreg $0x60  }
0xae: {  	[dreg:$0x2] =	wrdreg s2  }
0xaf: {  	[dreg:$0x3] =	wrdreg s24  }
0xb0: {  	[dreg:$0x4] =	wrdreg $0x80000  }
0xb1: {  	[dreg:$0x5] =	wrdreg $0x9  }
0xb2: {  	_ =	task.clear_ibuf [dreg:s7], $0x6FFFF;
	_ =	strace $0x90000049  }
0xb3: {  	s29 =	simm.s32 $0x9;
	_ =	strace $0x8000004B  }
0xb4: {  	_ =	swait.ge [sflag:s29], $0x1  }
0xb5: {  	[sflag:s29] =	ssyncadd.s32 $0xFFFFFFFF  }
0xb6: {  	_ =	strace $0x9000004B  }
0xb7: {  	_ =	sfence  }
0xb8: {  	s30 =	sld [smem:$0x0];
	_ =	sdelay $0x2  }
0xb9: {  	s31 =	sshll.u32 s1, $0xD;
	s1 =	sshrl.u32 s1, $0x2  }
0xba: {  	s3 =	sand.u32 $0x4000, s31;
	s1 =	sadd.s32 s1, s30  }
0xbb: {  	s0 =	sor.u32 s3, s0;
	s1 =	sshll.u32 s1, $0x11  }
0xbc: {  	s0 =	sor.u32 s1, s0  }
0xbd: {  	s0 =	sadd.s32 $0x8F2B, s0  }
0xbe: {  	[sflag:s0] =	ssyncadd.remote.s32 $0x1  }
0xbf: {  	_ =	sfence.sel $0xFFFF  }
0xc0: {  	[dreg:$0x0] =	wrdreg $0xFFFFFFFF;
	(pc) =	sbr.abs _section_cstart, $3  }
0xc1: {  	[dreg:$0x1] =	wrdreg $0xFFFFFFFF  }
0xc2: {  	_ =	task.clear_ibuf [dreg:s7], $0x2FFFF;
	_ =	strace $0x9FFFFFFF  }
0xc3: {  	(tm) =	ssettm $0x7FFFFFFF  }
tec
execute0_lowered:
.L_overlay_start_1:
0x0: {  	(tag) =	ssettag $0x1  }
0x1: {  	s1 =	rddreg [dreg:$0x0]  }
0x2: {  	s0 =	rddreg [dreg:$0x1]  }
0x3: {  	s3 =	rddreg [dreg:$0x2];
	s2 =	srdreg.scid  }
0x4: {  	s12 =	stileid.u32;
	s4 =	simm.s32 $0x0;
	s30 =	simm.s32 $0x400  }
0x5: {  	s29 =	simm.s32 $0x80;
	s28 =	simm.s32 $0x200;
	s31 =	simm.s32 $0x50  }
0x6: {  	s2 =	sand.u32 $0x1, s2;
	s5 =	sshll.u32 s12, $0xC;
	[smem:$0x7FF] =	sst s4  }
0x7: {  	s15 =	smul.u32 $0x278, s12;
	s8 =	sadd.s32 $0x22200, s0;
	s20 =	sshll.u32 s12, $0x6  }
0x8: {  	s12 =	simm.s32 $0xC;
	s6 =	sshll.u32 s2, $0xB;
	_ =	strace $0x8000004A  }
0x9: {  	s7 =	smul.u32 $0x27100, s2;
	s9 =	ssub.s32 $0x2, s2;
	p0 =	sne.s32 s2, $0x0  }
0xa: {  	s2 =	simm.s32 $0x180;
	s5 =	sor.u32 s6, s5;
	s6 =	smin.u32 s15, $0x2498  }
0xb: {  	s16 =	sshrl.u32 s9, $0x1;
	s15 =	simm.s32 $0x680;
	s5 =	sadd.s32 s5, s0  }
0xc: {  	s0 =	sadd.s32 s7, s0;
	s10 =	sshll.u32 s6, $0x7;
	s9 =	ssub.s32 s9, s16  }
0xd: {  	s11 =	sshll.u32 s6, $0x4;
	s16 =	sor.u32 $0x1C0D, s20;
	s20 =	simm.s32 $0xD  }
0xe: {  	s10 =	sadd.s32 s10, s3;
	s13 =	sadd.s32 s1, s11;
	s17 =	sadd.s32 $0x12200, s5  }
0xf: {  	s19 =	sadd.s32 $0x2200, s5;
	s0 =	sadd.s32 $0x24A00, s0;
	s21 =	smax.u32 s9, $0x1  }
0x10: {  	s5 =	simm.s32 $0x2;
	s9 =	simm.s32 $0x5;
	[dreg:$0x6] =	wrdreg s16  }
0x11: {  	[dreg:$0x5] =	wrdreg s21;
	s13 =	smov.u32 @p0 s8;
	s18 =	sshrl.u32 s10, $0x3  }
0x12: {  	s22 =	sadd.s32 $0x10, s17;
	s23 =	sadd.s32 $0x10, s19;
	[dreg:$0xf] =	wrdreg s19  }
0x13: {  	s24 =	sadd.s32 $0x20, s17;
	s8 =	simm.s32 $0x100;
	[dreg:$0xe] =	wrdreg s17  }
0x14: {  	s25 =	sadd.s32 $0x20, s19;
	s26 =	sadd.s32 $0x30, s17;
	[dreg:$0x4] =	wrdreg s13  }
0x15: {  	s0 =	sadd.s32 s11, s0;
	s17 =	simm.s32 $0x1;
	[dreg:$0x8] =	wrdreg s22  }
0x16: {  	s19 =	simm.s32 $0x3;
	s21 =	simm.s32 $0x4;
	[dreg:$0x9] =	wrdreg s23  }
.Ltmp0:
0x17: {  	s10 =	simm.s32 $0xB;
	[dreg:$0xa] =	wrdreg s24;
	(pc) =	sbr.rel .LBB2_1-.Ltmp0, $4  }
0x18: {  	s11 =	simm.s32 $0x6;
	s22 =	simm.s32 $0x480;
	[dreg:$0xb] =	wrdreg s25  }
0x19: {  	s23 =	simm.s32 $0x500;
	[dreg:$0xc] =	wrdreg s26;
	s25 =	simm.s32 $0x580  }
0x1a: {  	[dreg:$0xd] =	wrdreg s0;
	s26 =	simm.s32 $0x600;
	s13 =	simm.s32 $0x9  }
0x1b: {  	s24 =	simm.s32 $0xA;
	s0 =	simm.s32 $0x0;
	[dreg:$0x7] =	wrdreg s18  }
.LBB2_4:
0x1c: {  	s0 =	simm.s32 $0x7  }
0x1d: {  	_ =	swait.ge [sflag:s0], $0x80  }
0x1e: {  	[sflag:s0] =	ssyncset.done $0x0  }
0x1f: {  	[sflag:s0] =	ssyncadd.s32 $0xFFFFFF80  }
0x20: {  	_ =	swait.ge [sflag:s0], $0x80  }
0x21: {  	[sflag:s0] =	ssyncset.done $0x0  }
0x22: {  	[sflag:s0] =	ssyncadd.s32 $0xFFFFFF80  }
0x23: {  	s18 =	simm.s32 $0x800;
	s1 =	simm.s32 $0x8;
	s3 =	rddreg [dreg:$0x0]  }
0x24: {  	[tilespmem:s18], [sflag:$0x1] =	stream.indirect.gather [hbm4b:s3+s31], $0x80, s4, s31, $0xb8;
	[tilespmem:$0x1B880] =	vst v63  }
0x25: {  	_ =	swait.ge [sflag:s1], $0x80  }
0x26: {  	[sflag:s1] =	ssyncset.done $0x0  }
0x27: {  	[sflag:s1] =	ssyncadd.s32 $0xFFFFFF80  }
0x28: {  	_ =	swait.ge [sflag:s1], $0x80  }
0x29: {  	[sflag:s1] =	ssyncset.done $0x0  }
0x2a: {  	s29 =	simm.s32 $0x80;
	s20 =	simm.s32 $0x3000;
	[sflag:s1] =	ssyncadd.s32 $0xFFFFFF80  }
0x2b: {  	[tilespmem:s20], [sflag:$0x2] =	stream.indirect.gather [hbm4b:s3+s31], $0x80, s29, s31, $0xb8;
	[tilespmem:$0x1B880] =	vst v63  }
0x2c: {  	_ =	swait.ge [sflag:s13], $0x80  }
0x2d: {  	[sflag:s13] =	ssyncset.done $0x0  }
0x2e: {  	[sflag:s13] =	ssyncadd.s32 $0xFFFFFF80  }
0x2f: {  	_ =	swait.ge [sflag:s13], $0x80  }
0x30: {  	[sflag:s13] =	ssyncset.done $0x0  }
0x31: {  	s8 =	simm.s32 $0x100;
	s2 =	simm.s32 $0x5800;
	[sflag:s13] =	ssyncadd.s32 $0xFFFFFF80  }
0x32: {  	[tilespmem:s2], [sflag:$0x3] =	stream.indirect.gather [hbm4b:s3+s31], $0x80, s8, s31, $0xb8;
	[tilespmem:$0x1B880] =	vst v63  }
0x33: {  	_ =	swait.ge [sflag:s17], $0x2800  }
0x34: {  	[sflag:s17] =	ssyncset.done $0x0  }
0x35: {  	[sflag:s17] =	ssyncadd.s32 $0xFFFFD800  }
0x36: {  	s30 =	simm.s32 $0x400;
	s6 =	rddreg [dreg:$0x2]  }
0x37: {  	[spmem:s6] =	stream.indirect.scatter.add.f32 [tilespmem:s18], [sflag:$0x4], $0x80, s30, s31, $0xb8;
	[tilespmem:$0x1B880] =	vst v63  }
0x38: {  	_ =	swait.ge [sflag:s5], $0x2800  }
0x39: {  	[sflag:s5] =	ssyncset.done $0x0  }
0x3a: {  	[sflag:s5] =	ssyncadd.s32 $0xFFFFD800  }
0x3b: {  	[spmem:s6] =	stream.indirect.scatter.add.f32 [tilespmem:s20], [sflag:$0x5], $0x80, s22, s31, $0xb8;
	[tilespmem:$0x1B880] =	vst v63  }
0x3c: {  	_ =	swait.ge [sflag:s19], $0x2800  }
0x3d: {  	[sflag:s19] =	ssyncset.done $0x0  }
0x3e: {  	[sflag:s19] =	ssyncadd.s32 $0xFFFFD800  }
0x3f: {  	[spmem:s6] =	stream.indirect.scatter.add.f32 [tilespmem:s2], [sflag:$0x6], $0x80, s23, s31, $0xb8;
	[tilespmem:$0x1B880] =	vst v63  }
0x40: {  	_ =	swait.ge [sflag:s21], $0x2800  }
0x41: {  	[sflag:s21] =	ssyncset.done $0x0  }
0x42: {  	[sflag:s21] =	ssyncadd.s32 $0xFFFFD800  }
0x43: {  	_ =	swait.ge [sflag:s24], $0x80  }
0x44: {  	[sflag:s24] =	ssyncset.done $0x0  }
0x45: {  	[sflag:s24] =	ssyncadd.s32 $0xFFFFFF80  }
0x46: {  	_ =	swait.ge [sflag:s24], $0x80  }
0x47: {  	[sflag:s24] =	ssyncset.done $0x0  }
0x48: {  	s2 =	simm.s32 $0x180;
	[sflag:s24] =	ssyncadd.s32 $0xFFFFFF80  }
0x49: {  	[tilespmem:s18], [sflag:$0x1] =	stream.indirect.gather [hbm4b:s3+s31], $0x80, s2, s31, $0xb8;
	[tilespmem:$0x1B880] =	vst v63  }
0x4a: {  	_ =	swait.ge [sflag:s9], $0x2800  }
0x4b: {  	[sflag:s9] =	ssyncset.done $0x0  }
0x4c: {  	[sflag:s9] =	ssyncadd.s32 $0xFFFFD800  }
0x4d: {  	_ =	swait.ge [sflag:s10], $0x80  }
0x4e: {  	[sflag:s10] =	ssyncset.done $0x0  }
0x4f: {  	[sflag:s10] =	ssyncadd.s32 $0xFFFFFF80  }
0x50: {  	_ =	swait.ge [sflag:s10], $0x80  }
0x51: {  	[sflag:s10] =	ssyncset.done $0x0  }
0x52: {  	s28 =	simm.s32 $0x200;
	[sflag:s10] =	ssyncadd.s32 $0xFFFFFF80  }
0x53: {  	[tilespmem:s20], [sflag:$0x2] =	stream.indirect.gather [hbm4b:s3+s31], $0x80, s28, s31, $0xb8;
	[tilespmem:$0x1B880] =	vst v63  }
0x54: {  	_ =	swait.ge [sflag:s17], $0x2800  }
0x55: {  	[sflag:s17] =	ssyncset.done $0x0  }
0x56: {  	[sflag:s17] =	ssyncadd.s32 $0xFFFFD800  }
0x57: {  	[spmem:s6] =	stream.indirect.scatter.add.f32 [tilespmem:s18], [sflag:$0x4], $0x80, s25, s31, $0xb8;
	[tilespmem:$0x1B880] =	vst v63  }
0x58: {  	_ =	swait.ge [sflag:s5], $0x2800  }
0x59: {  	[sflag:s5] =	ssyncset.done $0x0  }
0x5a: {  	[sflag:s5] =	ssyncadd.s32 $0xFFFFD800  }
0x5b: {  	[spmem:s6] =	stream.indirect.scatter.add.f32 [tilespmem:s20], [sflag:$0x5], $0x80, s26, s31, $0xb8;
	[tilespmem:$0x1B880] =	vst v63  }
0x5c: {  	_ =	swait.ge [sflag:s21], $0x2800  }
0x5d: {  	[sflag:s21] =	ssyncset.done $0x0  }
0x5e: {  	[sflag:s21] =	ssyncadd.s32 $0xFFFFD800  }
0x5f: {  	_ =	swait.ge [sflag:s9], $0x2800  }
0x60: {  	[sflag:s9] =	ssyncset.done $0x0  }
0x61: {  	[sflag:s9] =	ssyncadd.s32 $0xFFFFD800  }
0x62: {  	_ =	swait.ge [sflag:s11], $0x2800  }
0x63: {  	[sflag:s11] =	ssyncset.done $0x0  }
0x64: {  	[sflag:s11] =	ssyncadd.s32 $0xFFFFD800  }
0x65: {  	[bflag:$0x0] =	sbarrier.arrive $0xFFFF  }
0x66: {  	s16 =	rddreg [dreg:$0x6]  }
0x67: {  	s18 =	rddreg [dreg:$0x7]  }
0x68: {  	s20 =	simm.s32 $0xD;
	s14 =	rddreg [dreg:$0xd]  }
0x69: {  	[hbm:s14], [sflag:s16] =	dma.local [spmem:s18], $0x2780  }
0x6a: {  	_ =	swait.ge [sflag:s20], $0x2780  }
0x6b: {  	s6 =	rddreg [dreg:$0x10]  }
0x6c: {  	s7 =	rddreg [dreg:$0x5];
	s0 =	sadd.s32 $0x1, s6  }
0x6d: {  	p0 =	sne.s32 s0, s7  }
.Ltmp1:
0x6e: {  	_ = 	snop;
	(pc) =	sbr.rel @!p0 .LBB2_5-.Ltmp1, $3  }
0x6f: {  	_ =	sdelay $0x1  }
0x70: {  	[sflag:s20] =	ssyncset.done $0x0  }
0x71: {  	[sflag:s20] =	ssyncadd.s32 $0xFFFFD880  }
.LBB2_1:
0x72: {  	[dreg:$0x10] =	wrdreg s0  }
0x73: {  	s14 =	rddreg [dreg:$0x4]  }
0x74: {  	[spmem:s18], [sflag:s16] =	dma.local [hbm:s14], $0x2780  }
0x75: {  	_ =	swait.ge [sflag:s20], $0x2780  }
0x76: {  	[sflag:s20] =	ssyncset.done $0x0  }
0x77: {  	[sflag:s20] =	ssyncadd.s32 $0xFFFFD880  }
0x78: {  	[bflag:$0x0] =	sbarrier.arrive $0xFFFF  }
0x79: {  	s6 =	rddreg [dreg:$0xe]  }
0x7a: {  	[tilespmem:s4], [sflag:$0x7] =	stream.linear.gather [hbm4b:s6+s4], $0x80, $0x38;
	[tilespmem:$0x1B880] =	vst v63  }
0x7b: {  	s7 =	rddreg [dreg:$0xf]  }
0x7c: {  	[tilespmem:s30], [sflag:$0x7] =	stream.linear.gather [hbm4b:s7+s4], $0x80, $0x38;
	[tilespmem:$0x1B880] =	vst v63  }
0x7d: {  	s0 =	rddreg [dreg:$0x8]  }
0x7e: {  	[tilespmem:s29], [sflag:$0x8] =	stream.linear.gather [hbm4b:s0+s4], $0x80, $0x38;
	[tilespmem:$0x1B880] =	vst v63  }
0x7f: {  	s1 =	rddreg [dreg:$0x9]  }
0x80: {  	[tilespmem:s22], [sflag:$0x8] =	stream.linear.gather [hbm4b:s1+s4], $0x80, $0x38;
	[tilespmem:$0x1B880] =	vst v63  }
0x81: {  	s3 =	rddreg [dreg:$0xa]  }
0x82: {  	[tilespmem:s8], [sflag:$0x9] =	stream.linear.gather [hbm4b:s3+s4], $0x80, $0x38;
	[tilespmem:$0x1B880] =	vst v63  }
0x83: {  	s8 =	rddreg [dreg:$0xb]  }
0x84: {  	[tilespmem:s23], [sflag:$0x9] =	stream.linear.gather [hbm4b:s8+s4], $0x80, $0x38;
	[tilespmem:$0x1B880] =	vst v63  }
0x85: {  	s16 =	rddreg [dreg:$0xc]  }
0x86: {  	[tilespmem:s2], [sflag:$0xA] =	stream.linear.gather [hbm4b:s16+s4], $0x80, $0x38;
	[tilespmem:$0x1B880] =	vst v63  }
0x87: {  	s18 =	sadd.s32 $0x30, s7  }
0x88: {  	[tilespmem:s25], [sflag:$0xA] =	stream.linear.gather [hbm4b:s18+s4], $0x80, $0x38;
	[tilespmem:$0x1B880] =	vst v63  }
0x89: {  	s20 =	sadd.s32 $0x40, s6  }
0x8a: {  	[tilespmem:s28], [sflag:$0xB] =	stream.linear.gather [hbm4b:s20+s4], $0x80, $0x38;
	[tilespmem:$0x1B880] =	vst v63  }
0x8b: {  	s14 =	simm.s32 $0x0;
	s30 =	sadd.s32 $0x50, s7;
	s25 =	sadd.s32 $0x40, s7  }
0x8c: {  	[tilespmem:s26], [sflag:$0xB] =	stream.linear.gather [hbm4b:s25+s4], $0x80, $0x38;
	[tilespmem:$0x1B880] =	vst v63  }
0x8d: {  	s0 =	simm.s32 $0x680;
	s28 =	sadd.s32 $0x50, s6;
	s6 =	simm.s32 $0x280  }
0x8e: {  	[tilespmem:s6], [sflag:$0xC] =	stream.linear.gather [hbm4b:s28+s4], $0x80, $0x38;
	[tilespmem:$0x1B880] =	vst v63  }
0x8f: {  	s16 =	simm.s32 $0x0;
	s18 =	simm.s32 $0x100;
	s20 =	simm.s32 $0x400  }
0x90: {  	[tilespmem:s15], [sflag:$0xC] =	stream.linear.gather [hbm4b:s30+s4], $0x80, $0x38;
	[tilespmem:$0x1B880] =	vst v63  }
.LBB2_2:
0x91: {  	s1 =	simm.s32 $0x7  }
0x92: {  	_ =	swait.ge [sflag:s1], $0x80  }
0x93: {  	[sflag:s1] =	ssyncset.done $0x0  }
0x94: {  	[sflag:s1] =	ssyncadd.s32 $0xFFFFFF80  }
0x95: {  	_ =	swait.ge [sflag:s1], $0x80  }
0x96: {  	[sflag:s1] =	ssyncset.done $0x0  }
0x97: {  	[sflag:s1] =	ssyncadd.s32 $0xFFFFFF80  }
0x98: {  	s8 =	simm.s32 $0x800;
	s25 =	simm.s32 $0x8;
	s3 =	rddreg [dreg:$0x0]  }
0x99: {  	[tilespmem:s8], [sflag:$0x1] =	stream.indirect.gather [hbm4b:s3+s31], $0x80, s4, s31, $0xb8;
	[tilespmem:$0x1B880] =	vst v63  }
0x9a: {  	_ =	swait.ge [sflag:s25], $0x80  }
0x9b: {  	[sflag:s25] =	ssyncset.done $0x0  }
0x9c: {  	[sflag:s25] =	ssyncadd.s32 $0xFFFFFF80  }
0x9d: {  	_ =	swait.ge [sflag:s25], $0x80  }
0x9e: {  	[sflag:s25] =	ssyncset.done $0x0  }
0x9f: {  	s1 =	simm.s32 $0x3000;
	[sflag:s25] =	ssyncadd.s32 $0xFFFFFF80  }
0xa0: {  	[tilespmem:s1], [sflag:$0x2] =	stream.indirect.gather [hbm4b:s3+s31], $0x80, s29, s31, $0xb8;
	[tilespmem:$0x1B880] =	vst v63  }
0xa1: {  	_ =	swait.ge [sflag:s13], $0x80  }
0xa2: {  	[sflag:s13] =	ssyncset.done $0x0  }
0xa3: {  	[sflag:s13] =	ssyncadd.s32 $0xFFFFFF80  }
0xa4: {  	_ =	swait.ge [sflag:s13], $0x80  }
0xa5: {  	[sflag:s13] =	ssyncset.done $0x0  }
0xa6: {  	s2 =	simm.s32 $0x5800;
	[sflag:s13] =	ssyncadd.s32 $0xFFFFFF80  }
0xa7: {  	[tilespmem:s2], [sflag:$0x3] =	stream.indirect.gather [hbm4b:s3+s31], $0x80, s18, s31, $0xb8;
	[tilespmem:$0x1B880] =	vst v63  }
0xa8: {  	_ =	swait.ge [sflag:s17], $0x2800  }
0xa9: {  	[sflag:s17] =	ssyncset.done $0x0  }
0xaa: {  	[sflag:s17] =	ssyncadd.s32 $0xFFFFD800  }
0xab: {  	s30 =	rddreg [dreg:$0x2]  }
0xac: {  	[spmem:s30] =	stream.indirect.scatter.add.f32 [tilespmem:s8], [sflag:$0x4], $0x80, s20, s31, $0xb8;
	[tilespmem:$0x1B880] =	vst v63  }
0xad: {  	_ =	swait.ge [sflag:s5], $0x2800  }
0xae: {  	[sflag:s5] =	ssyncset.done $0x0  }
0xaf: {  	[sflag:s5] =	ssyncadd.s32 $0xFFFFD800  }
0xb0: {  	[spmem:s30] =	stream.indirect.scatter.add.f32 [tilespmem:s1], [sflag:$0x5], $0x80, s22, s31, $0xb8;
	[tilespmem:$0x1B880] =	vst v63  }
0xb1: {  	_ =	swait.ge [sflag:s19], $0x2800  }
0xb2: {  	[sflag:s19] =	ssyncset.done $0x0  }
0xb3: {  	[sflag:s19] =	ssyncadd.s32 $0xFFFFD800  }
0xb4: {  	[spmem:s30] =	stream.indirect.scatter.add.f32 [tilespmem:s2], [sflag:$0x6], $0x80, s23, s31, $0xb8;
	[tilespmem:$0x1B880] =	vst v63  }
0xb5: {  	_ =	swait.ge [sflag:s21], $0x2800  }
0xb6: {  	s7 =	rddreg [dreg:$0xe]  }
0xb7: {  	[sflag:s21] =	ssyncset.done $0x0;
	s18 =	sadd.s32 s14, s7  }
0xb8: {  	s15 =	rddreg [dreg:$0xf];
	[sflag:s21] =	ssyncadd.s32 $0xFFFFD800;
	s28 =	sadd.s32 $0x60, s18  }
0xb9: {  	[tilespmem:s4], [sflag:$0x7] =	stream.linear.gather [hbm4b:s28+s4], $0x80, $0x38;
	[tilespmem:$0x1B880] =	vst v63  }
0xba: {  	s28 =	sadd.s32 s14, s15  }
0xbb: {  	s26 =	sadd.s32 $0x60, s28  }
0xbc: {  	[tilespmem:s20], [sflag:$0x7] =	stream.linear.gather [hbm4b:s26+s4], $0x80, $0x38;
	[tilespmem:$0x1B880] =	vst v63  }
0xbd: {  	_ =	swait.ge [sflag:s24], $0x80  }
0xbe: {  	[sflag:s24] =	ssyncset.done $0x0  }
0xbf: {  	[sflag:s24] =	ssyncadd.s32 $0xFFFFFF80  }
0xc0: {  	_ =	swait.ge [sflag:s24], $0x80  }
0xc1: {  	[sflag:s24] =	ssyncset.done $0x0  }
0xc2: {  	s25 =	simm.s32 $0x180;
	[sflag:s24] =	ssyncadd.s32 $0xFFFFFF80  }
0xc3: {  	[tilespmem:s8], [sflag:$0x1] =	stream.indirect.gather [hbm4b:s3+s31], $0x80, s25, s31, $0xb8;
	[tilespmem:$0x1B880] =	vst v63  }
0xc4: {  	_ =	swait.ge [sflag:s9], $0x2800  }
0xc5: {  	[sflag:s9] =	ssyncset.done $0x0  }
0xc6: {  	s22 =	simm.s32 $0x80;
	s20 =	sadd.s32 $0x70, s18;
	[sflag:s9] =	ssyncadd.s32 $0xFFFFD800  }
0xc7: {  	[tilespmem:s22], [sflag:$0x8] =	stream.linear.gather [hbm4b:s20+s4], $0x80, $0x38;
	[tilespmem:$0x1B880] =	vst v63  }
0xc8: {  	s26 =	sadd.s32 $0x70, s28;
	s22 =	simm.s32 $0x480  }
0xc9: {  	[tilespmem:s22], [sflag:$0x8] =	stream.linear.gather [hbm4b:s26+s4], $0x80, $0x38;
	[tilespmem:$0x1B880] =	vst v63  }
0xca: {  	_ =	swait.ge [sflag:s10], $0x80  }
0xcb: {  	[sflag:s10] =	ssyncset.done $0x0  }
0xcc: {  	[sflag:s10] =	ssyncadd.s32 $0xFFFFFF80  }
0xcd: {  	_ =	swait.ge [sflag:s10], $0x80  }
0xce: {  	[sflag:s10] =	ssyncset.done $0x0  }
0xcf: {  	s20 =	sand.u32 $0x7F00, s16;
	s26 =	simm.s32 $0x200;
	[sflag:s10] =	ssyncadd.s32 $0xFFFFFF80  }
0xd0: {  	[tilespmem:s1], [sflag:$0x2] =	stream.indirect.gather [hbm4b:s3+s31], $0x80, s26, s31, $0xb8;
	[tilespmem:$0x1B880] =	vst v63  }
0xd1: {  	s29 =	sadd.s32 $0x400, s20;
	_ =	swait.ge [sflag:s11], $0x2800  }
0xd2: {  	s29 =	sshrl.u32 s29, $0x3;
	[sflag:s11] =	ssyncset.done $0x0  }
0xd3: {  	s23 =	simm.s32 $0x100;
	s7 =	sadd.s32 s7, s29;
	[sflag:s11] =	ssyncadd.s32 $0xFFFFD800  }
0xd4: {  	[tilespmem:s23], [sflag:$0x9] =	stream.linear.gather [hbm4b:s7+s4], $0x80, $0x38;
	[tilespmem:$0x1B880] =	vst v63  }
0xd5: {  	s29 =	sadd.s32 s15, s29;
	s23 =	simm.s32 $0x500  }
0xd6: {  	[tilespmem:s23], [sflag:$0x9] =	stream.linear.gather [hbm4b:s29+s4], $0x80, $0x38;
	[tilespmem:$0x1B880] =	vst v63  }
0xd7: {  	_ =	swait.ge [sflag:s12], $0x80  }
0xd8: {  	[sflag:s12] =	ssyncset.done $0x0  }
0xd9: {  	[sflag:s12] =	ssyncadd.s32 $0xFFFFFF80  }
0xda: {  	_ =	swait.ge [sflag:s12], $0x80  }
0xdb: {  	[sflag:s12] =	ssyncset.done $0x0  }
0xdc: {  	[sflag:s12] =	ssyncadd.s32 $0xFFFFFF80  }
0xdd: {  	[tilespmem:s2], [sflag:$0x3] =	stream.indirect.gather [hbm4b:s3+s31], $0x80, s6, s31, $0xb8;
	[tilespmem:$0x1B880] =	vst v63  }
0xde: {  	_ =	swait.ge [sflag:s17], $0x2800  }
0xdf: {  	[sflag:s17] =	ssyncset.done $0x0  }
0xe0: {  	s6 =	simm.s32 $0x580;
	[sflag:s17] =	ssyncadd.s32 $0xFFFFD800  }
0xe1: {  	[spmem:s30] =	stream.indirect.scatter.add.f32 [tilespmem:s8], [sflag:$0x4], $0x80, s6, s31, $0xb8;
	[tilespmem:$0x1B880] =	vst v63  }
0xe2: {  	_ =	swait.ge [sflag:s5], $0x2800  }
0xe3: {  	[sflag:s5] =	ssyncset.done $0x0  }
0xe4: {  	s7 =	simm.s32 $0x600;
	[sflag:s5] =	ssyncadd.s32 $0xFFFFD800  }
0xe5: {  	[spmem:s30] =	stream.indirect.scatter.add.f32 [tilespmem:s1], [sflag:$0x5], $0x80, s7, s31, $0xb8;
	[tilespmem:$0x1B880] =	vst v63  }
0xe6: {  	_ =	swait.ge [sflag:s19], $0x2800  }
0xe7: {  	[sflag:s19] =	ssyncset.done $0x0  }
0xe8: {  	[sflag:s19] =	ssyncadd.s32 $0xFFFFD800  }
0xe9: {  	[spmem:s30] =	stream.indirect.scatter.add.f32 [tilespmem:s2], [sflag:$0x6], $0x80, s0, s31, $0xb8;
	[tilespmem:$0x1B880] =	vst v63  }
0xea: {  	_ =	swait.ge [sflag:s21], $0x2800  }
0xeb: {  	[sflag:s21] =	ssyncset.done $0x0  }
0xec: {  	s8 =	sadd.s32 $0x90, s18;
	[sflag:s21] =	ssyncadd.s32 $0xFFFFD800  }
0xed: {  	[tilespmem:s25], [sflag:$0xA] =	stream.linear.gather [hbm4b:s8+s4], $0x80, $0x38;
	[tilespmem:$0x1B880] =	vst v63  }
0xee: {  	s15 =	sadd.s32 $0x90, s28;
	s25 =	simm.s32 $0x580  }
0xef: {  	[tilespmem:s25], [sflag:$0xA] =	stream.linear.gather [hbm4b:s15+s4], $0x80, $0x38;
	[tilespmem:$0x1B880] =	vst v63  }
0xf0: {  	_ =	swait.ge [sflag:s9], $0x2800  }
0xf1: {  	[sflag:s9] =	ssyncset.done $0x0  }
0xf2: {  	p0 =	seq.s32 s14, $0x720;
	s29 =	sadd.s32 $0xA0, s18;
	[sflag:s9] =	ssyncadd.s32 $0xFFFFD800  }
0xf3: {  	[tilespmem:s26], [sflag:$0xB] =	stream.linear.gather [hbm4b:s29+s4], $0x80, $0x38;
	[tilespmem:$0x1B880] =	vst v63  }
.Ltmp2:
0xf4: {  	s30 =	sadd.s32 $0xA0, s28;
	s26 =	simm.s32 $0x600;
	(pc) =	sbr.rel @p0 .LBB2_4-.Ltmp2, $4  }
0xf5: {  	[tilespmem:s26], [sflag:$0xB] =	stream.linear.gather [hbm4b:s30+s4], $0x80, $0x38;
	[tilespmem:$0x1B880] =	vst v63  }
0xf6: {  	_ =	swait.ge [sflag:s11], $0x2800  }
0xf7: {  	[sflag:s11] =	ssyncset.done $0x0  }
0xf8: {  	s6 =	simm.s32 $0x280;
	s15 =	simm.s32 $0x680;
	[sflag:s11] =	ssyncadd.s32 $0xFFFFD800  }
0xf9: {  	s18 =	sadd.s32 $0xB0, s18  }
.Ltmp3:
0xfa: {  	s30 =	sadd.s32 $0xB0, s28;
	s16 =	sadd.s32 $0x300, s16;
	(pc) =	sbr.rel .LBB2_2-.Ltmp3, $4  }
0xfb: {  	s14 =	sadd.s32 $0x60, s14;
	s20 =	simm.s32 $0x400;
	s29 =	simm.s32 $0x80  }
0xfc: {  	[tilespmem:s6], [sflag:$0xC] =	stream.linear.gather [hbm4b:s18+s4], $0x80, $0x38;
	[tilespmem:$0x1B880] =	vst v63  }
0xfd: {  	s0 =	simm.s32 $0x680;
	s6 =	simm.s32 $0x280;
	s18 =	simm.s32 $0x100  }
0xfe: {  	[tilespmem:s15], [sflag:$0xC] =	stream.linear.gather [hbm4b:s30+s4], $0x80, $0x38;
	[tilespmem:$0x1B880] =	vst v63  }
.LBB2_5:
0xff: {  	_ =	sfence.sel $0x180000  }
0x100: {  	[bflag:$0x0] =	sbarrier.arrive $0xFFFF  }
0x101: {  	_ =	strace $0x9000004A  }
0x102: {  	s0 =	stileid.u32;
	[bflag:$0x2] =	sbarrier.arrive $0xFFFF  }
0x103: {  	p0 =	sne.s32 s0, $0x0;
	s0 =	rddreg [dreg:$0x3]  }
0x104: {  	s0 =	sadd.s32 @!p0 $0x100000, s0  }
0x105: {  	[sflag:s0] =	ssyncadd.tile.s32 @!p0 $0x1;
	_ =	shalt  }
.Lfunc_end2:
_tile_overlayer_lowered:
.L_overlay_start_2:
0x106: {  	(tag) =	ssettag $0x2  }
0x107: {  	s0 =	rddreg [dreg:$0x0];
	s2 =	stileid.u32  }
0x108: {  	s1 =	rddreg [dreg:$0x1];
	p0 =	sne.s32 s2, $0x0  }
0x109: {  	s3 =	rddreg [dreg:$0x2];
	[bflag:$0x3] =	sbarrier.arrive $0xFFFF;
	s2 =	simm.s32 @!p0 $0x1C0D  }
0x10a: {  	[timem:s3], [sflag:s2] =	dma.local @!p0 [hbm:s0], s1  }
0x10b: {  	s0 =	simm.s32 @!p0 $0xD  }
0x10c: {  	_ =	swait.ge @!p0 [sflag:s0], s1  }
0x10d: {  	s1 =	ssub.s32 @!p0 $0x0, s1;
	[sflag:s0] =	ssyncset.done @!p0 $0x0  }
0x10e: {  	[sflag:s0] =	ssyncadd.s32 @!p0 s1  }
0x10f: {  	[bflag:$0x3] =	sbarrier.arrive $0xFFFF  }
0x110: {  	_ =	shalt  }

</sc_bundles>
